<compile_context>
chip_gen: v7x
topology: tpu7x:2x2x1
jax: 0.10.2.dev20260603
libtpu: 0.0.44.dev20260713+nightly
codegen_flags: <defaults>
</compile_context>

<pallas_src>
import math

import numpy as np

import jax
import jax.numpy as jnp
from jax import lax
from jax.experimental import pallas as pl
from jax.experimental.pallas import tpu as pltpu
from jax.experimental.pallas import tpu_sc as plsc

S = 2048
DIM = 1024
NUM_HEADS = 16
HEAD_DIM = DIM // NUM_HEADS
KN = 64
DEPTH = 8
SCALE = 1.0 / math.sqrt(HEAD_DIM)

QB = 256
NB = 512
WB = 384

NW = 32
RW = S // NW
CH = 8
NEG = -1e30


def _cantor_tables():
    pos = np.arange(S, dtype=np.float64)
    x = np.clip(pos / (S - 1), 1e-06, 1.0 - 1e-06)
    val = np.zeros(S)
    factor = 0.5
    for _ in range(DEPTH):
        x = x * 3.0
        digit = np.floor(x)
        x = x - digit
        val = val + np.where(digit == 2.0, factor, 0.0)
        factor *= 0.5
    c = val.astype(np.float32)
    order = np.argsort(c, kind="stable")
    rank = np.empty(S, np.int64)
    rank[order] = np.arange(S)
    dist = np.abs(c[:, None] - c[None, :])
    dkn = np.partition(dist, KN - 1, axis=1)[:, KN - 1]
    cand = dist <= dkn[:, None]
    rk = np.where(cand, rank[None, :], S).min(axis=1)
    lo = rk.astype(np.int64)
    hi = np.where(cand, rank[None, :], -1).max(axis=1).astype(np.int64)
    lo_s, hi_s = lo[order], hi[order]
    starts = []
    for b in range(S // QB):
        l = lo_s[b * QB:(b + 1) * QB].min()
        h = hi_s[b * QB:(b + 1) * QB].max()
        st = min((l // 8) * 8, S - WB)
        assert h - st + 1 <= WB
        starts.append(st)
    return (
        order.astype(np.int32),
        rank.astype(np.int32),
        np.asarray(starts, np.int32),
    )


_ORDER_NP, _RANK_NP, _STARTS_NP = _cantor_tables()
_STARTS16_NP = np.pad(_STARTS_NP, (0, 16 - S // QB))


def _bias_body(routes_hbm, rank_hbm, starts_hbm, bias_hbm,
               rts_v, rank_v, starts_v, buf_v, sem):
    wid = lax.axis_index("s") * 2 + lax.axis_index("c")
    base = wid * RW
    blk = base // QB
    pltpu.sync_copy(rank_hbm, rank_v)
    pltpu.sync_copy(starts_hbm, starts_v)
    start_vec = plsc.load_gather(starts_v, [jnp.full((16,), blk, jnp.int32)])

    def fill(i, _):
        buf_v[pl.ds(i * 16, 16)] = jnp.full((16,), NEG, jnp.float32)
        return 0

    lax.fori_loop(0, CH * WB // 16, fill, 0)

    zeros16 = jnp.zeros((16,), jnp.float32)
    negs16 = jnp.full((16,), NEG, jnp.float32)

    def chunk(cc, _):
        row0 = base + cc * CH
        pltpu.sync_copy(routes_hbm.at[pl.ds(row0 * KN, CH * KN)], rts_v)
        for r in range(CH):
            for jj in range(KN // 16):
                rv = rts_v[pl.ds(r * KN + jj * 16, 16)]
                rk = plsc.load_gather(rank_v, [rv])
                loc = jnp.clip(rk - start_vec, 0, WB - 1) + r * WB
                plsc.store_scatter(buf_v, [loc], zeros16)
        pltpu.sync_copy(buf_v, bias_hbm.at[pl.ds(row0 * WB, CH * WB)])
        for r in range(CH):
            for jj in range(KN // 16):
                rv = rts_v[pl.ds(r * KN + jj * 16, 16)]
                rk = plsc.load_gather(rank_v, [rv])
                loc = jnp.clip(rk - start_vec, 0, WB - 1) + r * WB
                plsc.store_scatter(buf_v, [loc], negs16)
        return 0

    lax.fori_loop(0, RW // CH, chunk, 0)


def _build_bias(routes_sorted_flat):
    mesh = plsc.VectorSubcoreMesh(core_axis_name="c", subcore_axis_name="s")
    flat = pl.kernel(
        _bias_body,
        mesh=mesh,
        compiler_params=pltpu.CompilerParams(needs_layout_passes=False),
        out_type=jax.ShapeDtypeStruct((S * WB,), jnp.float32),
        scratch_types=[
            pltpu.VMEM((CH * KN,), jnp.int32),
            pltpu.VMEM((S,), jnp.int32),
            pltpu.VMEM((16,), jnp.int32),
            pltpu.VMEM((CH * WB,), jnp.float32),
            pltpu.SemaphoreType.DMA,
        ],
    )(routes_sorted_flat, jnp.asarray(_RANK_NP), jnp.asarray(_STARTS16_NP))
    return flat.reshape(S, WB)


def _qkv_body(x_ref, w_ref, b_ref, o_ref):
    o_ref[...] = (
        jnp.dot(x_ref[...], w_ref[...], preferred_element_type=jnp.float32)
        + b_ref[...]
    )


def _attn_body(starts_smem, bias_ref, qrow_ref, k_ref, v_ref, wout_ref, bout_ref, o_ref):
    i = pl.program_id(0)
    start = pl.multiple_of(starts_smem[i], 8)
    bias = bias_ref[...]
    outs = []
    for h in range(NUM_HEADS):
        q = qrow_ref[:, h * HEAD_DIM:(h + 1) * HEAD_DIM]
        k = k_ref[pl.ds(start, WB), h * HEAD_DIM:(h + 1) * HEAD_DIM]
        v = v_ref[pl.ds(start, WB), h * HEAD_DIM:(h + 1) * HEAD_DIM]
        scores = jax.lax.dot_general(
            q, k, (((1,), (1,)), ((), ())), preferred_element_type=jnp.float32
        ) * SCALE + bias
        m = jnp.max(scores, axis=1, keepdims=True)
        e = jnp.exp(scores - m)
        attn = e / jnp.sum(e, axis=1, keepdims=True)
        outs.append(jnp.dot(attn, v, preferred_element_type=jnp.float32))
    attn_out = jnp.concatenate(outs, axis=1)
    o_ref[...] = (
        jnp.dot(attn_out, wout_ref[...], preferred_element_type=jnp.float32)
        + bout_ref[...]
    )


@jax.jit
def _run(x, W_qkv, b_qkv, W_out, b_out, routes):
    order = jnp.asarray(_ORDER_NP)
    x2 = jnp.take(x.reshape(S, DIM), order, axis=0)
    routes_sorted = jnp.take(routes, order, axis=0).reshape(S * KN)
    b_qkv2 = b_qkv.reshape(1, 3 * DIM)
    b_out2 = b_out.reshape(1, DIM)

    bias = _build_bias(routes_sorted)

    qkv = pl.pallas_call(
        _qkv_body,
        grid=(S // QB, (3 * DIM) // NB),
        in_specs=[
            pl.BlockSpec((QB, DIM), lambda i, j: (i, 0)),
            pl.BlockSpec((DIM, NB), lambda i, j: (0, j)),
            pl.BlockSpec((1, NB), lambda i, j: (0, j)),
        ],
        out_specs=pl.BlockSpec((QB, NB), lambda i, j: (i, j)),
        out_shape=jax.ShapeDtypeStruct((S, 3 * DIM), jnp.float32),
    )(x2, W_qkv, b_qkv2)

    out_sorted = pl.pallas_call(
        _attn_body,
        grid=(S // QB,),
        in_specs=[
            pl.BlockSpec(memory_space=pltpu.SMEM),
            pl.BlockSpec((QB, WB), lambda i: (i, 0)),
            pl.BlockSpec((QB, DIM), lambda i: (i, 0)),
            pl.BlockSpec((S, DIM), lambda i: (0, 1)),
            pl.BlockSpec((S, DIM), lambda i: (0, 2)),
            pl.BlockSpec((DIM, DIM), lambda i: (0, 0)),
            pl.BlockSpec((1, DIM), lambda i: (0, 0)),
        ],
        out_specs=pl.BlockSpec((QB, DIM), lambda i: (i, 0)),
        out_shape=jax.ShapeDtypeStruct((S, DIM), jnp.float32),
    )(jnp.asarray(_STARTS_NP), bias, qkv, qkv, qkv, W_out, b_out2)

    out = jnp.take(out_sorted, jnp.asarray(_RANK_NP), axis=0)
    return out.reshape(1, S, DIM)


def kernel(x, W_qkv, b_qkv, W_out, b_out, routes):
    return _run(x, W_qkv, b_qkv, W_out, b_out, routes)

# --- scband reference (transcript-rebuilt; emitter-appended) ---
"""Pipeline reference for scband-cantor-attention-35837207118398 (READ-ONLY COPY).

The authoritative reference and input builder live on the scoring server;
editing this copy changes nothing except your own understanding.
"""

import jax, jax.numpy as jnp
import numpy as np
import math

B = 1
S = 2048
DIM = 1024
NUM_HEADS = 16
HEAD_DIM = DIM // NUM_HEADS
DEPTH = 8
KN = 64
SCALE = 1.0 / math.sqrt(HEAD_DIM)


def _cantor_coords(n, depth):
    pos = np.arange(n, dtype=np.float64)
    x = pos / max(1, n - 1)
    x = np.clip(x, 1e-06, 1.0 - 1e-06)
    val = np.zeros(n, dtype=np.float64)
    factor = 0.5
    for _ in range(depth):
        x = x * 3.0
        digit = np.floor(x)
        x = x - digit
        val = val + np.where(digit == 2.0, factor, 0.0)
        factor *= 0.5
    return val.astype(np.float32)


def _build_routes(n, k, depth):
    c = _cantor_coords(n, depth)
    dist = np.abs(c[:, None] - c[None, :])
    idx = np.argpartition(dist, k - 1, axis=1)[:, :k]
    return idx.astype(np.int32)


def setup_inputs(seed: int = 0) -> dict:
    key = jax.random.key(seed)
    k0, k1, k2, k3, k4 = jax.random.split(key, 5)
    x = jax.random.normal(k0, (B, S, DIM), dtype=jnp.float32)
    W_qkv = jax.random.normal(k1, (DIM, 3 * DIM), dtype=jnp.float32) * 0.02
    b_qkv = jax.random.normal(k2, (3 * DIM,), dtype=jnp.float32) * 0.02
    W_out = jax.random.normal(k3, (DIM, DIM), dtype=jnp.float32) * 0.02
    b_out = jax.random.normal(k4, (DIM,), dtype=jnp.float32) * 0.02
    routes = jnp.asarray(_build_routes(S, KN, DEPTH))
    return {"x": x, "W_qkv": W_qkv, "b_qkv": b_qkv, "W_out": W_out, "b_out": b_out, "routes": routes}


def reference(x, W_qkv, b_qkv, W_out, b_out, routes):
    # QKV projection
    qkv = x @ W_qkv + b_qkv  # (B, S, 3*DIM)
    q, k, v = jnp.split(qkv, 3, axis=-1)

    def to_heads(t):
        return t.reshape(B, S, NUM_HEADS, HEAD_DIM).transpose(0, 2, 1, 3)

    q = to_heads(q)  # (B, H, S, hd)
    k = to_heads(k)
    v = to_heads(v)
    # Gather k/v at Cantor-route neighbor positions
    k_g = jnp.take(k, routes, axis=2)  # (B, H, S, KN, hd)
    v_g = jnp.take(v, routes, axis=2)  # (B, H, S, KN, hd)
    scores = jnp.einsum('bhqd,bhqkd->bhqk', q, k_g) * SCALE
    attn = jax.nn.softmax(scores, axis=-1)
    # dropout p=0.0 in eval -> identity
    out = jnp.einsum('bhqk,bhqkd->bhqd', attn, v_g)  # (B, H, S, hd)
    out = out.transpose(0, 2, 1, 3).reshape(B, S, DIM)
    out = out @ W_out + b_out
    return out

if __name__ == "__main__":
    import jax
    _d = setup_inputs()
    print(jax.jit(kernel)(*tuple(_d.values())))

</pallas_src>

<mosaic_0001>
#map = affine_map<(d0, d1) -> (0)>
module attributes {stable_mosaic.version = 14 : i64} {
  func.func @_bias_body(%arg0: i32, %arg1: i32, %arg2: memref<131072xi32, #tpu.memory_space<hbm>>, %arg3: memref<2048xi32, #tpu.memory_space<hbm>>, %arg4: memref<16xi32, #tpu.memory_space<hbm>>, %arg5: memref<786432xf32, #tpu.memory_space<hbm>>, %arg6: memref<512xi32, #tpu.memory_space<vmem>>, %arg7: memref<2048xi32, #tpu.memory_space<vmem>>, %arg8: memref<16xi32, #tpu.memory_space<vmem>>, %arg9: memref<3072xf32, #tpu.memory_space<vmem>>, %arg10: memref<!tpu.dma_semaphore, #tpu.memory_space<semaphore_mem>>) attributes {dimension_semantics = [#tpu.dimension_semantics<core_parallel>, #tpu.dimension_semantics<subcore_parallel>], iteration_bounds = array<i64: 2, 16>, scalar_prefetch = 0 : i64, scratch_operands = 5 : i64, tpu.core_type = #tpu.core_type<sc_vector_subcore>, window_params = [{transform_indices = #map}, {transform_indices = #map}, {transform_indices = #map}, {transform_indices = #map}]} {
    %mul3A = arith.constant 2 : i32
    %mul3A_0 = arith.muli %arg1, %mul3A : i32
    %add3A = arith.addi %mul3A_0, %arg0 : i32
    %mul3A_1 = arith.constant 64 : i32
    %mul3A_2 = arith.muli %add3A, %mul3A_1 : i32
    %jit3A = arith.constant 256 : i32
    %div3A = arith.divsi %mul3A_2, %jit3A : i32
    %sign3A = arith.constant 0 : i32
    %sign3A_3 = arith.cmpi sgt, %mul3A_2, %sign3A : i32
    %sign3A_4 = arith.extui %sign3A_3 : i1 to i32
    %sign3A_5 = arith.constant 0 : i32
    %sign3A_6 = arith.cmpi slt, %mul3A_2, %sign3A_5 : i32
    %sign3A_7 = arith.extui %sign3A_6 : i1 to i32
    %sign3A_8 = arith.subi %sign3A_4, %sign3A_7 : i32
    %sign3A_9 = arith.constant 0 : i32
    %sign3A_10 = arith.cmpi sgt, %jit3A, %sign3A_9 : i32
    %sign3A_11 = arith.extui %sign3A_10 : i1 to i32
    %sign3A_12 = arith.constant 0 : i32
    %sign3A_13 = arith.cmpi slt, %jit3A, %sign3A_12 : i32
    %sign3A_14 = arith.extui %sign3A_13 : i1 to i32
    %sign3A_15 = arith.subi %sign3A_11, %sign3A_14 : i32
    %ne3A = arith.cmpi ne, %sign3A_8, %sign3A_15 : i32
    %rem3A = arith.remsi %mul3A_2, %jit3A : i32
    %ne3A_16 = arith.constant 0 : i32
    %ne3A_17 = arith.cmpi ne, %rem3A, %ne3A_16 : i32
    %and3A = arith.andi %ne3A, %ne3A_17 : i1
    %sub3A = arith.constant 1 : i32
    %sub3A_18 = arith.subi %div3A, %sub3A : i32
    %select_n3A = arith.select %and3A, %sub3A_18, %div3A : i32
    "tpu.region"() ({
      %run_scoped3A = tpu.sem_alloc : memref<!tpu.dma_semaphore, #tpu.memory_space<semaphore_mem>>
      tpu.enqueue_dma source(%arg3 : memref<2048xi32, #tpu.memory_space<hbm>>) target(%arg7 : memref<2048xi32, #tpu.memory_space<vmem>>) target_semaphore(%run_scoped3A : memref<!tpu.dma_semaphore, #tpu.memory_space<semaphore_mem>>)
      tpu.wait_dma2 semaphore(%run_scoped3A : memref<!tpu.dma_semaphore, #tpu.memory_space<semaphore_mem>>) src(%arg3 : memref<2048xi32, #tpu.memory_space<hbm>>) dst(%arg7 : memref<2048xi32, #tpu.memory_space<vmem>>)
      tpu.yield
    }) : () -> ()
    "tpu.region"() ({
      %run_scoped3A = tpu.sem_alloc : memref<!tpu.dma_semaphore, #tpu.memory_space<semaphore_mem>>
      tpu.enqueue_dma source(%arg4 : memref<16xi32, #tpu.memory_space<hbm>>) target(%arg8 : memref<16xi32, #tpu.memory_space<vmem>>) target_semaphore(%run_scoped3A : memref<!tpu.dma_semaphore, #tpu.memory_space<semaphore_mem>>)
      tpu.wait_dma2 semaphore(%run_scoped3A : memref<!tpu.dma_semaphore, #tpu.memory_space<semaphore_mem>>) src(%arg4 : memref<16xi32, #tpu.memory_space<hbm>>) dst(%arg8 : memref<16xi32, #tpu.memory_space<vmem>>)
      tpu.yield
    }) : () -> ()
    %broadcast_in_dim3A = vector.broadcast %select_n3A : i32 to vector<16xi32>
    %gather3A = tpu.vector_load_idx %arg8[%broadcast_in_dim3A] : memref<16xi32, #tpu.memory_space<vmem>>[vector<16xi32>], vector<16xi32>,
    %scan3A = arith.constant 0 : i32
    %scan3A_19 = arith.constant 0 : i32
    %scan3A_20 = arith.constant 192 : i32
    %scan3A_21 = arith.addi %scan3A_19, %scan3A_20 : i32
    %scan3A_22 = arith.constant 1 : i32
    %scan3A_23 = scf.for %scan3A_36 = %scan3A_19 to %scan3A_21 step %scan3A_22 iter_args(%scan3A_37 = %scan3A) -> (i32)  : i32 {
      %broadcast_in_dim3A_38 = arith.constant -1.000000e+30 : f32
      %broadcast_in_dim3A_39 = vector.broadcast %broadcast_in_dim3A_38 : f32 to vector<16xf32>
      %mul3A_40 = arith.constant 16 : i32
      %mul3A_41 = arith.muli %scan3A_36, %mul3A_40 : i32
      %swap3A = arith.index_cast %mul3A_41 : i32 to index
      %swap3A_42 = tpu.vector_load %arg9[%swap3A] {strides = array<i32>} : memref<3072xf32, #tpu.memory_space<vmem>>, vector<16xf32>,
      tpu.vector_store %arg9[%swap3A], %broadcast_in_dim3A_39 {strides = array<i32>} : memref<3072xf32, #tpu.memory_space<vmem>>, vector<16xf32>,
      %scan3A_43 = arith.constant 0 : i32
      scf.yield %scan3A_43 : i32
    }
    %scan3A_24 = arith.constant 192 : i32
    %broadcast_in_dim3A_25 = arith.constant 0.000000e+00 : f32
    %broadcast_in_dim3A_26 = vector.broadcast %broadcast_in_dim3A_25 : f32 to vector<16xf32>
    %broadcast_in_dim3A_27 = arith.constant -1.000000e+30 : f32
    %broadcast_in_dim3A_28 = vector.broadcast %broadcast_in_dim3A_27 : f32 to vector<16xf32>
    %scan3A_29 = arith.constant 0 : i32
    %scan3A_30 = arith.constant 0 : i32
    %scan3A_31 = arith.constant 8 : i32
    %scan3A_32 = arith.addi %scan3A_30, %scan3A_31 : i32
    %scan3A_33 = arith.constant 1 : i32
    %scan3A_34 = scf.for %scan3A_36 = %scan3A_30 to %scan3A_32 step %scan3A_33 iter_args(%scan3A_37 = %scan3A_29) -> (i32)  : i32 {
      %mul3A_38 = arith.constant 8 : i32
      %mul3A_39 = arith.muli %scan3A_36, %mul3A_38 : i32
      %add3A_40 = arith.addi %mul3A_2, %mul3A_39 : i32
      %mul3A_41 = arith.constant 64 : i32
      %mul3A_42 = arith.muli %add3A_40, %mul3A_41 : i32
      "tpu.region"() ({
        %run_scoped3A = tpu.sem_alloc : memref<!tpu.dma_semaphore, #tpu.memory_space<semaphore_mem>>
        %dma_start3A = tpu.memref_slice %arg2[%mul3A_42] : memref<131072xi32, #tpu.memory_space<hbm>> -> memref<512xi32, #tpu.memory_space<hbm>>
        %dma_start3A_875 = tpu.memref_slice %arg2[%mul3A_42] : memref<131072xi32, #tpu.memory_space<hbm>> -> memref<512xi32, #tpu.memory_space<hbm>>
        tpu.enqueue_dma source(%dma_start3A_875 : memref<512xi32, #tpu.memory_space<hbm>>) target(%arg6 : memref<512xi32, #tpu.memory_space<vmem>>) target_semaphore(%run_scoped3A : memref<!tpu.dma_semaphore, #tpu.memory_space<semaphore_mem>>)
        %dma_wait3A = tpu.memref_slice %arg2[%mul3A_42] : memref<131072xi32, #tpu.memory_space<hbm>> -> memref<512xi32, #tpu.memory_space<hbm>>
        %dma_wait3A_876 = tpu.memref_slice %arg2[%mul3A_42] : memref<131072xi32, #tpu.memory_space<hbm>> -> memref<512xi32, #tpu.memory_space<hbm>>
        tpu.wait_dma2 semaphore(%run_scoped3A : memref<!tpu.dma_semaphore, #tpu.memory_space<semaphore_mem>>) src(%dma_wait3A_876 : memref<512xi32, #tpu.memory_space<hbm>>) dst(%arg6 : memref<512xi32, #tpu.memory_space<vmem>>)
        tpu.yield
      }) : () -> ()
      %get3A = arith.constant 0 : index
      %get3A_43 = tpu.vector_load %arg6[%get3A] {strides = array<i32>} : memref<512xi32, #tpu.memory_space<vmem>>, vector<16xi32>,
      %gather3A_44 = tpu.vector_load_idx %arg7[%get3A_43] : memref<2048xi32, #tpu.memory_space<vmem>>[vector<16xi32>], vector<16xi32>,
      %sub3A_45 = arith.subi %gather3A_44, %gather3A : vector<16xi32>
      %jit3A_46 = arith.constant 0 : i32
      %jit3A_47 = arith.constant 383 : i32
      %max3A = vector.broadcast %jit3A_46 : i32 to vector<16xi32>
      %max3A_48 = arith.maxsi %max3A, %sub3A_45 : vector<16xi32>
      %min3A = vector.broadcast %jit3A_47 : i32 to vector<16xi32>
      %min3A_49 = arith.minsi %min3A, %max3A_48 : vector<16xi32>
      %add3A_50 = arith.constant 0 : i32
      %add3A_51 = vector.broadcast %add3A_50 : i32 to vector<16xi32>
      %add3A_52 = arith.addi %min3A_49, %add3A_51 : vector<16xi32>
      tpu.vector_store_idx %arg9[%add3A_52], %broadcast_in_dim3A_26 : memref<3072xf32, #tpu.memory_space<vmem>>[vector<16xi32>], vector<16xf32>,
      %get3A_53 = arith.constant 16 : index
      %get3A_54 = tpu.vector_load %arg6[%get3A_53] {strides = array<i32>} : memref<512xi32, #tpu.memory_space<vmem>>, vector<16xi32>,
      %gather3A_55 = tpu.vector_load_idx %arg7[%get3A_54] : memref<2048xi32, #tpu.memory_space<vmem>>[vector<16xi32>], vector<16xi32>,
      %sub3A_56 = arith.subi %gather3A_55, %gather3A : vector<16xi32>
      %jit3A_57 = arith.constant 0 : i32
      %jit3A_58 = arith.constant 383 : i32
      %max3A_59 = vector.broadcast %jit3A_57 : i32 to vector<16xi32>
      %max3A_60 = arith.maxsi %max3A_59, %sub3A_56 : vector<16xi32>
      %min3A_61 = vector.broadcast %jit3A_58 : i32 to vector<16xi32>
      %min3A_62 = arith.minsi %min3A_61, %max3A_60 : vector<16xi32>
      %add3A_63 = arith.constant 0 : i32
      %add3A_64 = vector.broadcast %add3A_63 : i32 to vector<16xi32>
      %add3A_65 = arith.addi %min3A_62, %add3A_64 : vector<16xi32>
      tpu.vector_store_idx %arg9[%add3A_65], %broadcast_in_dim3A_26 : memref<3072xf32, #tpu.memory_space<vmem>>[vector<16xi32>], vector<16xf32>,
      %get3A_66 = arith.constant 32 : index
      %get3A_67 = tpu.vector_load %arg6[%get3A_66] {strides = array<i32>} : memref<512xi32, #tpu.memory_space<vmem>>, vector<16xi32>,
      %gather3A_68 = tpu.vector_load_idx %arg7[%get3A_67] : memref<2048xi32, #tpu.memory_space<vmem>>[vector<16xi32>], vector<16xi32>,
      %sub3A_69 = arith.subi %gather3A_68, %gather3A : vector<16xi32>
      %jit3A_70 = arith.constant 0 : i32
      %jit3A_71 = arith.constant 383 : i32
      %max3A_72 = vector.broadcast %jit3A_70 : i32 to vector<16xi32>
      %max3A_73 = arith.maxsi %max3A_72, %sub3A_69 : vector<16xi32>
      %min3A_74 = vector.broadcast %jit3A_71 : i32 to vector<16xi32>
      %min3A_75 = arith.minsi %min3A_74, %max3A_73 : vector<16xi32>
      %add3A_76 = arith.constant 0 : i32
      %add3A_77 = vector.broadcast %add3A_76 : i32 to vector<16xi32>
      %add3A_78 = arith.addi %min3A_75, %add3A_77 : vector<16xi32>
      tpu.vector_store_idx %arg9[%add3A_78], %broadcast_in_dim3A_26 : memref<3072xf32, #tpu.memory_space<vmem>>[vector<16xi32>], vector<16xf32>,
      %get3A_79 = arith.constant 48 : index
      %get3A_80 = tpu.vector_load %arg6[%get3A_79] {strides = array<i32>} : memref<512xi32, #tpu.memory_space<vmem>>, vector<16xi32>,
      %gather3A_81 = tpu.vector_load_idx %arg7[%get3A_80] : memref<2048xi32, #tpu.memory_space<vmem>>[vector<16xi32>], vector<16xi32>,
      %sub3A_82 = arith.subi %gather3A_81, %gather3A : vector<16xi32>
      %jit3A_83 = arith.constant 0 : i32
      %jit3A_84 = arith.constant 383 : i32
      %max3A_85 = vector.broadcast %jit3A_83 : i32 to vector<16xi32>
      %max3A_86 = arith.maxsi %max3A_85, %sub3A_82 : vector<16xi32>
      %min3A_87 = vector.broadcast %jit3A_84 : i32 to vector<16xi32>
      %min3A_88 = arith.minsi %min3A_87, %max3A_86 : vector<16xi32>
      %add3A_89 = arith.constant 0 : i32
      %add3A_90 = vector.broadcast %add3A_89 : i32 to vector<16xi32>
      %add3A_91 = arith.addi %min3A_88, %add3A_90 : vector<16xi32>
      tpu.vector_store_idx %arg9[%add3A_91], %broadcast_in_dim3A_26 : memref<3072xf32, #tpu.memory_space<vmem>>[vector<16xi32>], vector<16xf32>,
      %get3A_92 = arith.constant 64 : index
      %get3A_93 = tpu.vector_load %arg6[%get3A_92] {strides = array<i32>} : memref<512xi32, #tpu.memory_space<vmem>>, vector<16xi32>,
      %gather3A_94 = tpu.vector_load_idx %arg7[%get3A_93] : memref<2048xi32, #tpu.memory_space<vmem>>[vector<16xi32>], vector<16xi32>,
      %sub3A_95 = arith.subi %gather3A_94, %gather3A : vector<16xi32>
      %jit3A_96 = arith.constant 0 : i32
      %jit3A_97 = arith.constant 383 : i32
      %max3A_98 = vector.broadcast %jit3A_96 : i32 to vector<16xi32>
      %max3A_99 = arith.maxsi %max3A_98, %sub3A_95 : vector<16xi32>
      %min3A_100 = vector.broadcast %jit3A_97 : i32 to vector<16xi32>
      %min3A_101 = arith.minsi %min3A_100, %max3A_99 : vector<16xi32>
      %add3A_102 = arith.constant 384 : i32
      %add3A_103 = vector.broadcast %add3A_102 : i32 to vector<16xi32>
      %add3A_104 = arith.addi %min3A_101, %add3A_103 : vector<16xi32>
      tpu.vector_store_idx %arg9[%add3A_104], %broadcast_in_dim3A_26 : memref<3072xf32, #tpu.memory_space<vmem>>[vector<16xi32>], vector<16xf32>,
      %get3A_105 = arith.constant 80 : index
      %get3A_106 = tpu.vector_load %arg6[%get3A_105] {strides = array<i32>} : memref<512xi32, #tpu.memory_space<vmem>>, vector<16xi32>,
      %gather3A_107 = tpu.vector_load_idx %arg7[%get3A_106] : memref<2048xi32, #tpu.memory_space<vmem>>[vector<16xi32>], vector<16xi32>,
      %sub3A_108 = arith.subi %gather3A_107, %gather3A : vector<16xi32>
      %jit3A_109 = arith.constant 0 : i32
      %jit3A_110 = arith.constant 383 : i32
      %max3A_111 = vector.broadcast %jit3A_109 : i32 to vector<16xi32>
      %max3A_112 = arith.maxsi %max3A_111, %sub3A_108 : vector<16xi32>
      %min3A_113 = vector.broadcast %jit3A_110 : i32 to vector<16xi32>
      %min3A_114 = arith.minsi %min3A_113, %max3A_112 : vector<16xi32>
      %add3A_115 = arith.constant 384 : i32
      %add3A_116 = vector.broadcast %add3A_115 : i32 to vector<16xi32>
      %add3A_117 = arith.addi %min3A_114, %add3A_116 : vector<16xi32>
      tpu.vector_store_idx %arg9[%add3A_117], %broadcast_in_dim3A_26 : memref<3072xf32, #tpu.memory_space<vmem>>[vector<16xi32>], vector<16xf32>,
      %get3A_118 = arith.constant 96 : index
      %get3A_119 = tpu.vector_load %arg6[%get3A_118] {strides = array<i32>} : memref<512xi32, #tpu.memory_space<vmem>>, vector<16xi32>,
      %gather3A_120 = tpu.vector_load_idx %arg7[%get3A_119] : memref<2048xi32, #tpu.memory_space<vmem>>[vector<16xi32>], vector<16xi32>,
      %sub3A_121 = arith.subi %gather3A_120, %gather3A : vector<16xi32>
      %jit3A_122 = arith.constant 0 : i32
      %jit3A_123 = arith.constant 383 : i32
      %max3A_124 = vector.broadcast %jit3A_122 : i32 to vector<16xi32>
      %max3A_125 = arith.maxsi %max3A_124, %sub3A_121 : vector<16xi32>
      %min3A_126 = vector.broadcast %jit3A_123 : i32 to vector<16xi32>
      %min3A_127 = arith.minsi %min3A_126, %max3A_125 : vector<16xi32>
      %add3A_128 = arith.constant 384 : i32
      %add3A_129 = vector.broadcast %add3A_128 : i32 to vector<16xi32>
      %add3A_130 = arith.addi %min3A_127, %add3A_129 : vector<16xi32>
      tpu.vector_store_idx %arg9[%add3A_130], %broadcast_in_dim3A_26 : memref<3072xf32, #tpu.memory_space<vmem>>[vector<16xi32>], vector<16xf32>,
      %get3A_131 = arith.constant 112 : index
      %get3A_132 = tpu.vector_load %arg6[%get3A_131] {strides = array<i32>} : memref<512xi32, #tpu.memory_space<vmem>>, vector<16xi32>,
      %gather3A_133 = tpu.vector_load_idx %arg7[%get3A_132] : memref<2048xi32, #tpu.memory_space<vmem>>[vector<16xi32>], vector<16xi32>,
      %sub3A_134 = arith.subi %gather3A_133, %gather3A : vector<16xi32>
      %jit3A_135 = arith.constant 0 : i32
      %jit3A_136 = arith.constant 383 : i32
      %max3A_137 = vector.broadcast %jit3A_135 : i32 to vector<16xi32>
      %max3A_138 = arith.maxsi %max3A_137, %sub3A_134 : vector<16xi32>
      %min3A_139 = vector.broadcast %jit3A_136 : i32 to vector<16xi32>
      %min3A_140 = arith.minsi %min3A_139, %max3A_138 : vector<16xi32>
      %add3A_141 = arith.constant 384 : i32
      %add3A_142 = vector.broadcast %add3A_141 : i32 to vector<16xi32>
      %add3A_143 = arith.addi %min3A_140, %add3A_142 : vector<16xi32>
      tpu.vector_store_idx %arg9[%add3A_143], %broadcast_in_dim3A_26 : memref<3072xf32, #tpu.memory_space<vmem>>[vector<16xi32>], vector<16xf32>,
      %get3A_144 = arith.constant 128 : index
      %get3A_145 = tpu.vector_load %arg6[%get3A_144] {strides = array<i32>} : memref<512xi32, #tpu.memory_space<vmem>>, vector<16xi32>,
      %gather3A_146 = tpu.vector_load_idx %arg7[%get3A_145] : memref<2048xi32, #tpu.memory_space<vmem>>[vector<16xi32>], vector<16xi32>,
      %sub3A_147 = arith.subi %gather3A_146, %gather3A : vector<16xi32>
      %jit3A_148 = arith.constant 0 : i32
      %jit3A_149 = arith.constant 383 : i32
      %max3A_150 = vector.broadcast %jit3A_148 : i32 to vector<16xi32>
      %max3A_151 = arith.maxsi %max3A_150, %sub3A_147 : vector<16xi32>
      %min3A_152 = vector.broadcast %jit3A_149 : i32 to vector<16xi32>
      %min3A_153 = arith.minsi %min3A_152, %max3A_151 : vector<16xi32>
      %add3A_154 = arith.constant 768 : i32
      %add3A_155 = vector.broadcast %add3A_154 : i32 to vector<16xi32>
      %add3A_156 = arith.addi %min3A_153, %add3A_155 : vector<16xi32>
      tpu.vector_store_idx %arg9[%add3A_156], %broadcast_in_dim3A_26 : memref<3072xf32, #tpu.memory_space<vmem>>[vector<16xi32>], vector<16xf32>,
      %get3A_157 = arith.constant 144 : index
      %get3A_158 = tpu.vector_load %arg6[%get3A_157] {strides = array<i32>} : memref<512xi32, #tpu.memory_space<vmem>>, vector<16xi32>,
      %gather3A_159 = tpu.vector_load_idx %arg7[%get3A_158] : memref<2048xi32, #tpu.memory_space<vmem>>[vector<16xi32>], vector<16xi32>,
      %sub3A_160 = arith.subi %gather3A_159, %gather3A : vector<16xi32>
      %jit3A_161 = arith.constant 0 : i32
      %jit3A_162 = arith.constant 383 : i32
      %max3A_163 = vector.broadcast %jit3A_161 : i32 to vector<16xi32>
      %max3A_164 = arith.maxsi %max3A_163, %sub3A_160 : vector<16xi32>
      %min3A_165 = vector.broadcast %jit3A_162 : i32 to vector<16xi32>
      %min3A_166 = arith.minsi %min3A_165, %max3A_164 : vector<16xi32>
      %add3A_167 = arith.constant 768 : i32
      %add3A_168 = vector.broadcast %add3A_167 : i32 to vector<16xi32>
      %add3A_169 = arith.addi %min3A_166, %add3A_168 : vector<16xi32>
      tpu.vector_store_idx %arg9[%add3A_169], %broadcast_in_dim3A_26 : memref<3072xf32, #tpu.memory_space<vmem>>[vector<16xi32>], vector<16xf32>,
      %get3A_170 = arith.constant 160 : index
      %get3A_171 = tpu.vector_load %arg6[%get3A_170] {strides = array<i32>} : memref<512xi32, #tpu.memory_space<vmem>>, vector<16xi32>,
      %gather3A_172 = tpu.vector_load_idx %arg7[%get3A_171] : memref<2048xi32, #tpu.memory_space<vmem>>[vector<16xi32>], vector<16xi32>,
      %sub3A_173 = arith.subi %gather3A_172, %gather3A : vector<16xi32>
      %jit3A_174 = arith.constant 0 : i32
      %jit3A_175 = arith.constant 383 : i32
      %max3A_176 = vector.broadcast %jit3A_174 : i32 to vector<16xi32>
      %max3A_177 = arith.maxsi %max3A_176, %sub3A_173 : vector<16xi32>
      %min3A_178 = vector.broadcast %jit3A_175 : i32 to vector<16xi32>
      %min3A_179 = arith.minsi %min3A_178, %max3A_177 : vector<16xi32>
      %add3A_180 = arith.constant 768 : i32
      %add3A_181 = vector.broadcast %add3A_180 : i32 to vector<16xi32>
      %add3A_182 = arith.addi %min3A_179, %add3A_181 : vector<16xi32>
      tpu.vector_store_idx %arg9[%add3A_182], %broadcast_in_dim3A_26 : memref<3072xf32, #tpu.memory_space<vmem>>[vector<16xi32>], vector<16xf32>,
      %get3A_183 = arith.constant 176 : index
      %get3A_184 = tpu.vector_load %arg6[%get3A_183] {strides = array<i32>} : memref<512xi32, #tpu.memory_space<vmem>>, vector<16xi32>,
      %gather3A_185 = tpu.vector_load_idx %arg7[%get3A_184] : memref<2048xi32, #tpu.memory_space<vmem>>[vector<16xi32>], vector<16xi32>,
      %sub3A_186 = arith.subi %gather3A_185, %gather3A : vector<16xi32>
      %jit3A_187 = arith.constant 0 : i32
      %jit3A_188 = arith.constant 383 : i32
      %max3A_189 = vector.broadcast %jit3A_187 : i32 to vector<16xi32>
      %max3A_190 = arith.maxsi %max3A_189, %sub3A_186 : vector<16xi32>
      %min3A_191 = vector.broadcast %jit3A_188 : i32 to vector<16xi32>
      %min3A_192 = arith.minsi %min3A_191, %max3A_190 : vector<16xi32>
      %add3A_193 = arith.constant 768 : i32
      %add3A_194 = vector.broadcast %add3A_193 : i32 to vector<16xi32>
      %add3A_195 = arith.addi %min3A_192, %add3A_194 : vector<16xi32>
      tpu.vector_store_idx %arg9[%add3A_195], %broadcast_in_dim3A_26 : memref<3072xf32, #tpu.memory_space<vmem>>[vector<16xi32>], vector<16xf32>,
      %get3A_196 = arith.constant 192 : index
      %get3A_197 = tpu.vector_load %arg6[%get3A_196] {strides = array<i32>} : memref<512xi32, #tpu.memory_space<vmem>>, vector<16xi32>,
      %gather3A_198 = tpu.vector_load_idx %arg7[%get3A_197] : memref<2048xi32, #tpu.memory_space<vmem>>[vector<16xi32>], vector<16xi32>,
      %sub3A_199 = arith.subi %gather3A_198, %gather3A : vector<16xi32>
      %jit3A_200 = arith.constant 0 : i32
      %jit3A_201 = arith.constant 383 : i32
      %max3A_202 = vector.broadcast %jit3A_200 : i32 to vector<16xi32>
      %max3A_203 = arith.maxsi %max3A_202, %sub3A_199 : vector<16xi32>
      %min3A_204 = vector.broadcast %jit3A_201 : i32 to vector<16xi32>
      %min3A_205 = arith.minsi %min3A_204, %max3A_203 : vector<16xi32>
      %add3A_206 = arith.constant 1152 : i32
      %add3A_207 = vector.broadcast %add3A_206 : i32 to vector<16xi32>
      %add3A_208 = arith.addi %min3A_205, %add3A_207 : vector<16xi32>
      tpu.vector_store_idx %arg9[%add3A_208], %broadcast_in_dim3A_26 : memref<3072xf32, #tpu.memory_space<vmem>>[vector<16xi32>], vector<16xf32>,
      %get3A_209 = arith.constant 208 : index
      %get3A_210 = tpu.vector_load %arg6[%get3A_209] {strides = array<i32>} : memref<512xi32, #tpu.memory_space<vmem>>, vector<16xi32>,
      %gather3A_211 = tpu.vector_load_idx %arg7[%get3A_210] : memref<2048xi32, #tpu.memory_space<vmem>>[vector<16xi32>], vector<16xi32>,
      %sub3A_212 = arith.subi %gather3A_211, %gather3A : vector<16xi32>
      %jit3A_213 = arith.constant 0 : i32
      %jit3A_214 = arith.constant 383 : i32
      %max3A_215 = vector.broadcast %jit3A_213 : i32 to vector<16xi32>
      %max3A_216 = arith.maxsi %max3A_215, %sub3A_212 : vector<16xi32>
      %min3A_217 = vector.broadcast %jit3A_214 : i32 to vector<16xi32>
      %min3A_218 = arith.minsi %min3A_217, %max3A_216 : vector<16xi32>
      %add3A_219 = arith.constant 1152 : i32
      %add3A_220 = vector.broadcast %add3A_219 : i32 to vector<16xi32>
      %add3A_221 = arith.addi %min3A_218, %add3A_220 : vector<16xi32>
      tpu.vector_store_idx %arg9[%add3A_221], %broadcast_in_dim3A_26 : memref<3072xf32, #tpu.memory_space<vmem>>[vector<16xi32>], vector<16xf32>,
      %get3A_222 = arith.constant 224 : index
      %get3A_223 = tpu.vector_load %arg6[%get3A_222] {strides = array<i32>} : memref<512xi32, #tpu.memory_space<vmem>>, vector<16xi32>,
      %gather3A_224 = tpu.vector_load_idx %arg7[%get3A_223] : memref<2048xi32, #tpu.memory_space<vmem>>[vector<16xi32>], vector<16xi32>,
      %sub3A_225 = arith.subi %gather3A_224, %gather3A : vector<16xi32>
      %jit3A_226 = arith.constant 0 : i32
      %jit3A_227 = arith.constant 383 : i32
      %max3A_228 = vector.broadcast %jit3A_226 : i32 to vector<16xi32>
      %max3A_229 = arith.maxsi %max3A_228, %sub3A_225 : vector<16xi32>
      %min3A_230 = vector.broadcast %jit3A_227 : i32 to vector<16xi32>
      %min3A_231 = arith.minsi %min3A_230, %max3A_229 : vector<16xi32>
      %add3A_232 = arith.constant 1152 : i32
      %add3A_233 = vector.broadcast %add3A_232 : i32 to vector<16xi32>
      %add3A_234 = arith.addi %min3A_231, %add3A_233 : vector<16xi32>
      tpu.vector_store_idx %arg9[%add3A_234], %broadcast_in_dim3A_26 : memref<3072xf32, #tpu.memory_space<vmem>>[vector<16xi32>], vector<16xf32>,
      %get3A_235 = arith.constant 240 : index
      %get3A_236 = tpu.vector_load %arg6[%get3A_235] {strides = array<i32>} : memref<512xi32, #tpu.memory_space<vmem>>, vector<16xi32>,
      %gather3A_237 = tpu.vector_load_idx %arg7[%get3A_236] : memref<2048xi32, #tpu.memory_space<vmem>>[vector<16xi32>], vector<16xi32>,
      %sub3A_238 = arith.subi %gather3A_237, %gather3A : vector<16xi32>
      %jit3A_239 = arith.constant 0 : i32
      %jit3A_240 = arith.constant 383 : i32
      %max3A_241 = vector.broadcast %jit3A_239 : i32 to vector<16xi32>
      %max3A_242 = arith.maxsi %max3A_241, %sub3A_238 : vector<16xi32>
      %min3A_243 = vector.broadcast %jit3A_240 : i32 to vector<16xi32>
      %min3A_244 = arith.minsi %min3A_243, %max3A_242 : vector<16xi32>
      %add3A_245 = arith.constant 1152 : i32
      %add3A_246 = vector.broadcast %add3A_245 : i32 to vector<16xi32>
      %add3A_247 = arith.addi %min3A_244, %add3A_246 : vector<16xi32>
      tpu.vector_store_idx %arg9[%add3A_247], %broadcast_in_dim3A_26 : memref<3072xf32, #tpu.memory_space<vmem>>[vector<16xi32>], vector<16xf32>,
      %get3A_248 = arith.constant 256 : index
      %get3A_249 = tpu.vector_load %arg6[%get3A_248] {strides = array<i32>} : memref<512xi32, #tpu.memory_space<vmem>>, vector<16xi32>,
      %gather3A_250 = tpu.vector_load_idx %arg7[%get3A_249] : memref<2048xi32, #tpu.memory_space<vmem>>[vector<16xi32>], vector<16xi32>,
      %sub3A_251 = arith.subi %gather3A_250, %gather3A : vector<16xi32>
      %jit3A_252 = arith.constant 0 : i32
      %jit3A_253 = arith.constant 383 : i32
      %max3A_254 = vector.broadcast %jit3A_252 : i32 to vector<16xi32>
      %max3A_255 = arith.maxsi %max3A_254, %sub3A_251 : vector<16xi32>
      %min3A_256 = vector.broadcast %jit3A_253 : i32 to vector<16xi32>
      %min3A_257 = arith.minsi %min3A_256, %max3A_255 : vector<16xi32>
      %add3A_258 = arith.constant 1536 : i32
      %add3A_259 = vector.broadcast %add3A_258 : i32 to vector<16xi32>
      %add3A_260 = arith.addi %min3A_257, %add3A_259 : vector<16xi32>
      tpu.vector_store_idx %arg9[%add3A_260], %broadcast_in_dim3A_26 : memref<3072xf32, #tpu.memory_space<vmem>>[vector<16xi32>], vector<16xf32>,
      %get3A_261 = arith.constant 272 : index
      %get3A_262 = tpu.vector_load %arg6[%get3A_261] {strides = array<i32>} : memref<512xi32, #tpu.memory_space<vmem>>, vector<16xi32>,
      %gather3A_263 = tpu.vector_load_idx %arg7[%get3A_262] : memref<2048xi32, #tpu.memory_space<vmem>>[vector<16xi32>], vector<16xi32>,
      %sub3A_264 = arith.subi %gather3A_263, %gather3A : vector<16xi32>
      %jit3A_265 = arith.constant 0 : i32
      %jit3A_266 = arith.constant 383 : i32
      %max3A_267 = vector.broadcast %jit3A_265 : i32 to vector<16xi32>
      %max3A_268 = arith.maxsi %max3A_267, %sub3A_264 : vector<16xi32>
      %min3A_269 = vector.broadcast %jit3A_266 : i32 to vector<16xi32>
      %min3A_270 = arith.minsi %min3A_269, %max3A_268 : vector<16xi32>
      %add3A_271 = arith.constant 1536 : i32
      %add3A_272 = vector.broadcast %add3A_271 : i32 to vector<16xi32>
      %add3A_273 = arith.addi %min3A_270, %add3A_272 : vector<16xi32>
      tpu.vector_store_idx %arg9[%add3A_273], %broadcast_in_dim3A_26 : memref<3072xf32, #tpu.memory_space<vmem>>[vector<16xi32>], vector<16xf32>,
      %get3A_274 = arith.constant 288 : index
      %get3A_275 = tpu.vector_load %arg6[%get3A_274] {strides = array<i32>} : memref<512xi32, #tpu.memory_space<vmem>>, vector<16xi32>,
      %gather3A_276 = tpu.vector_load_idx %arg7[%get3A_275] : memref<2048xi32, #tpu.memory_space<vmem>>[vector<16xi32>], vector<16xi32>,
      %sub3A_277 = arith.subi %gather3A_276, %gather3A : vector<16xi32>
      %jit3A_278 = arith.constant 0 : i32
      %jit3A_279 = arith.constant 383 : i32
      %max3A_280 = vector.broadcast %jit3A_278 : i32 to vector<16xi32>
      %max3A_281 = arith.maxsi %max3A_280, %sub3A_277 : vector<16xi32>
      %min3A_282 = vector.broadcast %jit3A_279 : i32 to vector<16xi32>
      %min3A_283 = arith.minsi %min3A_282, %max3A_281 : vector<16xi32>
      %add3A_284 = arith.constant 1536 : i32
      %add3A_285 = vector.broadcast %add3A_284 : i32 to vector<16xi32>
      %add3A_286 = arith.addi %min3A_283, %add3A_285 : vector<16xi32>
      tpu.vector_store_idx %arg9[%add3A_286], %broadcast_in_dim3A_26 : memref<3072xf32, #tpu.memory_space<vmem>>[vector<16xi32>], vector<16xf32>,
      %get3A_287 = arith.constant 304 : index
      %get3A_288 = tpu.vector_load %arg6[%get3A_287] {strides = array<i32>} : memref<512xi32, #tpu.memory_space<vmem>>, vector<16xi32>,
      %gather3A_289 = tpu.vector_load_idx %arg7[%get3A_288] : memref<2048xi32, #tpu.memory_space<vmem>>[vector<16xi32>], vector<16xi32>,
      %sub3A_290 = arith.subi %gather3A_289, %gather3A : vector<16xi32>
      %jit3A_291 = arith.constant 0 : i32
      %jit3A_292 = arith.constant 383 : i32
      %max3A_293 = vector.broadcast %jit3A_291 : i32 to vector<16xi32>
      %max3A_294 = arith.maxsi %max3A_293, %sub3A_290 : vector<16xi32>
      %min3A_295 = vector.broadcast %jit3A_292 : i32 to vector<16xi32>
      %min3A_296 = arith.minsi %min3A_295, %max3A_294 : vector<16xi32>
      %add3A_297 = arith.constant 1536 : i32
      %add3A_298 = vector.broadcast %add3A_297 : i32 to vector<16xi32>
      %add3A_299 = arith.addi %min3A_296, %add3A_298 : vector<16xi32>
      tpu.vector_store_idx %arg9[%add3A_299], %broadcast_in_dim3A_26 : memref<3072xf32, #tpu.memory_space<vmem>>[vector<16xi32>], vector<16xf32>,
      %get3A_300 = arith.constant 320 : index
      %get3A_301 = tpu.vector_load %arg6[%get3A_300] {strides = array<i32>} : memref<512xi32, #tpu.memory_space<vmem>>, vector<16xi32>,
      %gather3A_302 = tpu.vector_load_idx %arg7[%get3A_301] : memref<2048xi32, #tpu.memory_space<vmem>>[vector<16xi32>], vector<16xi32>,
      %sub3A_303 = arith.subi %gather3A_302, %gather3A : vector<16xi32>
      %jit3A_304 = arith.constant 0 : i32
      %jit3A_305 = arith.constant 383 : i32
      %max3A_306 = vector.broadcast %jit3A_304 : i32 to vector<16xi32>
      %max3A_307 = arith.maxsi %max3A_306, %sub3A_303 : vector<16xi32>
      %min3A_308 = vector.broadcast %jit3A_305 : i32 to vector<16xi32>
      %min3A_309 = arith.minsi %min3A_308, %max3A_307 : vector<16xi32>
      %add3A_310 = arith.constant 1920 : i32
      %add3A_311 = vector.broadcast %add3A_310 : i32 to vector<16xi32>
      %add3A_312 = arith.addi %min3A_309, %add3A_311 : vector<16xi32>
      tpu.vector_store_idx %arg9[%add3A_312], %broadcast_in_dim3A_26 : memref<3072xf32, #tpu.memory_space<vmem>>[vector<16xi32>], vector<16xf32>,
      %get3A_313 = arith.constant 336 : index
      %get3A_314 = tpu.vector_load %arg6[%get3A_313] {strides = array<i32>} : memref<512xi32, #tpu.memory_space<vmem>>, vector<16xi32>,
      %gather3A_315 = tpu.vector_load_idx %arg7[%get3A_314] : memref<2048xi32, #tpu.memory_space<vmem>>[vector<16xi32>], vector<16xi32>,
      %sub3A_316 = arith.subi %gather3A_315, %gather3A : vector<16xi32>
      %jit3A_317 = arith.constant 0 : i32
      %jit3A_318 = arith.constant 383 : i32
      %max3A_319 = vector.broadcast %jit3A_317 : i32 to vector<16xi32>
      %max3A_320 = arith.maxsi %max3A_319, %sub3A_316 : vector<16xi32>
      %min3A_321 = vector.broadcast %jit3A_318 : i32 to vector<16xi32>
      %min3A_322 = arith.minsi %min3A_321, %max3A_320 : vector<16xi32>
      %add3A_323 = arith.constant 1920 : i32
      %add3A_324 = vector.broadcast %add3A_323 : i32 to vector<16xi32>
      %add3A_325 = arith.addi %min3A_322, %add3A_324 : vector<16xi32>
      tpu.vector_store_idx %arg9[%add3A_325], %broadcast_in_dim3A_26 : memref<3072xf32, #tpu.memory_space<vmem>>[vector<16xi32>], vector<16xf32>,
      %get3A_326 = arith.constant 352 : index
      %get3A_327 = tpu.vector_load %arg6[%get3A_326] {strides = array<i32>} : memref<512xi32, #tpu.memory_space<vmem>>, vector<16xi32>,
      %gather3A_328 = tpu.vector_load_idx %arg7[%get3A_327] : memref<2048xi32, #tpu.memory_space<vmem>>[vector<16xi32>], vector<16xi32>,
      %sub3A_329 = arith.subi %gather3A_328, %gather3A : vector<16xi32>
      %jit3A_330 = arith.constant 0 : i32
      %jit3A_331 = arith.constant 383 : i32
      %max3A_332 = vector.broadcast %jit3A_330 : i32 to vector<16xi32>
      %max3A_333 = arith.maxsi %max3A_332, %sub3A_329 : vector<16xi32>
      %min3A_334 = vector.broadcast %jit3A_331 : i32 to vector<16xi32>
      %min3A_335 = arith.minsi %min3A_334, %max3A_333 : vector<16xi32>
      %add3A_336 = arith.constant 1920 : i32
      %add3A_337 = vector.broadcast %add3A_336 : i32 to vector<16xi32>
      %add3A_338 = arith.addi %min3A_335, %add3A_337 : vector<16xi32>
      tpu.vector_store_idx %arg9[%add3A_338], %broadcast_in_dim3A_26 : memref<3072xf32, #tpu.memory_space<vmem>>[vector<16xi32>], vector<16xf32>,
      %get3A_339 = arith.constant 368 : index
      %get3A_340 = tpu.vector_load %arg6[%get3A_339] {strides = array<i32>} : memref<512xi32, #tpu.memory_space<vmem>>, vector<16xi32>,
      %gather3A_341 = tpu.vector_load_idx %arg7[%get3A_340] : memref<2048xi32, #tpu.memory_space<vmem>>[vector<16xi32>], vector<16xi32>,
      %sub3A_342 = arith.subi %gather3A_341, %gather3A : vector<16xi32>
      %jit3A_343 = arith.constant 0 : i32
      %jit3A_344 = arith.constant 383 : i32
      %max3A_345 = vector.broadcast %jit3A_343 : i32 to vector<16xi32>
      %max3A_346 = arith.maxsi %max3A_345, %sub3A_342 : vector<16xi32>
      %min3A_347 = vector.broadcast %jit3A_344 : i32 to vector<16xi32>
      %min3A_348 = arith.minsi %min3A_347, %max3A_346 : vector<16xi32>
      %add3A_349 = arith.constant 1920 : i32
      %add3A_350 = vector.broadcast %add3A_349 : i32 to vector<16xi32>
      %add3A_351 = arith.addi %min3A_348, %add3A_350 : vector<16xi32>
      tpu.vector_store_idx %arg9[%add3A_351], %broadcast_in_dim3A_26 : memref<3072xf32, #tpu.memory_space<vmem>>[vector<16xi32>], vector<16xf32>,
      %get3A_352 = arith.constant 384 : index
      %get3A_353 = tpu.vector_load %arg6[%get3A_352] {strides = array<i32>} : memref<512xi32, #tpu.memory_space<vmem>>, vector<16xi32>,
      %gather3A_354 = tpu.vector_load_idx %arg7[%get3A_353] : memref<2048xi32, #tpu.memory_space<vmem>>[vector<16xi32>], vector<16xi32>,
      %sub3A_355 = arith.subi %gather3A_354, %gather3A : vector<16xi32>
      %jit3A_356 = arith.constant 0 : i32
      %jit3A_357 = arith.constant 383 : i32
      %max3A_358 = vector.broadcast %jit3A_356 : i32 to vector<16xi32>
      %max3A_359 = arith.maxsi %max3A_358, %sub3A_355 : vector<16xi32>
      %min3A_360 = vector.broadcast %jit3A_357 : i32 to vector<16xi32>
      %min3A_361 = arith.minsi %min3A_360, %max3A_359 : vector<16xi32>
      %add3A_362 = arith.constant 2304 : i32
      %add3A_363 = vector.broadcast %add3A_362 : i32 to vector<16xi32>
      %add3A_364 = arith.addi %min3A_361, %add3A_363 : vector<16xi32>
      tpu.vector_store_idx %arg9[%add3A_364], %broadcast_in_dim3A_26 : memref<3072xf32, #tpu.memory_space<vmem>>[vector<16xi32>], vector<16xf32>,
      %get3A_365 = arith.constant 400 : index
      %get3A_366 = tpu.vector_load %arg6[%get3A_365] {strides = array<i32>} : memref<512xi32, #tpu.memory_space<vmem>>, vector<16xi32>,
      %gather3A_367 = tpu.vector_load_idx %arg7[%get3A_366] : memref<2048xi32, #tpu.memory_space<vmem>>[vector<16xi32>], vector<16xi32>,
      %sub3A_368 = arith.subi %gather3A_367, %gather3A : vector<16xi32>
      %jit3A_369 = arith.constant 0 : i32
      %jit3A_370 = arith.constant 383 : i32
      %max3A_371 = vector.broadcast %jit3A_369 : i32 to vector<16xi32>
      %max3A_372 = arith.maxsi %max3A_371, %sub3A_368 : vector<16xi32>
      %min3A_373 = vector.broadcast %jit3A_370 : i32 to vector<16xi32>
      %min3A_374 = arith.minsi %min3A_373, %max3A_372 : vector<16xi32>
      %add3A_375 = arith.constant 2304 : i32
      %add3A_376 = vector.broadcast %add3A_375 : i32 to vector<16xi32>
      %add3A_377 = arith.addi %min3A_374, %add3A_376 : vector<16xi32>
      tpu.vector_store_idx %arg9[%add3A_377], %broadcast_in_dim3A_26 : memref<3072xf32, #tpu.memory_space<vmem>>[vector<16xi32>], vector<16xf32>,
      %get3A_378 = arith.constant 416 : index
      %get3A_379 = tpu.vector_load %arg6[%get3A_378] {strides = array<i32>} : memref<512xi32, #tpu.memory_space<vmem>>, vector<16xi32>,
      %gather3A_380 = tpu.vector_load_idx %arg7[%get3A_379] : memref<2048xi32, #tpu.memory_space<vmem>>[vector<16xi32>], vector<16xi32>,
      %sub3A_381 = arith.subi %gather3A_380, %gather3A : vector<16xi32>
      %jit3A_382 = arith.constant 0 : i32
      %jit3A_383 = arith.constant 383 : i32
      %max3A_384 = vector.broadcast %jit3A_382 : i32 to vector<16xi32>
      %max3A_385 = arith.maxsi %max3A_384, %sub3A_381 : vector<16xi32>
      %min3A_386 = vector.broadcast %jit3A_383 : i32 to vector<16xi32>
      %min3A_387 = arith.minsi %min3A_386, %max3A_385 : vector<16xi32>
      %add3A_388 = arith.constant 2304 : i32
      %add3A_389 = vector.broadcast %add3A_388 : i32 to vector<16xi32>
      %add3A_390 = arith.addi %min3A_387, %add3A_389 : vector<16xi32>
      tpu.vector_store_idx %arg9[%add3A_390], %broadcast_in_dim3A_26 : memref<3072xf32, #tpu.memory_space<vmem>>[vector<16xi32>], vector<16xf32>,
      %get3A_391 = arith.constant 432 : index
      %get3A_392 = tpu.vector_load %arg6[%get3A_391] {strides = array<i32>} : memref<512xi32, #tpu.memory_space<vmem>>, vector<16xi32>,
      %gather3A_393 = tpu.vector_load_idx %arg7[%get3A_392] : memref<2048xi32, #tpu.memory_space<vmem>>[vector<16xi32>], vector<16xi32>,
      %sub3A_394 = arith.subi %gather3A_393, %gather3A : vector<16xi32>
      %jit3A_395 = arith.constant 0 : i32
      %jit3A_396 = arith.constant 383 : i32
      %max3A_397 = vector.broadcast %jit3A_395 : i32 to vector<16xi32>
      %max3A_398 = arith.maxsi %max3A_397, %sub3A_394 : vector<16xi32>
      %min3A_399 = vector.broadcast %jit3A_396 : i32 to vector<16xi32>
      %min3A_400 = arith.minsi %min3A_399, %max3A_398 : vector<16xi32>
      %add3A_401 = arith.constant 2304 : i32
      %add3A_402 = vector.broadcast %add3A_401 : i32 to vector<16xi32>
      %add3A_403 = arith.addi %min3A_400, %add3A_402 : vector<16xi32>
      tpu.vector_store_idx %arg9[%add3A_403], %broadcast_in_dim3A_26 : memref<3072xf32, #tpu.memory_space<vmem>>[vector<16xi32>], vector<16xf32>,
      %get3A_404 = arith.constant 448 : index
      %get3A_405 = tpu.vector_load %arg6[%get3A_404] {strides = array<i32>} : memref<512xi32, #tpu.memory_space<vmem>>, vector<16xi32>,
      %gather3A_406 = tpu.vector_load_idx %arg7[%get3A_405] : memref<2048xi32, #tpu.memory_space<vmem>>[vector<16xi32>], vector<16xi32>,
      %sub3A_407 = arith.subi %gather3A_406, %gather3A : vector<16xi32>
      %jit3A_408 = arith.constant 0 : i32
      %jit3A_409 = arith.constant 383 : i32
      %max3A_410 = vector.broadcast %jit3A_408 : i32 to vector<16xi32>
      %max3A_411 = arith.maxsi %max3A_410, %sub3A_407 : vector<16xi32>
      %min3A_412 = vector.broadcast %jit3A_409 : i32 to vector<16xi32>
      %min3A_413 = arith.minsi %min3A_412, %max3A_411 : vector<16xi32>
      %add3A_414 = arith.constant 2688 : i32
      %add3A_415 = vector.broadcast %add3A_414 : i32 to vector<16xi32>
      %add3A_416 = arith.addi %min3A_413, %add3A_415 : vector<16xi32>
      tpu.vector_store_idx %arg9[%add3A_416], %broadcast_in_dim3A_26 : memref<3072xf32, #tpu.memory_space<vmem>>[vector<16xi32>], vector<16xf32>,
      %get3A_417 = arith.constant 464 : index
      %get3A_418 = tpu.vector_load %arg6[%get3A_417] {strides = array<i32>} : memref<512xi32, #tpu.memory_space<vmem>>, vector<16xi32>,
      %gather3A_419 = tpu.vector_load_idx %arg7[%get3A_418] : memref<2048xi32, #tpu.memory_space<vmem>>[vector<16xi32>], vector<16xi32>,
      %sub3A_420 = arith.subi %gather3A_419, %gather3A : vector<16xi32>
      %jit3A_421 = arith.constant 0 : i32
      %jit3A_422 = arith.constant 383 : i32
      %max3A_423 = vector.broadcast %jit3A_421 : i32 to vector<16xi32>
      %max3A_424 = arith.maxsi %max3A_423, %sub3A_420 : vector<16xi32>
      %min3A_425 = vector.broadcast %jit3A_422 : i32 to vector<16xi32>
      %min3A_426 = arith.minsi %min3A_425, %max3A_424 : vector<16xi32>
      %add3A_427 = arith.constant 2688 : i32
      %add3A_428 = vector.broadcast %add3A_427 : i32 to vector<16xi32>
      %add3A_429 = arith.addi %min3A_426, %add3A_428 : vector<16xi32>
      tpu.vector_store_idx %arg9[%add3A_429], %broadcast_in_dim3A_26 : memref<3072xf32, #tpu.memory_space<vmem>>[vector<16xi32>], vector<16xf32>,
      %get3A_430 = arith.constant 480 : index
      %get3A_431 = tpu.vector_load %arg6[%get3A_430] {strides = array<i32>} : memref<512xi32, #tpu.memory_space<vmem>>, vector<16xi32>,
      %gather3A_432 = tpu.vector_load_idx %arg7[%get3A_431] : memref<2048xi32, #tpu.memory_space<vmem>>[vector<16xi32>], vector<16xi32>,
      %sub3A_433 = arith.subi %gather3A_432, %gather3A : vector<16xi32>
      %jit3A_434 = arith.constant 0 : i32
      %jit3A_435 = arith.constant 383 : i32
      %max3A_436 = vector.broadcast %jit3A_434 : i32 to vector<16xi32>
      %max3A_437 = arith.maxsi %max3A_436, %sub3A_433 : vector<16xi32>
      %min3A_438 = vector.broadcast %jit3A_435 : i32 to vector<16xi32>
      %min3A_439 = arith.minsi %min3A_438, %max3A_437 : vector<16xi32>
      %add3A_440 = arith.constant 2688 : i32
      %add3A_441 = vector.broadcast %add3A_440 : i32 to vector<16xi32>
      %add3A_442 = arith.addi %min3A_439, %add3A_441 : vector<16xi32>
      tpu.vector_store_idx %arg9[%add3A_442], %broadcast_in_dim3A_26 : memref<3072xf32, #tpu.memory_space<vmem>>[vector<16xi32>], vector<16xf32>,
      %get3A_443 = arith.constant 496 : index
      %get3A_444 = tpu.vector_load %arg6[%get3A_443] {strides = array<i32>} : memref<512xi32, #tpu.memory_space<vmem>>, vector<16xi32>,
      %gather3A_445 = tpu.vector_load_idx %arg7[%get3A_444] : memref<2048xi32, #tpu.memory_space<vmem>>[vector<16xi32>], vector<16xi32>,
      %sub3A_446 = arith.subi %gather3A_445, %gather3A : vector<16xi32>
      %jit3A_447 = arith.constant 0 : i32
      %jit3A_448 = arith.constant 383 : i32
      %max3A_449 = vector.broadcast %jit3A_447 : i32 to vector<16xi32>
      %max3A_450 = arith.maxsi %max3A_449, %sub3A_446 : vector<16xi32>
      %min3A_451 = vector.broadcast %jit3A_448 : i32 to vector<16xi32>
      %min3A_452 = arith.minsi %min3A_451, %max3A_450 : vector<16xi32>
      %add3A_453 = arith.constant 2688 : i32
      %add3A_454 = vector.broadcast %add3A_453 : i32 to vector<16xi32>
      %add3A_455 = arith.addi %min3A_452, %add3A_454 : vector<16xi32>
      tpu.vector_store_idx %arg9[%add3A_455], %broadcast_in_dim3A_26 : memref<3072xf32, #tpu.memory_space<vmem>>[vector<16xi32>], vector<16xf32>,
      %mul3A_456 = arith.constant 384 : i32
      %mul3A_457 = arith.muli %add3A_40, %mul3A_456 : i32
      "tpu.region"() ({
        %run_scoped3A = tpu.sem_alloc : memref<!tpu.dma_semaphore, #tpu.memory_space<semaphore_mem>>
        %dma_start3A = tpu.memref_slice %arg5[%mul3A_457] : memref<786432xf32, #tpu.memory_space<hbm>> -> memref<3072xf32, #tpu.memory_space<hbm>>
        %dma_start3A_875 = tpu.memref_slice %arg5[%mul3A_457] : memref<786432xf32, #tpu.memory_space<hbm>> -> memref<3072xf32, #tpu.memory_space<hbm>>
        tpu.enqueue_dma source(%arg9 : memref<3072xf32, #tpu.memory_space<vmem>>) target(%dma_start3A_875 : memref<3072xf32, #tpu.memory_space<hbm>>) target_semaphore(%run_scoped3A : memref<!tpu.dma_semaphore, #tpu.memory_space<semaphore_mem>>)
        %dma_wait3A = tpu.memref_slice %arg5[%mul3A_457] : memref<786432xf32, #tpu.memory_space<hbm>> -> memref<3072xf32, #tpu.memory_space<hbm>>
        %dma_wait3A_876 = tpu.memref_slice %arg5[%mul3A_457] : memref<786432xf32, #tpu.memory_space<hbm>> -> memref<3072xf32, #tpu.memory_space<hbm>>
        tpu.wait_dma2 semaphore(%run_scoped3A : memref<!tpu.dma_semaphore, #tpu.memory_space<semaphore_mem>>) src(%arg9 : memref<3072xf32, #tpu.memory_space<vmem>>) dst(%dma_wait3A_876 : memref<3072xf32, #tpu.memory_space<hbm>>)
        tpu.yield
      }) : () -> ()
      %get3A_458 = arith.constant 0 : index
      %get3A_459 = tpu.vector_load %arg6[%get3A_458] {strides = array<i32>} : memref<512xi32, #tpu.memory_space<vmem>>, vector<16xi32>,
      %gather3A_460 = tpu.vector_load_idx %arg7[%get3A_459] : memref<2048xi32, #tpu.memory_space<vmem>>[vector<16xi32>], vector<16xi32>,
      %sub3A_461 = arith.subi %gather3A_460, %gather3A : vector<16xi32>
      %jit3A_462 = arith.constant 0 : i32
      %jit3A_463 = arith.constant 383 : i32
      %max3A_464 = vector.broadcast %jit3A_462 : i32 to vector<16xi32>
      %max3A_465 = arith.maxsi %max3A_464, %sub3A_461 : vector<16xi32>
      %min3A_466 = vector.broadcast %jit3A_463 : i32 to vector<16xi32>
      %min3A_467 = arith.minsi %min3A_466, %max3A_465 : vector<16xi32>
      %add3A_468 = arith.constant 0 : i32
      %add3A_469 = vector.broadcast %add3A_468 : i32 to vector<16xi32>
      %add3A_470 = arith.addi %min3A_467, %add3A_469 : vector<16xi32>
      tpu.vector_store_idx %arg9[%add3A_470], %broadcast_in_dim3A_28 : memref<3072xf32, #tpu.memory_space<vmem>>[vector<16xi32>], vector<16xf32>,
      %get3A_471 = arith.constant 16 : index
      %get3A_472 = tpu.vector_load %arg6[%get3A_471] {strides = array<i32>} : memref<512xi32, #tpu.memory_space<vmem>>, vector<16xi32>,
      %gather3A_473 = tpu.vector_load_idx %arg7[%get3A_472] : memref<2048xi32, #tpu.memory_space<vmem>>[vector<16xi32>], vector<16xi32>,
      %sub3A_474 = arith.subi %gather3A_473, %gather3A : vector<16xi32>
      %jit3A_475 = arith.constant 0 : i32
      %jit3A_476 = arith.constant 383 : i32
      %max3A_477 = vector.broadcast %jit3A_475 : i32 to vector<16xi32>
      %max3A_478 = arith.maxsi %max3A_477, %sub3A_474 : vector<16xi32>
      %min3A_479 = vector.broadcast %jit3A_476 : i32 to vector<16xi32>
      %min3A_480 = arith.minsi %min3A_479, %max3A_478 : vector<16xi32>
      %add3A_481 = arith.constant 0 : i32
      %add3A_482 = vector.broadcast %add3A_481 : i32 to vector<16xi32>
      %add3A_483 = arith.addi %min3A_480, %add3A_482 : vector<16xi32>
      tpu.vector_store_idx %arg9[%add3A_483], %broadcast_in_dim3A_28 : memref<3072xf32, #tpu.memory_space<vmem>>[vector<16xi32>], vector<16xf32>,
      %get3A_484 = arith.constant 32 : index
      %get3A_485 = tpu.vector_load %arg6[%get3A_484] {strides = array<i32>} : memref<512xi32, #tpu.memory_space<vmem>>, vector<16xi32>,
      %gather3A_486 = tpu.vector_load_idx %arg7[%get3A_485] : memref<2048xi32, #tpu.memory_space<vmem>>[vector<16xi32>], vector<16xi32>,
      %sub3A_487 = arith.subi %gather3A_486, %gather3A : vector<16xi32>
      %jit3A_488 = arith.constant 0 : i32
      %jit3A_489 = arith.constant 383 : i32
      %max3A_490 = vector.broadcast %jit3A_488 : i32 to vector<16xi32>
      %max3A_491 = arith.maxsi %max3A_490, %sub3A_487 : vector<16xi32>
      %min3A_492 = vector.broadcast %jit3A_489 : i32 to vector<16xi32>
      %min3A_493 = arith.minsi %min3A_492, %max3A_491 : vector<16xi32>
      %add3A_494 = arith.constant 0 : i32
      %add3A_495 = vector.broadcast %add3A_494 : i32 to vector<16xi32>
      %add3A_496 = arith.addi %min3A_493, %add3A_495 : vector<16xi32>
      tpu.vector_store_idx %arg9[%add3A_496], %broadcast_in_dim3A_28 : memref<3072xf32, #tpu.memory_space<vmem>>[vector<16xi32>], vector<16xf32>,
      %get3A_497 = arith.constant 48 : index
      %get3A_498 = tpu.vector_load %arg6[%get3A_497] {strides = array<i32>} : memref<512xi32, #tpu.memory_space<vmem>>, vector<16xi32>,
      %gather3A_499 = tpu.vector_load_idx %arg7[%get3A_498] : memref<2048xi32, #tpu.memory_space<vmem>>[vector<16xi32>], vector<16xi32>,
      %sub3A_500 = arith.subi %gather3A_499, %gather3A : vector<16xi32>
      %jit3A_501 = arith.constant 0 : i32
      %jit3A_502 = arith.constant 383 : i32
      %max3A_503 = vector.broadcast %jit3A_501 : i32 to vector<16xi32>
      %max3A_504 = arith.maxsi %max3A_503, %sub3A_500 : vector<16xi32>
      %min3A_505 = vector.broadcast %jit3A_502 : i32 to vector<16xi32>
      %min3A_506 = arith.minsi %min3A_505, %max3A_504 : vector<16xi32>
      %add3A_507 = arith.constant 0 : i32
      %add3A_508 = vector.broadcast %add3A_507 : i32 to vector<16xi32>
      %add3A_509 = arith.addi %min3A_506, %add3A_508 : vector<16xi32>
      tpu.vector_store_idx %arg9[%add3A_509], %broadcast_in_dim3A_28 : memref<3072xf32, #tpu.memory_space<vmem>>[vector<16xi32>], vector<16xf32>,
      %get3A_510 = arith.constant 64 : index
      %get3A_511 = tpu.vector_load %arg6[%get3A_510] {strides = array<i32>} : memref<512xi32, #tpu.memory_space<vmem>>, vector<16xi32>,
      %gather3A_512 = tpu.vector_load_idx %arg7[%get3A_511] : memref<2048xi32, #tpu.memory_space<vmem>>[vector<16xi32>], vector<16xi32>,
      %sub3A_513 = arith.subi %gather3A_512, %gather3A : vector<16xi32>
      %jit3A_514 = arith.constant 0 : i32
      %jit3A_515 = arith.constant 383 : i32
      %max3A_516 = vector.broadcast %jit3A_514 : i32 to vector<16xi32>
      %max3A_517 = arith.maxsi %max3A_516, %sub3A_513 : vector<16xi32>
      %min3A_518 = vector.broadcast %jit3A_515 : i32 to vector<16xi32>
      %min3A_519 = arith.minsi %min3A_518, %max3A_517 : vector<16xi32>
      %add3A_520 = arith.constant 384 : i32
      %add3A_521 = vector.broadcast %add3A_520 : i32 to vector<16xi32>
      %add3A_522 = arith.addi %min3A_519, %add3A_521 : vector<16xi32>
      tpu.vector_store_idx %arg9[%add3A_522], %broadcast_in_dim3A_28 : memref<3072xf32, #tpu.memory_space<vmem>>[vector<16xi32>], vector<16xf32>,
      %get3A_523 = arith.constant 80 : index
      %get3A_524 = tpu.vector_load %arg6[%get3A_523] {strides = array<i32>} : memref<512xi32, #tpu.memory_space<vmem>>, vector<16xi32>,
      %gather3A_525 = tpu.vector_load_idx %arg7[%get3A_524] : memref<2048xi32, #tpu.memory_space<vmem>>[vector<16xi32>], vector<16xi32>,
      %sub3A_526 = arith.subi %gather3A_525, %gather3A : vector<16xi32>
      %jit3A_527 = arith.constant 0 : i32
      %jit3A_528 = arith.constant 383 : i32
      %max3A_529 = vector.broadcast %jit3A_527 : i32 to vector<16xi32>
      %max3A_530 = arith.maxsi %max3A_529, %sub3A_526 : vector<16xi32>
      %min3A_531 = vector.broadcast %jit3A_528 : i32 to vector<16xi32>
      %min3A_532 = arith.minsi %min3A_531, %max3A_530 : vector<16xi32>
      %add3A_533 = arith.constant 384 : i32
      %add3A_534 = vector.broadcast %add3A_533 : i32 to vector<16xi32>
      %add3A_535 = arith.addi %min3A_532, %add3A_534 : vector<16xi32>
      tpu.vector_store_idx %arg9[%add3A_535], %broadcast_in_dim3A_28 : memref<3072xf32, #tpu.memory_space<vmem>>[vector<16xi32>], vector<16xf32>,
      %get3A_536 = arith.constant 96 : index
      %get3A_537 = tpu.vector_load %arg6[%get3A_536] {strides = array<i32>} : memref<512xi32, #tpu.memory_space<vmem>>, vector<16xi32>,
      %gather3A_538 = tpu.vector_load_idx %arg7[%get3A_537] : memref<2048xi32, #tpu.memory_space<vmem>>[vector<16xi32>], vector<16xi32>,
      %sub3A_539 = arith.subi %gather3A_538, %gather3A : vector<16xi32>
      %jit3A_540 = arith.constant 0 : i32
      %jit3A_541 = arith.constant 383 : i32
      %max3A_542 = vector.broadcast %jit3A_540 : i32 to vector<16xi32>
      %max3A_543 = arith.maxsi %max3A_542, %sub3A_539 : vector<16xi32>
      %min3A_544 = vector.broadcast %jit3A_541 : i32 to vector<16xi32>
      %min3A_545 = arith.minsi %min3A_544, %max3A_543 : vector<16xi32>
      %add3A_546 = arith.constant 384 : i32
      %add3A_547 = vector.broadcast %add3A_546 : i32 to vector<16xi32>
      %add3A_548 = arith.addi %min3A_545, %add3A_547 : vector<16xi32>
      tpu.vector_store_idx %arg9[%add3A_548], %broadcast_in_dim3A_28 : memref<3072xf32, #tpu.memory_space<vmem>>[vector<16xi32>], vector<16xf32>,
      %get3A_549 = arith.constant 112 : index
      %get3A_550 = tpu.vector_load %arg6[%get3A_549] {strides = array<i32>} : memref<512xi32, #tpu.memory_space<vmem>>, vector<16xi32>,
      %gather3A_551 = tpu.vector_load_idx %arg7[%get3A_550] : memref<2048xi32, #tpu.memory_space<vmem>>[vector<16xi32>], vector<16xi32>,
      %sub3A_552 = arith.subi %gather3A_551, %gather3A : vector<16xi32>
      %jit3A_553 = arith.constant 0 : i32
      %jit3A_554 = arith.constant 383 : i32
      %max3A_555 = vector.broadcast %jit3A_553 : i32 to vector<16xi32>
      %max3A_556 = arith.maxsi %max3A_555, %sub3A_552 : vector<16xi32>
      %min3A_557 = vector.broadcast %jit3A_554 : i32 to vector<16xi32>
      %min3A_558 = arith.minsi %min3A_557, %max3A_556 : vector<16xi32>
      %add3A_559 = arith.constant 384 : i32
      %add3A_560 = vector.broadcast %add3A_559 : i32 to vector<16xi32>
      %add3A_561 = arith.addi %min3A_558, %add3A_560 : vector<16xi32>
      tpu.vector_store_idx %arg9[%add3A_561], %broadcast_in_dim3A_28 : memref<3072xf32, #tpu.memory_space<vmem>>[vector<16xi32>], vector<16xf32>,
      %get3A_562 = arith.constant 128 : index
      %get3A_563 = tpu.vector_load %arg6[%get3A_562] {strides = array<i32>} : memref<512xi32, #tpu.memory_space<vmem>>, vector<16xi32>,
      %gather3A_564 = tpu.vector_load_idx %arg7[%get3A_563] : memref<2048xi32, #tpu.memory_space<vmem>>[vector<16xi32>], vector<16xi32>,
      %sub3A_565 = arith.subi %gather3A_564, %gather3A : vector<16xi32>
      %jit3A_566 = arith.constant 0 : i32
      %jit3A_567 = arith.constant 383 : i32
      %max3A_568 = vector.broadcast %jit3A_566 : i32 to vector<16xi32>
      %max3A_569 = arith.maxsi %max3A_568, %sub3A_565 : vector<16xi32>
      %min3A_570 = vector.broadcast %jit3A_567 : i32 to vector<16xi32>
      %min3A_571 = arith.minsi %min3A_570, %max3A_569 : vector<16xi32>
      %add3A_572 = arith.constant 768 : i32
      %add3A_573 = vector.broadcast %add3A_572 : i32 to vector<16xi32>
      %add3A_574 = arith.addi %min3A_571, %add3A_573 : vector<16xi32>
      tpu.vector_store_idx %arg9[%add3A_574], %broadcast_in_dim3A_28 : memref<3072xf32, #tpu.memory_space<vmem>>[vector<16xi32>], vector<16xf32>,
      %get3A_575 = arith.constant 144 : index
      %get3A_576 = tpu.vector_load %arg6[%get3A_575] {strides = array<i32>} : memref<512xi32, #tpu.memory_space<vmem>>, vector<16xi32>,
      %gather3A_577 = tpu.vector_load_idx %arg7[%get3A_576] : memref<2048xi32, #tpu.memory_space<vmem>>[vector<16xi32>], vector<16xi32>,
      %sub3A_578 = arith.subi %gather3A_577, %gather3A : vector<16xi32>
      %jit3A_579 = arith.constant 0 : i32
      %jit3A_580 = arith.constant 383 : i32
      %max3A_581 = vector.broadcast %jit3A_579 : i32 to vector<16xi32>
      %max3A_582 = arith.maxsi %max3A_581, %sub3A_578 : vector<16xi32>
      %min3A_583 = vector.broadcast %jit3A_580 : i32 to vector<16xi32>
      %min3A_584 = arith.minsi %min3A_583, %max3A_582 : vector<16xi32>
      %add3A_585 = arith.constant 768 : i32
      %add3A_586 = vector.broadcast %add3A_585 : i32 to vector<16xi32>
      %add3A_587 = arith.addi %min3A_584, %add3A_586 : vector<16xi32>
      tpu.vector_store_idx %arg9[%add3A_587], %broadcast_in_dim3A_28 : memref<3072xf32, #tpu.memory_space<vmem>>[vector<16xi32>], vector<16xf32>,
      %get3A_588 = arith.constant 160 : index
      %get3A_589 = tpu.vector_load %arg6[%get3A_588] {strides = array<i32>} : memref<512xi32, #tpu.memory_space<vmem>>, vector<16xi32>,
      %gather3A_590 = tpu.vector_load_idx %arg7[%get3A_589] : memref<2048xi32, #tpu.memory_space<vmem>>[vector<16xi32>], vector<16xi32>,
      %sub3A_591 = arith.subi %gather3A_590, %gather3A : vector<16xi32>
      %jit3A_592 = arith.constant 0 : i32
      %jit3A_593 = arith.constant 383 : i32
      %max3A_594 = vector.broadcast %jit3A_592 : i32 to vector<16xi32>
      %max3A_595 = arith.maxsi %max3A_594, %sub3A_591 : vector<16xi32>
      %min3A_596 = vector.broadcast %jit3A_593 : i32 to vector<16xi32>
      %min3A_597 = arith.minsi %min3A_596, %max3A_595 : vector<16xi32>
      %add3A_598 = arith.constant 768 : i32
      %add3A_599 = vector.broadcast %add3A_598 : i32 to vector<16xi32>
      %add3A_600 = arith.addi %min3A_597, %add3A_599 : vector<16xi32>
      tpu.vector_store_idx %arg9[%add3A_600], %broadcast_in_dim3A_28 : memref<3072xf32, #tpu.memory_space<vmem>>[vector<16xi32>], vector<16xf32>,
      %get3A_601 = arith.constant 176 : index
      %get3A_602 = tpu.vector_load %arg6[%get3A_601] {strides = array<i32>} : memref<512xi32, #tpu.memory_space<vmem>>, vector<16xi32>,
      %gather3A_603 = tpu.vector_load_idx %arg7[%get3A_602] : memref<2048xi32, #tpu.memory_space<vmem>>[vector<16xi32>], vector<16xi32>,
      %sub3A_604 = arith.subi %gather3A_603, %gather3A : vector<16xi32>
      %jit3A_605 = arith.constant 0 : i32
      %jit3A_606 = arith.constant 383 : i32
      %max3A_607 = vector.broadcast %jit3A_605 : i32 to vector<16xi32>
      %max3A_608 = arith.maxsi %max3A_607, %sub3A_604 : vector<16xi32>
      %min3A_609 = vector.broadcast %jit3A_606 : i32 to vector<16xi32>
      %min3A_610 = arith.minsi %min3A_609, %max3A_608 : vector<16xi32>
      %add3A_611 = arith.constant 768 : i32
      %add3A_612 = vector.broadcast %add3A_611 : i32 to vector<16xi32>
      %add3A_613 = arith.addi %min3A_610, %add3A_612 : vector<16xi32>
      tpu.vector_store_idx %arg9[%add3A_613], %broadcast_in_dim3A_28 : memref<3072xf32, #tpu.memory_space<vmem>>[vector<16xi32>], vector<16xf32>,
      %get3A_614 = arith.constant 192 : index
      %get3A_615 = tpu.vector_load %arg6[%get3A_614] {strides = array<i32>} : memref<512xi32, #tpu.memory_space<vmem>>, vector<16xi32>,
      %gather3A_616 = tpu.vector_load_idx %arg7[%get3A_615] : memref<2048xi32, #tpu.memory_space<vmem>>[vector<16xi32>], vector<16xi32>,
      %sub3A_617 = arith.subi %gather3A_616, %gather3A : vector<16xi32>
      %jit3A_618 = arith.constant 0 : i32
      %jit3A_619 = arith.constant 383 : i32
      %max3A_620 = vector.broadcast %jit3A_618 : i32 to vector<16xi32>
      %max3A_621 = arith.maxsi %max3A_620, %sub3A_617 : vector<16xi32>
      %min3A_622 = vector.broadcast %jit3A_619 : i32 to vector<16xi32>
      %min3A_623 = arith.minsi %min3A_622, %max3A_621 : vector<16xi32>
      %add3A_624 = arith.constant 1152 : i32
      %add3A_625 = vector.broadcast %add3A_624 : i32 to vector<16xi32>
      %add3A_626 = arith.addi %min3A_623, %add3A_625 : vector<16xi32>
      tpu.vector_store_idx %arg9[%add3A_626], %broadcast_in_dim3A_28 : memref<3072xf32, #tpu.memory_space<vmem>>[vector<16xi32>], vector<16xf32>,
      %get3A_627 = arith.constant 208 : index
      %get3A_628 = tpu.vector_load %arg6[%get3A_627] {strides = array<i32>} : memref<512xi32, #tpu.memory_space<vmem>>, vector<16xi32>,
      %gather3A_629 = tpu.vector_load_idx %arg7[%get3A_628] : memref<2048xi32, #tpu.memory_space<vmem>>[vector<16xi32>], vector<16xi32>,
      %sub3A_630 = arith.subi %gather3A_629, %gather3A : vector<16xi32>
      %jit3A_631 = arith.constant 0 : i32
      %jit3A_632 = arith.constant 383 : i32
      %max3A_633 = vector.broadcast %jit3A_631 : i32 to vector<16xi32>
      %max3A_634 = arith.maxsi %max3A_633, %sub3A_630 : vector<16xi32>
      %min3A_635 = vector.broadcast %jit3A_632 : i32 to vector<16xi32>
      %min3A_636 = arith.minsi %min3A_635, %max3A_634 : vector<16xi32>
      %add3A_637 = arith.constant 1152 : i32
      %add3A_638 = vector.broadcast %add3A_637 : i32 to vector<16xi32>
      %add3A_639 = arith.addi %min3A_636, %add3A_638 : vector<16xi32>
      tpu.vector_store_idx %arg9[%add3A_639], %broadcast_in_dim3A_28 : memref<3072xf32, #tpu.memory_space<vmem>>[vector<16xi32>], vector<16xf32>,
      %get3A_640 = arith.constant 224 : index
      %get3A_641 = tpu.vector_load %arg6[%get3A_640] {strides = array<i32>} : memref<512xi32, #tpu.memory_space<vmem>>, vector<16xi32>,
      %gather3A_642 = tpu.vector_load_idx %arg7[%get3A_641] : memref<2048xi32, #tpu.memory_space<vmem>>[vector<16xi32>], vector<16xi32>,
      %sub3A_643 = arith.subi %gather3A_642, %gather3A : vector<16xi32>
      %jit3A_644 = arith.constant 0 : i32
      %jit3A_645 = arith.constant 383 : i32
      %max3A_646 = vector.broadcast %jit3A_644 : i32 to vector<16xi32>
      %max3A_647 = arith.maxsi %max3A_646, %sub3A_643 : vector<16xi32>
      %min3A_648 = vector.broadcast %jit3A_645 : i32 to vector<16xi32>
      %min3A_649 = arith.minsi %min3A_648, %max3A_647 : vector<16xi32>
      %add3A_650 = arith.constant 1152 : i32
      %add3A_651 = vector.broadcast %add3A_650 : i32 to vector<16xi32>
      %add3A_652 = arith.addi %min3A_649, %add3A_651 : vector<16xi32>
      tpu.vector_store_idx %arg9[%add3A_652], %broadcast_in_dim3A_28 : memref<3072xf32, #tpu.memory_space<vmem>>[vector<16xi32>], vector<16xf32>,
      %get3A_653 = arith.constant 240 : index
      %get3A_654 = tpu.vector_load %arg6[%get3A_653] {strides = array<i32>} : memref<512xi32, #tpu.memory_space<vmem>>, vector<16xi32>,
      %gather3A_655 = tpu.vector_load_idx %arg7[%get3A_654] : memref<2048xi32, #tpu.memory_space<vmem>>[vector<16xi32>], vector<16xi32>,
      %sub3A_656 = arith.subi %gather3A_655, %gather3A : vector<16xi32>
      %jit3A_657 = arith.constant 0 : i32
      %jit3A_658 = arith.constant 383 : i32
      %max3A_659 = vector.broadcast %jit3A_657 : i32 to vector<16xi32>
      %max3A_660 = arith.maxsi %max3A_659, %sub3A_656 : vector<16xi32>
      %min3A_661 = vector.broadcast %jit3A_658 : i32 to vector<16xi32>
      %min3A_662 = arith.minsi %min3A_661, %max3A_660 : vector<16xi32>
      %add3A_663 = arith.constant 1152 : i32
      %add3A_664 = vector.broadcast %add3A_663 : i32 to vector<16xi32>
      %add3A_665 = arith.addi %min3A_662, %add3A_664 : vector<16xi32>
      tpu.vector_store_idx %arg9[%add3A_665], %broadcast_in_dim3A_28 : memref<3072xf32, #tpu.memory_space<vmem>>[vector<16xi32>], vector<16xf32>,
      %get3A_666 = arith.constant 256 : index
      %get3A_667 = tpu.vector_load %arg6[%get3A_666] {strides = array<i32>} : memref<512xi32, #tpu.memory_space<vmem>>, vector<16xi32>,
      %gather3A_668 = tpu.vector_load_idx %arg7[%get3A_667] : memref<2048xi32, #tpu.memory_space<vmem>>[vector<16xi32>], vector<16xi32>,
      %sub3A_669 = arith.subi %gather3A_668, %gather3A : vector<16xi32>
      %jit3A_670 = arith.constant 0 : i32
      %jit3A_671 = arith.constant 383 : i32
      %max3A_672 = vector.broadcast %jit3A_670 : i32 to vector<16xi32>
      %max3A_673 = arith.maxsi %max3A_672, %sub3A_669 : vector<16xi32>
      %min3A_674 = vector.broadcast %jit3A_671 : i32 to vector<16xi32>
      %min3A_675 = arith.minsi %min3A_674, %max3A_673 : vector<16xi32>
      %add3A_676 = arith.constant 1536 : i32
      %add3A_677 = vector.broadcast %add3A_676 : i32 to vector<16xi32>
      %add3A_678 = arith.addi %min3A_675, %add3A_677 : vector<16xi32>
      tpu.vector_store_idx %arg9[%add3A_678], %broadcast_in_dim3A_28 : memref<3072xf32, #tpu.memory_space<vmem>>[vector<16xi32>], vector<16xf32>,
      %get3A_679 = arith.constant 272 : index
      %get3A_680 = tpu.vector_load %arg6[%get3A_679] {strides = array<i32>} : memref<512xi32, #tpu.memory_space<vmem>>, vector<16xi32>,
      %gather3A_681 = tpu.vector_load_idx %arg7[%get3A_680] : memref<2048xi32, #tpu.memory_space<vmem>>[vector<16xi32>], vector<16xi32>,
      %sub3A_682 = arith.subi %gather3A_681, %gather3A : vector<16xi32>
      %jit3A_683 = arith.constant 0 : i32
      %jit3A_684 = arith.constant 383 : i32
      %max3A_685 = vector.broadcast %jit3A_683 : i32 to vector<16xi32>
      %max3A_686 = arith.maxsi %max3A_685, %sub3A_682 : vector<16xi32>
      %min3A_687 = vector.broadcast %jit3A_684 : i32 to vector<16xi32>
      %min3A_688 = arith.minsi %min3A_687, %max3A_686 : vector<16xi32>
      %add3A_689 = arith.constant 1536 : i32
      %add3A_690 = vector.broadcast %add3A_689 : i32 to vector<16xi32>
      %add3A_691 = arith.addi %min3A_688, %add3A_690 : vector<16xi32>
      tpu.vector_store_idx %arg9[%add3A_691], %broadcast_in_dim3A_28 : memref<3072xf32, #tpu.memory_space<vmem>>[vector<16xi32>], vector<16xf32>,
      %get3A_692 = arith.constant 288 : index
      %get3A_693 = tpu.vector_load %arg6[%get3A_692] {strides = array<i32>} : memref<512xi32, #tpu.memory_space<vmem>>, vector<16xi32>,
      %gather3A_694 = tpu.vector_load_idx %arg7[%get3A_693] : memref<2048xi32, #tpu.memory_space<vmem>>[vector<16xi32>], vector<16xi32>,
      %sub3A_695 = arith.subi %gather3A_694, %gather3A : vector<16xi32>
      %jit3A_696 = arith.constant 0 : i32
      %jit3A_697 = arith.constant 383 : i32
      %max3A_698 = vector.broadcast %jit3A_696 : i32 to vector<16xi32>
      %max3A_699 = arith.maxsi %max3A_698, %sub3A_695 : vector<16xi32>
      %min3A_700 = vector.broadcast %jit3A_697 : i32 to vector<16xi32>
      %min3A_701 = arith.minsi %min3A_700, %max3A_699 : vector<16xi32>
      %add3A_702 = arith.constant 1536 : i32
      %add3A_703 = vector.broadcast %add3A_702 : i32 to vector<16xi32>
      %add3A_704 = arith.addi %min3A_701, %add3A_703 : vector<16xi32>
      tpu.vector_store_idx %arg9[%add3A_704], %broadcast_in_dim3A_28 : memref<3072xf32, #tpu.memory_space<vmem>>[vector<16xi32>], vector<16xf32>,
      %get3A_705 = arith.constant 304 : index
      %get3A_706 = tpu.vector_load %arg6[%get3A_705] {strides = array<i32>} : memref<512xi32, #tpu.memory_space<vmem>>, vector<16xi32>,
      %gather3A_707 = tpu.vector_load_idx %arg7[%get3A_706] : memref<2048xi32, #tpu.memory_space<vmem>>[vector<16xi32>], vector<16xi32>,
      %sub3A_708 = arith.subi %gather3A_707, %gather3A : vector<16xi32>
      %jit3A_709 = arith.constant 0 : i32
      %jit3A_710 = arith.constant 383 : i32
      %max3A_711 = vector.broadcast %jit3A_709 : i32 to vector<16xi32>
      %max3A_712 = arith.maxsi %max3A_711, %sub3A_708 : vector<16xi32>
      %min3A_713 = vector.broadcast %jit3A_710 : i32 to vector<16xi32>
      %min3A_714 = arith.minsi %min3A_713, %max3A_712 : vector<16xi32>
      %add3A_715 = arith.constant 1536 : i32
      %add3A_716 = vector.broadcast %add3A_715 : i32 to vector<16xi32>
      %add3A_717 = arith.addi %min3A_714, %add3A_716 : vector<16xi32>
      tpu.vector_store_idx %arg9[%add3A_717], %broadcast_in_dim3A_28 : memref<3072xf32, #tpu.memory_space<vmem>>[vector<16xi32>], vector<16xf32>,
      %get3A_718 = arith.constant 320 : index
      %get3A_719 = tpu.vector_load %arg6[%get3A_718] {strides = array<i32>} : memref<512xi32, #tpu.memory_space<vmem>>, vector<16xi32>,
      %gather3A_720 = tpu.vector_load_idx %arg7[%get3A_719] : memref<2048xi32, #tpu.memory_space<vmem>>[vector<16xi32>], vector<16xi32>,
      %sub3A_721 = arith.subi %gather3A_720, %gather3A : vector<16xi32>
      %jit3A_722 = arith.constant 0 : i32
      %jit3A_723 = arith.constant 383 : i32
      %max3A_724 = vector.broadcast %jit3A_722 : i32 to vector<16xi32>
      %max3A_725 = arith.maxsi %max3A_724, %sub3A_721 : vector<16xi32>
      %min3A_726 = vector.broadcast %jit3A_723 : i32 to vector<16xi32>
      %min3A_727 = arith.minsi %min3A_726, %max3A_725 : vector<16xi32>
      %add3A_728 = arith.constant 1920 : i32
      %add3A_729 = vector.broadcast %add3A_728 : i32 to vector<16xi32>
      %add3A_730 = arith.addi %min3A_727, %add3A_729 : vector<16xi32>
      tpu.vector_store_idx %arg9[%add3A_730], %broadcast_in_dim3A_28 : memref<3072xf32, #tpu.memory_space<vmem>>[vector<16xi32>], vector<16xf32>,
      %get3A_731 = arith.constant 336 : index
      %get3A_732 = tpu.vector_load %arg6[%get3A_731] {strides = array<i32>} : memref<512xi32, #tpu.memory_space<vmem>>, vector<16xi32>,
      %gather3A_733 = tpu.vector_load_idx %arg7[%get3A_732] : memref<2048xi32, #tpu.memory_space<vmem>>[vector<16xi32>], vector<16xi32>,
      %sub3A_734 = arith.subi %gather3A_733, %gather3A : vector<16xi32>
      %jit3A_735 = arith.constant 0 : i32
      %jit3A_736 = arith.constant 383 : i32
      %max3A_737 = vector.broadcast %jit3A_735 : i32 to vector<16xi32>
      %max3A_738 = arith.maxsi %max3A_737, %sub3A_734 : vector<16xi32>
      %min3A_739 = vector.broadcast %jit3A_736 : i32 to vector<16xi32>
      %min3A_740 = arith.minsi %min3A_739, %max3A_738 : vector<16xi32>
      %add3A_741 = arith.constant 1920 : i32
      %add3A_742 = vector.broadcast %add3A_741 : i32 to vector<16xi32>
      %add3A_743 = arith.addi %min3A_740, %add3A_742 : vector<16xi32>
      tpu.vector_store_idx %arg9[%add3A_743], %broadcast_in_dim3A_28 : memref<3072xf32, #tpu.memory_space<vmem>>[vector<16xi32>], vector<16xf32>,
      %get3A_744 = arith.constant 352 : index
      %get3A_745 = tpu.vector_load %arg6[%get3A_744] {strides = array<i32>} : memref<512xi32, #tpu.memory_space<vmem>>, vector<16xi32>,
      %gather3A_746 = tpu.vector_load_idx %arg7[%get3A_745] : memref<2048xi32, #tpu.memory_space<vmem>>[vector<16xi32>], vector<16xi32>,
      %sub3A_747 = arith.subi %gather3A_746, %gather3A : vector<16xi32>
      %jit3A_748 = arith.constant 0 : i32
      %jit3A_749 = arith.constant 383 : i32
      %max3A_750 = vector.broadcast %jit3A_748 : i32 to vector<16xi32>
      %max3A_751 = arith.maxsi %max3A_750, %sub3A_747 : vector<16xi32>
      %min3A_752 = vector.broadcast %jit3A_749 : i32 to vector<16xi32>
      %min3A_753 = arith.minsi %min3A_752, %max3A_751 : vector<16xi32>
      %add3A_754 = arith.constant 1920 : i32
      %add3A_755 = vector.broadcast %add3A_754 : i32 to vector<16xi32>
      %add3A_756 = arith.addi %min3A_753, %add3A_755 : vector<16xi32>
      tpu.vector_store_idx %arg9[%add3A_756], %broadcast_in_dim3A_28 : memref<3072xf32, #tpu.memory_space<vmem>>[vector<16xi32>], vector<16xf32>,
      %get3A_757 = arith.constant 368 : index
      %get3A_758 = tpu.vector_load %arg6[%get3A_757] {strides = array<i32>} : memref<512xi32, #tpu.memory_space<vmem>>, vector<16xi32>,
      %gather3A_759 = tpu.vector_load_idx %arg7[%get3A_758] : memref<2048xi32, #tpu.memory_space<vmem>>[vector<16xi32>], vector<16xi32>,
      %sub3A_760 = arith.subi %gather3A_759, %gather3A : vector<16xi32>
      %jit3A_761 = arith.constant 0 : i32
      %jit3A_762 = arith.constant 383 : i32
      %max3A_763 = vector.broadcast %jit3A_761 : i32 to vector<16xi32>
      %max3A_764 = arith.maxsi %max3A_763, %sub3A_760 : vector<16xi32>
      %min3A_765 = vector.broadcast %jit3A_762 : i32 to vector<16xi32>
      %min3A_766 = arith.minsi %min3A_765, %max3A_764 : vector<16xi32>
      %add3A_767 = arith.constant 1920 : i32
      %add3A_768 = vector.broadcast %add3A_767 : i32 to vector<16xi32>
      %add3A_769 = arith.addi %min3A_766, %add3A_768 : vector<16xi32>
      tpu.vector_store_idx %arg9[%add3A_769], %broadcast_in_dim3A_28 : memref<3072xf32, #tpu.memory_space<vmem>>[vector<16xi32>], vector<16xf32>,
      %get3A_770 = arith.constant 384 : index
      %get3A_771 = tpu.vector_load %arg6[%get3A_770] {strides = array<i32>} : memref<512xi32, #tpu.memory_space<vmem>>, vector<16xi32>,
      %gather3A_772 = tpu.vector_load_idx %arg7[%get3A_771] : memref<2048xi32, #tpu.memory_space<vmem>>[vector<16xi32>], vector<16xi32>,
      %sub3A_773 = arith.subi %gather3A_772, %gather3A : vector<16xi32>
      %jit3A_774 = arith.constant 0 : i32
      %jit3A_775 = arith.constant 383 : i32
      %max3A_776 = vector.broadcast %jit3A_774 : i32 to vector<16xi32>
      %max3A_777 = arith.maxsi %max3A_776, %sub3A_773 : vector<16xi32>
      %min3A_778 = vector.broadcast %jit3A_775 : i32 to vector<16xi32>
      %min3A_779 = arith.minsi %min3A_778, %max3A_777 : vector<16xi32>
      %add3A_780 = arith.constant 2304 : i32
      %add3A_781 = vector.broadcast %add3A_780 : i32 to vector<16xi32>
      %add3A_782 = arith.addi %min3A_779, %add3A_781 : vector<16xi32>
      tpu.vector_store_idx %arg9[%add3A_782], %broadcast_in_dim3A_28 : memref<3072xf32, #tpu.memory_space<vmem>>[vector<16xi32>], vector<16xf32>,
      %get3A_783 = arith.constant 400 : index
      %get3A_784 = tpu.vector_load %arg6[%get3A_783] {strides = array<i32>} : memref<512xi32, #tpu.memory_space<vmem>>, vector<16xi32>,
      %gather3A_785 = tpu.vector_load_idx %arg7[%get3A_784] : memref<2048xi32, #tpu.memory_space<vmem>>[vector<16xi32>], vector<16xi32>,
      %sub3A_786 = arith.subi %gather3A_785, %gather3A : vector<16xi32>
      %jit3A_787 = arith.constant 0 : i32
      %jit3A_788 = arith.constant 383 : i32
      %max3A_789 = vector.broadcast %jit3A_787 : i32 to vector<16xi32>
      %max3A_790 = arith.maxsi %max3A_789, %sub3A_786 : vector<16xi32>
      %min3A_791 = vector.broadcast %jit3A_788 : i32 to vector<16xi32>
      %min3A_792 = arith.minsi %min3A_791, %max3A_790 : vector<16xi32>
      %add3A_793 = arith.constant 2304 : i32
      %add3A_794 = vector.broadcast %add3A_793 : i32 to vector<16xi32>
      %add3A_795 = arith.addi %min3A_792, %add3A_794 : vector<16xi32>
      tpu.vector_store_idx %arg9[%add3A_795], %broadcast_in_dim3A_28 : memref<3072xf32, #tpu.memory_space<vmem>>[vector<16xi32>], vector<16xf32>,
      %get3A_796 = arith.constant 416 : index
      %get3A_797 = tpu.vector_load %arg6[%get3A_796] {strides = array<i32>} : memref<512xi32, #tpu.memory_space<vmem>>, vector<16xi32>,
      %gather3A_798 = tpu.vector_load_idx %arg7[%get3A_797] : memref<2048xi32, #tpu.memory_space<vmem>>[vector<16xi32>], vector<16xi32>,
      %sub3A_799 = arith.subi %gather3A_798, %gather3A : vector<16xi32>
      %jit3A_800 = arith.constant 0 : i32
      %jit3A_801 = arith.constant 383 : i32
      %max3A_802 = vector.broadcast %jit3A_800 : i32 to vector<16xi32>
      %max3A_803 = arith.maxsi %max3A_802, %sub3A_799 : vector<16xi32>
      %min3A_804 = vector.broadcast %jit3A_801 : i32 to vector<16xi32>
      %min3A_805 = arith.minsi %min3A_804, %max3A_803 : vector<16xi32>
      %add3A_806 = arith.constant 2304 : i32
      %add3A_807 = vector.broadcast %add3A_806 : i32 to vector<16xi32>
      %add3A_808 = arith.addi %min3A_805, %add3A_807 : vector<16xi32>
      tpu.vector_store_idx %arg9[%add3A_808], %broadcast_in_dim3A_28 : memref<3072xf32, #tpu.memory_space<vmem>>[vector<16xi32>], vector<16xf32>,
      %get3A_809 = arith.constant 432 : index
      %get3A_810 = tpu.vector_load %arg6[%get3A_809] {strides = array<i32>} : memref<512xi32, #tpu.memory_space<vmem>>, vector<16xi32>,
      %gather3A_811 = tpu.vector_load_idx %arg7[%get3A_810] : memref<2048xi32, #tpu.memory_space<vmem>>[vector<16xi32>], vector<16xi32>,
      %sub3A_812 = arith.subi %gather3A_811, %gather3A : vector<16xi32>
      %jit3A_813 = arith.constant 0 : i32
      %jit3A_814 = arith.constant 383 : i32
      %max3A_815 = vector.broadcast %jit3A_813 : i32 to vector<16xi32>
      %max3A_816 = arith.maxsi %max3A_815, %sub3A_812 : vector<16xi32>
      %min3A_817 = vector.broadcast %jit3A_814 : i32 to vector<16xi32>
      %min3A_818 = arith.minsi %min3A_817, %max3A_816 : vector<16xi32>
      %add3A_819 = arith.constant 2304 : i32
      %add3A_820 = vector.broadcast %add3A_819 : i32 to vector<16xi32>
      %add3A_821 = arith.addi %min3A_818, %add3A_820 : vector<16xi32>
      tpu.vector_store_idx %arg9[%add3A_821], %broadcast_in_dim3A_28 : memref<3072xf32, #tpu.memory_space<vmem>>[vector<16xi32>], vector<16xf32>,
      %get3A_822 = arith.constant 448 : index
      %get3A_823 = tpu.vector_load %arg6[%get3A_822] {strides = array<i32>} : memref<512xi32, #tpu.memory_space<vmem>>, vector<16xi32>,
      %gather3A_824 = tpu.vector_load_idx %arg7[%get3A_823] : memref<2048xi32, #tpu.memory_space<vmem>>[vector<16xi32>], vector<16xi32>,
      %sub3A_825 = arith.subi %gather3A_824, %gather3A : vector<16xi32>
      %jit3A_826 = arith.constant 0 : i32
      %jit3A_827 = arith.constant 383 : i32
      %max3A_828 = vector.broadcast %jit3A_826 : i32 to vector<16xi32>
      %max3A_829 = arith.maxsi %max3A_828, %sub3A_825 : vector<16xi32>
      %min3A_830 = vector.broadcast %jit3A_827 : i32 to vector<16xi32>
      %min3A_831 = arith.minsi %min3A_830, %max3A_829 : vector<16xi32>
      %add3A_832 = arith.constant 2688 : i32
      %add3A_833 = vector.broadcast %add3A_832 : i32 to vector<16xi32>
      %add3A_834 = arith.addi %min3A_831, %add3A_833 : vector<16xi32>
      tpu.vector_store_idx %arg9[%add3A_834], %broadcast_in_dim3A_28 : memref<3072xf32, #tpu.memory_space<vmem>>[vector<16xi32>], vector<16xf32>,
      %get3A_835 = arith.constant 464 : index
      %get3A_836 = tpu.vector_load %arg6[%get3A_835] {strides = array<i32>} : memref<512xi32, #tpu.memory_space<vmem>>, vector<16xi32>,
      %gather3A_837 = tpu.vector_load_idx %arg7[%get3A_836] : memref<2048xi32, #tpu.memory_space<vmem>>[vector<16xi32>], vector<16xi32>,
      %sub3A_838 = arith.subi %gather3A_837, %gather3A : vector<16xi32>
      %jit3A_839 = arith.constant 0 : i32
      %jit3A_840 = arith.constant 383 : i32
      %max3A_841 = vector.broadcast %jit3A_839 : i32 to vector<16xi32>
      %max3A_842 = arith.maxsi %max3A_841, %sub3A_838 : vector<16xi32>
      %min3A_843 = vector.broadcast %jit3A_840 : i32 to vector<16xi32>
      %min3A_844 = arith.minsi %min3A_843, %max3A_842 : vector<16xi32>
      %add3A_845 = arith.constant 2688 : i32
      %add3A_846 = vector.broadcast %add3A_845 : i32 to vector<16xi32>
      %add3A_847 = arith.addi %min3A_844, %add3A_846 : vector<16xi32>
      tpu.vector_store_idx %arg9[%add3A_847], %broadcast_in_dim3A_28 : memref<3072xf32, #tpu.memory_space<vmem>>[vector<16xi32>], vector<16xf32>,
      %get3A_848 = arith.constant 480 : index
      %get3A_849 = tpu.vector_load %arg6[%get3A_848] {strides = array<i32>} : memref<512xi32, #tpu.memory_space<vmem>>, vector<16xi32>,
      %gather3A_850 = tpu.vector_load_idx %arg7[%get3A_849] : memref<2048xi32, #tpu.memory_space<vmem>>[vector<16xi32>], vector<16xi32>,
      %sub3A_851 = arith.subi %gather3A_850, %gather3A : vector<16xi32>
      %jit3A_852 = arith.constant 0 : i32
      %jit3A_853 = arith.constant 383 : i32
      %max3A_854 = vector.broadcast %jit3A_852 : i32 to vector<16xi32>
      %max3A_855 = arith.maxsi %max3A_854, %sub3A_851 : vector<16xi32>
      %min3A_856 = vector.broadcast %jit3A_853 : i32 to vector<16xi32>
      %min3A_857 = arith.minsi %min3A_856, %max3A_855 : vector<16xi32>
      %add3A_858 = arith.constant 2688 : i32
      %add3A_859 = vector.broadcast %add3A_858 : i32 to vector<16xi32>
      %add3A_860 = arith.addi %min3A_857, %add3A_859 : vector<16xi32>
      tpu.vector_store_idx %arg9[%add3A_860], %broadcast_in_dim3A_28 : memref<3072xf32, #tpu.memory_space<vmem>>[vector<16xi32>], vector<16xf32>,
      %get3A_861 = arith.constant 496 : index
      %get3A_862 = tpu.vector_load %arg6[%get3A_861] {strides = array<i32>} : memref<512xi32, #tpu.memory_space<vmem>>, vector<16xi32>,
      %gather3A_863 = tpu.vector_load_idx %arg7[%get3A_862] : memref<2048xi32, #tpu.memory_space<vmem>>[vector<16xi32>], vector<16xi32>,
      %sub3A_864 = arith.subi %gather3A_863, %gather3A : vector<16xi32>
      %jit3A_865 = arith.constant 0 : i32
      %jit3A_866 = arith.constant 383 : i32
      %max3A_867 = vector.broadcast %jit3A_865 : i32 to vector<16xi32>
      %max3A_868 = arith.maxsi %max3A_867, %sub3A_864 : vector<16xi32>
      %min3A_869 = vector.broadcast %jit3A_866 : i32 to vector<16xi32>
      %min3A_870 = arith.minsi %min3A_869, %max3A_868 : vector<16xi32>
      %add3A_871 = arith.constant 2688 : i32
      %add3A_872 = vector.broadcast %add3A_871 : i32 to vector<16xi32>
      %add3A_873 = arith.addi %min3A_870, %add3A_872 : vector<16xi32>
      tpu.vector_store_idx %arg9[%add3A_873], %broadcast_in_dim3A_28 : memref<3072xf32, #tpu.memory_space<vmem>>[vector<16xi32>], vector<16xf32>,
      %scan3A_874 = arith.constant 0 : i32
      scf.yield %scan3A_874 : i32
    }
    %scan3A_35 = arith.constant 8 : i32
    return
  }
}

module attributes {stable_mosaic.version = 14 : i64} {
  func.func @_qkv_body(%arg0: i32, %arg1: i32, %arg2: memref<256x1024xf32, #tpu.memory_space<vmem>>, %arg3: memref<1024x512xf32, #tpu.memory_space<vmem>>, %arg4: memref<1x512xf32, #tpu.memory_space<vmem>>, %arg5: memref<256x512xf32, #tpu.memory_space<vmem>>) attributes {dimension_semantics = [#tpu.dimension_semantics<arbitrary>, #tpu.dimension_semantics<arbitrary>], iteration_bounds = array<i64: 8, 6>, scalar_prefetch = 0 : i64, scratch_operands = 0 : i64, tpu.core_type = #tpu.core_type<tc>, window_params = [{transform_indices = @transform_0, window_bounds = array<i64: 256, 1024>}, {transform_indices = @transform_1, window_bounds = array<i64: 1024, 512>}, {transform_indices = @transform_2, window_bounds = array<i64: 1, 512>}, {transform_indices = @transform_3, window_bounds = array<i64: 256, 512>}]} {
    %get3A = arith.constant 0 : index
    %get3A_0 = arith.constant 0 : index
    %get3A_1 = vector.load %arg2[%get3A, %get3A_0] : memref<256x1024xf32, #tpu.memory_space<vmem>>, vector<256x1024xf32>
    %get3A_2 = arith.constant 0 : index
    %get3A_3 = arith.constant 0 : index
    %get3A_4 = vector.load %arg3[%get3A_2, %get3A_3] : memref<1024x512xf32, #tpu.memory_space<vmem>>, vector<1024x512xf32>
    %dot_general3A = arith.constant dense<0.000000e+00> : vector<256x512xf32>
    %dot_general3A_5 = tpu.matmul %get3A_1, %get3A_4, %dot_general3A {dimension_numbers = #tpu.dot_dimension_numbers<[1], [0], [0], [1], [0, 0, 1, 1], [], []>, transpose_lhs_hint = false} : vector<256x1024xf32>, vector<1024x512xf32>, vector<256x512xf32> -> vector<256x512xf32>
    %get3A_6 = arith.constant 0 : index
    %get3A_7 = arith.constant 0 : index
    %get3A_8 = vector.load %arg4[%get3A_6, %get3A_7] : memref<1x512xf32, #tpu.memory_space<vmem>>, vector<1x512xf32>
    %add3A = vector.broadcast %get3A_8 : vector<1x512xf32> to vector<256x512xf32>
    %add3A_9 = arith.addf %dot_general3A_5, %add3A : vector<256x512xf32>
    %swap3A = arith.constant 0 : index
    %swap3A_10 = arith.constant 0 : index
    %swap3A_11 = vector.load %arg5[%swap3A, %swap3A_10] : memref<256x512xf32, #tpu.memory_space<vmem>>, vector<256x512xf32>
    tpu.vector_store %arg5[%swap3A, %swap3A_10], %add3A_9 {strides = array<i32>} : memref<256x512xf32, #tpu.memory_space<vmem>>, vector<256x512xf32>,
    return
  }
  func.func @transform_0(%arg0: i32, %arg1: i32) -> (i32, i32) {
    %c0_i32 = arith.constant 0 : i32
    %c0_i32_0 = arith.constant 0 : i32
    return %arg0, %c0_i32 : i32, i32
  }
  func.func @transform_1(%arg0: i32, %arg1: i32) -> (i32, i32) {
    %c0_i32 = arith.constant 0 : i32
    %c0_i32_0 = arith.constant 0 : i32
    return %c0_i32, %arg1 : i32, i32
  }
  func.func @transform_2(%arg0: i32, %arg1: i32) -> (i32, i32) {
    %c0_i32 = arith.constant 0 : i32
    %c0_i32_0 = arith.constant 0 : i32
    return %c0_i32, %arg1 : i32, i32
  }
  func.func @transform_3(%arg0: i32, %arg1: i32) -> (i32, i32) {
    %c0_i32 = arith.constant 0 : i32
    return %arg0, %arg1 : i32, i32
  }
}

module attributes {stable_mosaic.version = 14 : i64} {
  func.func @_attn_body(%arg0: i32, %arg1: memref<8xi32, #tpu.memory_space<smem>>, %arg2: memref<256x384xf32, #tpu.memory_space<vmem>>, %arg3: memref<256x1024xf32, #tpu.memory_space<vmem>>, %arg4: memref<2048x1024xf32, #tpu.memory_space<vmem>>, %arg5: memref<2048x1024xf32, #tpu.memory_space<vmem>>, %arg6: memref<1024x1024xf32, #tpu.memory_space<vmem>>, %arg7: memref<1x1024xf32, #tpu.memory_space<vmem>>, %arg8: memref<256x1024xf32, #tpu.memory_space<vmem>>) attributes {dimension_semantics = [#tpu.dimension_semantics<arbitrary>], iteration_bounds = array<i64: 8>, scalar_prefetch = 0 : i64, scratch_operands = 0 : i64, tpu.core_type = #tpu.core_type<tc>, window_params = [{transform_indices = @transform_0, window_bounds = array<i64: 8>}, {transform_indices = @transform_1, window_bounds = array<i64: 256, 384>}, {transform_indices = @transform_2, window_bounds = array<i64: 256, 1024>}, {transform_indices = @transform_3, window_bounds = array<i64: 2048, 1024>}, {transform_indices = @transform_4, window_bounds = array<i64: 2048, 1024>}, {pipeline_mode = #tpu.pipeline_mode<synchronous>, transform_indices = @transform_5, window_bounds = array<i64: 1024, 1024>}, {pipeline_mode = #tpu.pipeline_mode<synchronous>, transform_indices = @transform_6, window_bounds = array<i64: 1, 1024>}, {transform_indices = @transform_7, window_bounds = array<i64: 256, 1024>}]} {
    %get3A = arith.index_cast %arg0 : i32 to index
    %get3A_0 = memref.load %arg1[%get3A] : memref<8xi32, #tpu.memory_space<smem>>
    %multiple_of3A = tpu.assume_multiple %get3A_0, 8 : i32
    %get3A_1 = arith.constant 0 : index
    %get3A_2 = arith.constant 0 : index
    %get3A_3 = vector.load %arg2[%get3A_1, %get3A_2] : memref<256x384xf32, #tpu.memory_space<vmem>>, vector<256x384xf32>
    %get3A_4 = arith.constant 0 : index
    %get3A_5 = arith.constant 0 : index
    %get3A_6 = vector.load %arg3[%get3A_4, %get3A_5] : memref<256x1024xf32, #tpu.memory_space<vmem>>, vector<256x64xf32>
    %get3A_7 = arith.index_cast %multiple_of3A : i32 to index
    %get3A_8 = arith.constant 0 : index
    %get3A_9 = vector.load %arg4[%get3A_7, %get3A_8] : memref<2048x1024xf32, #tpu.memory_space<vmem>>, vector<384x64xf32>
    %get3A_10 = arith.index_cast %multiple_of3A : i32 to index
    %get3A_11 = arith.constant 0 : index
    %get3A_12 = vector.load %arg5[%get3A_10, %get3A_11] : memref<2048x1024xf32, #tpu.memory_space<vmem>>, vector<384x64xf32>
    %dot_general3A = arith.constant dense<0.000000e+00> : vector<256x384xf32>
    %dot_general3A_13 = tpu.matmul %get3A_6, %get3A_9, %dot_general3A {dimension_numbers = #tpu.dot_dimension_numbers<[1], [1], [0], [0], [0, 0, 1, 0], [], []>, transpose_lhs_hint = false} : vector<256x64xf32>, vector<384x64xf32>, vector<256x384xf32> -> vector<256x384xf32>
    %mul3A = arith.constant 1.250000e-01 : f32
    %mul3A_14 = vector.broadcast %mul3A : f32 to vector<256x384xf32>
    %mul3A_15 = arith.mulf %dot_general3A_13, %mul3A_14 : vector<256x384xf32>
    %add3A = arith.addf %mul3A_15, %get3A_3 : vector<256x384xf32>
    %reduce_max3A = arith.constant dense<0xFF800000> : vector<256xf32>
    %reduce_max3A_16 = vector.multi_reduction <maximumf>, %add3A, %reduce_max3A [1] : vector<256x384xf32> to vector<256xf32>
    %broadcast_in_dim3A = vector.shape_cast %reduce_max3A_16 : vector<256xf32> to vector<256x1xf32>
    %sub3A = vector.broadcast %broadcast_in_dim3A : vector<256x1xf32> to vector<256x384xf32>
    %sub3A_17 = arith.subf %add3A, %sub3A : vector<256x384xf32>
    %exp3A = math.exp %sub3A_17 : vector<256x384xf32>
    %reduce_sum3A = arith.constant dense<0.000000e+00> : vector<256xf32>
    %reduce_sum3A_18 = vector.multi_reduction <add>, %exp3A, %reduce_sum3A [1] : vector<256x384xf32> to vector<256xf32>
    %broadcast_in_dim3A_19 = vector.shape_cast %reduce_sum3A_18 : vector<256xf32> to vector<256x1xf32>
    %div3A = vector.broadcast %broadcast_in_dim3A_19 : vector<256x1xf32> to vector<256x384xf32>
    %div3A_20 = arith.divf %exp3A, %div3A : vector<256x384xf32>
    %dot_general3A_21 = arith.constant dense<0.000000e+00> : vector<256x64xf32>
    %dot_general3A_22 = tpu.matmul %div3A_20, %get3A_12, %dot_general3A_21 {dimension_numbers = #tpu.dot_dimension_numbers<[1], [0], [0], [1], [0, 0, 1, 1], [], []>, transpose_lhs_hint = false} : vector<256x384xf32>, vector<384x64xf32>, vector<256x64xf32> -> vector<256x64xf32>
    %get3A_23 = arith.constant 0 : index
    %get3A_24 = arith.constant 64 : index
    %get3A_25 = vector.load %arg3[%get3A_23, %get3A_24] : memref<256x1024xf32, #tpu.memory_space<vmem>>, vector<256x64xf32>
    %get3A_26 = arith.index_cast %multiple_of3A : i32 to index
    %get3A_27 = arith.constant 64 : index
    %get3A_28 = vector.load %arg4[%get3A_26, %get3A_27] : memref<2048x1024xf32, #tpu.memory_space<vmem>>, vector<384x64xf32>
    %get3A_29 = arith.index_cast %multiple_of3A : i32 to index
    %get3A_30 = arith.constant 64 : index
    %get3A_31 = vector.load %arg5[%get3A_29, %get3A_30] : memref<2048x1024xf32, #tpu.memory_space<vmem>>, vector<384x64xf32>
    %dot_general3A_32 = arith.constant dense<0.000000e+00> : vector<256x384xf32>
    %dot_general3A_33 = tpu.matmul %get3A_25, %get3A_28, %dot_general3A_32 {dimension_numbers = #tpu.dot_dimension_numbers<[1], [1], [0], [0], [0, 0, 1, 0], [], []>, transpose_lhs_hint = false} : vector<256x64xf32>, vector<384x64xf32>, vector<256x384xf32> -> vector<256x384xf32>
    %mul3A_34 = arith.constant 1.250000e-01 : f32
    %mul3A_35 = vector.broadcast %mul3A_34 : f32 to vector<256x384xf32>
    %mul3A_36 = arith.mulf %dot_general3A_33, %mul3A_35 : vector<256x384xf32>
    %add3A_37 = arith.addf %mul3A_36, %get3A_3 : vector<256x384xf32>
    %reduce_max3A_38 = arith.constant dense<0xFF800000> : vector<256xf32>
    %reduce_max3A_39 = vector.multi_reduction <maximumf>, %add3A_37, %reduce_max3A_38 [1] : vector<256x384xf32> to vector<256xf32>
    %broadcast_in_dim3A_40 = vector.shape_cast %reduce_max3A_39 : vector<256xf32> to vector<256x1xf32>
    %sub3A_41 = vector.broadcast %broadcast_in_dim3A_40 : vector<256x1xf32> to vector<256x384xf32>
    %sub3A_42 = arith.subf %add3A_37, %sub3A_41 : vector<256x384xf32>
    %exp3A_43 = math.exp %sub3A_42 : vector<256x384xf32>
    %reduce_sum3A_44 = arith.constant dense<0.000000e+00> : vector<256xf32>
    %reduce_sum3A_45 = vector.multi_reduction <add>, %exp3A_43, %reduce_sum3A_44 [1] : vector<256x384xf32> to vector<256xf32>
    %broadcast_in_dim3A_46 = vector.shape_cast %reduce_sum3A_45 : vector<256xf32> to vector<256x1xf32>
    %div3A_47 = vector.broadcast %broadcast_in_dim3A_46 : vector<256x1xf32> to vector<256x384xf32>
    %div3A_48 = arith.divf %exp3A_43, %div3A_47 : vector<256x384xf32>
    %dot_general3A_49 = arith.constant dense<0.000000e+00> : vector<256x64xf32>
    %dot_general3A_50 = tpu.matmul %div3A_48, %get3A_31, %dot_general3A_49 {dimension_numbers = #tpu.dot_dimension_numbers<[1], [0], [0], [1], [0, 0, 1, 1], [], []>, transpose_lhs_hint = false} : vector<256x384xf32>, vector<384x64xf32>, vector<256x64xf32> -> vector<256x64xf32>
    %get3A_51 = arith.constant 0 : index
    %get3A_52 = arith.constant 128 : index
    %get3A_53 = vector.load %arg3[%get3A_51, %get3A_52] : memref<256x1024xf32, #tpu.memory_space<vmem>>, vector<256x64xf32>
    %get3A_54 = arith.index_cast %multiple_of3A : i32 to index
    %get3A_55 = arith.constant 128 : index
    %get3A_56 = vector.load %arg4[%get3A_54, %get3A_55] : memref<2048x1024xf32, #tpu.memory_space<vmem>>, vector<384x64xf32>
    %get3A_57 = arith.index_cast %multiple_of3A : i32 to index
    %get3A_58 = arith.constant 128 : index
    %get3A_59 = vector.load %arg5[%get3A_57, %get3A_58] : memref<2048x1024xf32, #tpu.memory_space<vmem>>, vector<384x64xf32>
    %dot_general3A_60 = arith.constant dense<0.000000e+00> : vector<256x384xf32>
    %dot_general3A_61 = tpu.matmul %get3A_53, %get3A_56, %dot_general3A_60 {dimension_numbers = #tpu.dot_dimension_numbers<[1], [1], [0], [0], [0, 0, 1, 0], [], []>, transpose_lhs_hint = false} : vector<256x64xf32>, vector<384x64xf32>, vector<256x384xf32> -> vector<256x384xf32>
    %mul3A_62 = arith.constant 1.250000e-01 : f32
    %mul3A_63 = vector.broadcast %mul3A_62 : f32 to vector<256x384xf32>
    %mul3A_64 = arith.mulf %dot_general3A_61, %mul3A_63 : vector<256x384xf32>
    %add3A_65 = arith.addf %mul3A_64, %get3A_3 : vector<256x384xf32>
    %reduce_max3A_66 = arith.constant dense<0xFF800000> : vector<256xf32>
    %reduce_max3A_67 = vector.multi_reduction <maximumf>, %add3A_65, %reduce_max3A_66 [1] : vector<256x384xf32> to vector<256xf32>
    %broadcast_in_dim3A_68 = vector.shape_cast %reduce_max3A_67 : vector<256xf32> to vector<256x1xf32>
    %sub3A_69 = vector.broadcast %broadcast_in_dim3A_68 : vector<256x1xf32> to vector<256x384xf32>
    %sub3A_70 = arith.subf %add3A_65, %sub3A_69 : vector<256x384xf32>
    %exp3A_71 = math.exp %sub3A_70 : vector<256x384xf32>
    %reduce_sum3A_72 = arith.constant dense<0.000000e+00> : vector<256xf32>
    %reduce_sum3A_73 = vector.multi_reduction <add>, %exp3A_71, %reduce_sum3A_72 [1] : vector<256x384xf32> to vector<256xf32>
    %broadcast_in_dim3A_74 = vector.shape_cast %reduce_sum3A_73 : vector<256xf32> to vector<256x1xf32>
    %div3A_75 = vector.broadcast %broadcast_in_dim3A_74 : vector<256x1xf32> to vector<256x384xf32>
    %div3A_76 = arith.divf %exp3A_71, %div3A_75 : vector<256x384xf32>
    %dot_general3A_77 = arith.constant dense<0.000000e+00> : vector<256x64xf32>
    %dot_general3A_78 = tpu.matmul %div3A_76, %get3A_59, %dot_general3A_77 {dimension_numbers = #tpu.dot_dimension_numbers<[1], [0], [0], [1], [0, 0, 1, 1], [], []>, transpose_lhs_hint = false} : vector<256x384xf32>, vector<384x64xf32>, vector<256x64xf32> -> vector<256x64xf32>
    %get3A_79 = arith.constant 0 : index
    %get3A_80 = arith.constant 192 : index
    %get3A_81 = vector.load %arg3[%get3A_79, %get3A_80] : memref<256x1024xf32, #tpu.memory_space<vmem>>, vector<256x64xf32>
    %get3A_82 = arith.index_cast %multiple_of3A : i32 to index
    %get3A_83 = arith.constant 192 : index
    %get3A_84 = vector.load %arg4[%get3A_82, %get3A_83] : memref<2048x1024xf32, #tpu.memory_space<vmem>>, vector<384x64xf32>
    %get3A_85 = arith.index_cast %multiple_of3A : i32 to index
    %get3A_86 = arith.constant 192 : index
    %get3A_87 = vector.load %arg5[%get3A_85, %get3A_86] : memref<2048x1024xf32, #tpu.memory_space<vmem>>, vector<384x64xf32>
    %dot_general3A_88 = arith.constant dense<0.000000e+00> : vector<256x384xf32>
    %dot_general3A_89 = tpu.matmul %get3A_81, %get3A_84, %dot_general3A_88 {dimension_numbers = #tpu.dot_dimension_numbers<[1], [1], [0], [0], [0, 0, 1, 0], [], []>, transpose_lhs_hint = false} : vector<256x64xf32>, vector<384x64xf32>, vector<256x384xf32> -> vector<256x384xf32>
    %mul3A_90 = arith.constant 1.250000e-01 : f32
    %mul3A_91 = vector.broadcast %mul3A_90 : f32 to vector<256x384xf32>
    %mul3A_92 = arith.mulf %dot_general3A_89, %mul3A_91 : vector<256x384xf32>
    %add3A_93 = arith.addf %mul3A_92, %get3A_3 : vector<256x384xf32>
    %reduce_max3A_94 = arith.constant dense<0xFF800000> : vector<256xf32>
    %reduce_max3A_95 = vector.multi_reduction <maximumf>, %add3A_93, %reduce_max3A_94 [1] : vector<256x384xf32> to vector<256xf32>
    %broadcast_in_dim3A_96 = vector.shape_cast %reduce_max3A_95 : vector<256xf32> to vector<256x1xf32>
    %sub3A_97 = vector.broadcast %broadcast_in_dim3A_96 : vector<256x1xf32> to vector<256x384xf32>
    %sub3A_98 = arith.subf %add3A_93, %sub3A_97 : vector<256x384xf32>
    %exp3A_99 = math.exp %sub3A_98 : vector<256x384xf32>
    %reduce_sum3A_100 = arith.constant dense<0.000000e+00> : vector<256xf32>
    %reduce_sum3A_101 = vector.multi_reduction <add>, %exp3A_99, %reduce_sum3A_100 [1] : vector<256x384xf32> to vector<256xf32>
    %broadcast_in_dim3A_102 = vector.shape_cast %reduce_sum3A_101 : vector<256xf32> to vector<256x1xf32>
    %div3A_103 = vector.broadcast %broadcast_in_dim3A_102 : vector<256x1xf32> to vector<256x384xf32>
    %div3A_104 = arith.divf %exp3A_99, %div3A_103 : vector<256x384xf32>
    %dot_general3A_105 = arith.constant dense<0.000000e+00> : vector<256x64xf32>
    %dot_general3A_106 = tpu.matmul %div3A_104, %get3A_87, %dot_general3A_105 {dimension_numbers = #tpu.dot_dimension_numbers<[1], [0], [0], [1], [0, 0, 1, 1], [], []>, transpose_lhs_hint = false} : vector<256x384xf32>, vector<384x64xf32>, vector<256x64xf32> -> vector<256x64xf32>
    %get3A_107 = arith.constant 0 : index
    %get3A_108 = arith.constant 256 : index
    %get3A_109 = vector.load %arg3[%get3A_107, %get3A_108] : memref<256x1024xf32, #tpu.memory_space<vmem>>, vector<256x64xf32>
    %get3A_110 = arith.index_cast %multiple_of3A : i32 to index
    %get3A_111 = arith.constant 256 : index
    %get3A_112 = vector.load %arg4[%get3A_110, %get3A_111] : memref<2048x1024xf32, #tpu.memory_space<vmem>>, vector<384x64xf32>
    %get3A_113 = arith.index_cast %multiple_of3A : i32 to index
    %get3A_114 = arith.constant 256 : index
    %get3A_115 = vector.load %arg5[%get3A_113, %get3A_114] : memref<2048x1024xf32, #tpu.memory_space<vmem>>, vector<384x64xf32>
    %dot_general3A_116 = arith.constant dense<0.000000e+00> : vector<256x384xf32>
    %dot_general3A_117 = tpu.matmul %get3A_109, %get3A_112, %dot_general3A_116 {dimension_numbers = #tpu.dot_dimension_numbers<[1], [1], [0], [0], [0, 0, 1, 0], [], []>, transpose_lhs_hint = false} : vector<256x64xf32>, vector<384x64xf32>, vector<256x384xf32> -> vector<256x384xf32>
    %mul3A_118 = arith.constant 1.250000e-01 : f32
    %mul3A_119 = vector.broadcast %mul3A_118 : f32 to vector<256x384xf32>
    %mul3A_120 = arith.mulf %dot_general3A_117, %mul3A_119 : vector<256x384xf32>
    %add3A_121 = arith.addf %mul3A_120, %get3A_3 : vector<256x384xf32>
    %reduce_max3A_122 = arith.constant dense<0xFF800000> : vector<256xf32>
    %reduce_max3A_123 = vector.multi_reduction <maximumf>, %add3A_121, %reduce_max3A_122 [1] : vector<256x384xf32> to vector<256xf32>
    %broadcast_in_dim3A_124 = vector.shape_cast %reduce_max3A_123 : vector<256xf32> to vector<256x1xf32>
    %sub3A_125 = vector.broadcast %broadcast_in_dim3A_124 : vector<256x1xf32> to vector<256x384xf32>
    %sub3A_126 = arith.subf %add3A_121, %sub3A_125 : vector<256x384xf32>
    %exp3A_127 = math.exp %sub3A_126 : vector<256x384xf32>
    %reduce_sum3A_128 = arith.constant dense<0.000000e+00> : vector<256xf32>
    %reduce_sum3A_129 = vector.multi_reduction <add>, %exp3A_127, %reduce_sum3A_128 [1] : vector<256x384xf32> to vector<256xf32>
    %broadcast_in_dim3A_130 = vector.shape_cast %reduce_sum3A_129 : vector<256xf32> to vector<256x1xf32>
    %div3A_131 = vector.broadcast %broadcast_in_dim3A_130 : vector<256x1xf32> to vector<256x384xf32>
    %div3A_132 = arith.divf %exp3A_127, %div3A_131 : vector<256x384xf32>
    %dot_general3A_133 = arith.constant dense<0.000000e+00> : vector<256x64xf32>
    %dot_general3A_134 = tpu.matmul %div3A_132, %get3A_115, %dot_general3A_133 {dimension_numbers = #tpu.dot_dimension_numbers<[1], [0], [0], [1], [0, 0, 1, 1], [], []>, transpose_lhs_hint = false} : vector<256x384xf32>, vector<384x64xf32>, vector<256x64xf32> -> vector<256x64xf32>
    %get3A_135 = arith.constant 0 : index
    %get3A_136 = arith.constant 320 : index
    %get3A_137 = vector.load %arg3[%get3A_135, %get3A_136] : memref<256x1024xf32, #tpu.memory_space<vmem>>, vector<256x64xf32>
    %get3A_138 = arith.index_cast %multiple_of3A : i32 to index
    %get3A_139 = arith.constant 320 : index
    %get3A_140 = vector.load %arg4[%get3A_138, %get3A_139] : memref<2048x1024xf32, #tpu.memory_space<vmem>>, vector<384x64xf32>
    %get3A_141 = arith.index_cast %multiple_of3A : i32 to index
    %get3A_142 = arith.constant 320 : index
    %get3A_143 = vector.load %arg5[%get3A_141, %get3A_142] : memref<2048x1024xf32, #tpu.memory_space<vmem>>, vector<384x64xf32>
    %dot_general3A_144 = arith.constant dense<0.000000e+00> : vector<256x384xf32>
    %dot_general3A_145 = tpu.matmul %get3A_137, %get3A_140, %dot_general3A_144 {dimension_numbers = #tpu.dot_dimension_numbers<[1], [1], [0], [0], [0, 0, 1, 0], [], []>, transpose_lhs_hint = false} : vector<256x64xf32>, vector<384x64xf32>, vector<256x384xf32> -> vector<256x384xf32>
    %mul3A_146 = arith.constant 1.250000e-01 : f32
    %mul3A_147 = vector.broadcast %mul3A_146 : f32 to vector<256x384xf32>
    %mul3A_148 = arith.mulf %dot_general3A_145, %mul3A_147 : vector<256x384xf32>
    %add3A_149 = arith.addf %mul3A_148, %get3A_3 : vector<256x384xf32>
    %reduce_max3A_150 = arith.constant dense<0xFF800000> : vector<256xf32>
    %reduce_max3A_151 = vector.multi_reduction <maximumf>, %add3A_149, %reduce_max3A_150 [1] : vector<256x384xf32> to vector<256xf32>
    %broadcast_in_dim3A_152 = vector.shape_cast %reduce_max3A_151 : vector<256xf32> to vector<256x1xf32>
    %sub3A_153 = vector.broadcast %broadcast_in_dim3A_152 : vector<256x1xf32> to vector<256x384xf32>
    %sub3A_154 = arith.subf %add3A_149, %sub3A_153 : vector<256x384xf32>
    %exp3A_155 = math.exp %sub3A_154 : vector<256x384xf32>
    %reduce_sum3A_156 = arith.constant dense<0.000000e+00> : vector<256xf32>
    %reduce_sum3A_157 = vector.multi_reduction <add>, %exp3A_155, %reduce_sum3A_156 [1] : vector<256x384xf32> to vector<256xf32>
    %broadcast_in_dim3A_158 = vector.shape_cast %reduce_sum3A_157 : vector<256xf32> to vector<256x1xf32>
    %div3A_159 = vector.broadcast %broadcast_in_dim3A_158 : vector<256x1xf32> to vector<256x384xf32>
    %div3A_160 = arith.divf %exp3A_155, %div3A_159 : vector<256x384xf32>
    %dot_general3A_161 = arith.constant dense<0.000000e+00> : vector<256x64xf32>
    %dot_general3A_162 = tpu.matmul %div3A_160, %get3A_143, %dot_general3A_161 {dimension_numbers = #tpu.dot_dimension_numbers<[1], [0], [0], [1], [0, 0, 1, 1], [], []>, transpose_lhs_hint = false} : vector<256x384xf32>, vector<384x64xf32>, vector<256x64xf32> -> vector<256x64xf32>
    %get3A_163 = arith.constant 0 : index
    %get3A_164 = arith.constant 384 : index
    %get3A_165 = vector.load %arg3[%get3A_163, %get3A_164] : memref<256x1024xf32, #tpu.memory_space<vmem>>, vector<256x64xf32>
    %get3A_166 = arith.index_cast %multiple_of3A : i32 to index
    %get3A_167 = arith.constant 384 : index
    %get3A_168 = vector.load %arg4[%get3A_166, %get3A_167] : memref<2048x1024xf32, #tpu.memory_space<vmem>>, vector<384x64xf32>
    %get3A_169 = arith.index_cast %multiple_of3A : i32 to index
    %get3A_170 = arith.constant 384 : index
    %get3A_171 = vector.load %arg5[%get3A_169, %get3A_170] : memref<2048x1024xf32, #tpu.memory_space<vmem>>, vector<384x64xf32>
    %dot_general3A_172 = arith.constant dense<0.000000e+00> : vector<256x384xf32>
    %dot_general3A_173 = tpu.matmul %get3A_165, %get3A_168, %dot_general3A_172 {dimension_numbers = #tpu.dot_dimension_numbers<[1], [1], [0], [0], [0, 0, 1, 0], [], []>, transpose_lhs_hint = false} : vector<256x64xf32>, vector<384x64xf32>, vector<256x384xf32> -> vector<256x384xf32>
    %mul3A_174 = arith.constant 1.250000e-01 : f32
    %mul3A_175 = vector.broadcast %mul3A_174 : f32 to vector<256x384xf32>
    %mul3A_176 = arith.mulf %dot_general3A_173, %mul3A_175 : vector<256x384xf32>
    %add3A_177 = arith.addf %mul3A_176, %get3A_3 : vector<256x384xf32>
    %reduce_max3A_178 = arith.constant dense<0xFF800000> : vector<256xf32>
    %reduce_max3A_179 = vector.multi_reduction <maximumf>, %add3A_177, %reduce_max3A_178 [1] : vector<256x384xf32> to vector<256xf32>
    %broadcast_in_dim3A_180 = vector.shape_cast %reduce_max3A_179 : vector<256xf32> to vector<256x1xf32>
    %sub3A_181 = vector.broadcast %broadcast_in_dim3A_180 : vector<256x1xf32> to vector<256x384xf32>
    %sub3A_182 = arith.subf %add3A_177, %sub3A_181 : vector<256x384xf32>
    %exp3A_183 = math.exp %sub3A_182 : vector<256x384xf32>
    %reduce_sum3A_184 = arith.constant dense<0.000000e+00> : vector<256xf32>
    %reduce_sum3A_185 = vector.multi_reduction <add>, %exp3A_183, %reduce_sum3A_184 [1] : vector<256x384xf32> to vector<256xf32>
    %broadcast_in_dim3A_186 = vector.shape_cast %reduce_sum3A_185 : vector<256xf32> to vector<256x1xf32>
    %div3A_187 = vector.broadcast %broadcast_in_dim3A_186 : vector<256x1xf32> to vector<256x384xf32>
    %div3A_188 = arith.divf %exp3A_183, %div3A_187 : vector<256x384xf32>
    %dot_general3A_189 = arith.constant dense<0.000000e+00> : vector<256x64xf32>
    %dot_general3A_190 = tpu.matmul %div3A_188, %get3A_171, %dot_general3A_189 {dimension_numbers = #tpu.dot_dimension_numbers<[1], [0], [0], [1], [0, 0, 1, 1], [], []>, transpose_lhs_hint = false} : vector<256x384xf32>, vector<384x64xf32>, vector<256x64xf32> -> vector<256x64xf32>
    %get3A_191 = arith.constant 0 : index
    %get3A_192 = arith.constant 448 : index
    %get3A_193 = vector.load %arg3[%get3A_191, %get3A_192] : memref<256x1024xf32, #tpu.memory_space<vmem>>, vector<256x64xf32>
    %get3A_194 = arith.index_cast %multiple_of3A : i32 to index
    %get3A_195 = arith.constant 448 : index
    %get3A_196 = vector.load %arg4[%get3A_194, %get3A_195] : memref<2048x1024xf32, #tpu.memory_space<vmem>>, vector<384x64xf32>
    %get3A_197 = arith.index_cast %multiple_of3A : i32 to index
    %get3A_198 = arith.constant 448 : index
    %get3A_199 = vector.load %arg5[%get3A_197, %get3A_198] : memref<2048x1024xf32, #tpu.memory_space<vmem>>, vector<384x64xf32>
    %dot_general3A_200 = arith.constant dense<0.000000e+00> : vector<256x384xf32>
    %dot_general3A_201 = tpu.matmul %get3A_193, %get3A_196, %dot_general3A_200 {dimension_numbers = #tpu.dot_dimension_numbers<[1], [1], [0], [0], [0, 0, 1, 0], [], []>, transpose_lhs_hint = false} : vector<256x64xf32>, vector<384x64xf32>, vector<256x384xf32> -> vector<256x384xf32>
    %mul3A_202 = arith.constant 1.250000e-01 : f32
    %mul3A_203 = vector.broadcast %mul3A_202 : f32 to vector<256x384xf32>
    %mul3A_204 = arith.mulf %dot_general3A_201, %mul3A_203 : vector<256x384xf32>
    %add3A_205 = arith.addf %mul3A_204, %get3A_3 : vector<256x384xf32>
    %reduce_max3A_206 = arith.constant dense<0xFF800000> : vector<256xf32>
    %reduce_max3A_207 = vector.multi_reduction <maximumf>, %add3A_205, %reduce_max3A_206 [1] : vector<256x384xf32> to vector<256xf32>
    %broadcast_in_dim3A_208 = vector.shape_cast %reduce_max3A_207 : vector<256xf32> to vector<256x1xf32>
    %sub3A_209 = vector.broadcast %broadcast_in_dim3A_208 : vector<256x1xf32> to vector<256x384xf32>
    %sub3A_210 = arith.subf %add3A_205, %sub3A_209 : vector<256x384xf32>
    %exp3A_211 = math.exp %sub3A_210 : vector<256x384xf32>
    %reduce_sum3A_212 = arith.constant dense<0.000000e+00> : vector<256xf32>
    %reduce_sum3A_213 = vector.multi_reduction <add>, %exp3A_211, %reduce_sum3A_212 [1] : vector<256x384xf32> to vector<256xf32>
    %broadcast_in_dim3A_214 = vector.shape_cast %reduce_sum3A_213 : vector<256xf32> to vector<256x1xf32>
    %div3A_215 = vector.broadcast %broadcast_in_dim3A_214 : vector<256x1xf32> to vector<256x384xf32>
    %div3A_216 = arith.divf %exp3A_211, %div3A_215 : vector<256x384xf32>
    %dot_general3A_217 = arith.constant dense<0.000000e+00> : vector<256x64xf32>
    %dot_general3A_218 = tpu.matmul %div3A_216, %get3A_199, %dot_general3A_217 {dimension_numbers = #tpu.dot_dimension_numbers<[1], [0], [0], [1], [0, 0, 1, 1], [], []>, transpose_lhs_hint = false} : vector<256x384xf32>, vector<384x64xf32>, vector<256x64xf32> -> vector<256x64xf32>
    %get3A_219 = arith.constant 0 : index
    %get3A_220 = arith.constant 512 : index
    %get3A_221 = vector.load %arg3[%get3A_219, %get3A_220] : memref<256x1024xf32, #tpu.memory_space<vmem>>, vector<256x64xf32>
    %get3A_222 = arith.index_cast %multiple_of3A : i32 to index
    %get3A_223 = arith.constant 512 : index
    %get3A_224 = vector.load %arg4[%get3A_222, %get3A_223] : memref<2048x1024xf32, #tpu.memory_space<vmem>>, vector<384x64xf32>
    %get3A_225 = arith.index_cast %multiple_of3A : i32 to index
    %get3A_226 = arith.constant 512 : index
    %get3A_227 = vector.load %arg5[%get3A_225, %get3A_226] : memref<2048x1024xf32, #tpu.memory_space<vmem>>, vector<384x64xf32>
    %dot_general3A_228 = arith.constant dense<0.000000e+00> : vector<256x384xf32>
    %dot_general3A_229 = tpu.matmul %get3A_221, %get3A_224, %dot_general3A_228 {dimension_numbers = #tpu.dot_dimension_numbers<[1], [1], [0], [0], [0, 0, 1, 0], [], []>, transpose_lhs_hint = false} : vector<256x64xf32>, vector<384x64xf32>, vector<256x384xf32> -> vector<256x384xf32>
    %mul3A_230 = arith.constant 1.250000e-01 : f32
    %mul3A_231 = vector.broadcast %mul3A_230 : f32 to vector<256x384xf32>
    %mul3A_232 = arith.mulf %dot_general3A_229, %mul3A_231 : vector<256x384xf32>
    %add3A_233 = arith.addf %mul3A_232, %get3A_3 : vector<256x384xf32>
    %reduce_max3A_234 = arith.constant dense<0xFF800000> : vector<256xf32>
    %reduce_max3A_235 = vector.multi_reduction <maximumf>, %add3A_233, %reduce_max3A_234 [1] : vector<256x384xf32> to vector<256xf32>
    %broadcast_in_dim3A_236 = vector.shape_cast %reduce_max3A_235 : vector<256xf32> to vector<256x1xf32>
    %sub3A_237 = vector.broadcast %broadcast_in_dim3A_236 : vector<256x1xf32> to vector<256x384xf32>
    %sub3A_238 = arith.subf %add3A_233, %sub3A_237 : vector<256x384xf32>
    %exp3A_239 = math.exp %sub3A_238 : vector<256x384xf32>
    %reduce_sum3A_240 = arith.constant dense<0.000000e+00> : vector<256xf32>
    %reduce_sum3A_241 = vector.multi_reduction <add>, %exp3A_239, %reduce_sum3A_240 [1] : vector<256x384xf32> to vector<256xf32>
    %broadcast_in_dim3A_242 = vector.shape_cast %reduce_sum3A_241 : vector<256xf32> to vector<256x1xf32>
    %div3A_243 = vector.broadcast %broadcast_in_dim3A_242 : vector<256x1xf32> to vector<256x384xf32>
    %div3A_244 = arith.divf %exp3A_239, %div3A_243 : vector<256x384xf32>
    %dot_general3A_245 = arith.constant dense<0.000000e+00> : vector<256x64xf32>
    %dot_general3A_246 = tpu.matmul %div3A_244, %get3A_227, %dot_general3A_245 {dimension_numbers = #tpu.dot_dimension_numbers<[1], [0], [0], [1], [0, 0, 1, 1], [], []>, transpose_lhs_hint = false} : vector<256x384xf32>, vector<384x64xf32>, vector<256x64xf32> -> vector<256x64xf32>
    %get3A_247 = arith.constant 0 : index
    %get3A_248 = arith.constant 576 : index
    %get3A_249 = vector.load %arg3[%get3A_247, %get3A_248] : memref<256x1024xf32, #tpu.memory_space<vmem>>, vector<256x64xf32>
    %get3A_250 = arith.index_cast %multiple_of3A : i32 to index
    %get3A_251 = arith.constant 576 : index
    %get3A_252 = vector.load %arg4[%get3A_250, %get3A_251] : memref<2048x1024xf32, #tpu.memory_space<vmem>>, vector<384x64xf32>
    %get3A_253 = arith.index_cast %multiple_of3A : i32 to index
    %get3A_254 = arith.constant 576 : index
    %get3A_255 = vector.load %arg5[%get3A_253, %get3A_254] : memref<2048x1024xf32, #tpu.memory_space<vmem>>, vector<384x64xf32>
    %dot_general3A_256 = arith.constant dense<0.000000e+00> : vector<256x384xf32>
    %dot_general3A_257 = tpu.matmul %get3A_249, %get3A_252, %dot_general3A_256 {dimension_numbers = #tpu.dot_dimension_numbers<[1], [1], [0], [0], [0, 0, 1, 0], [], []>, transpose_lhs_hint = false} : vector<256x64xf32>, vector<384x64xf32>, vector<256x384xf32> -> vector<256x384xf32>
    %mul3A_258 = arith.constant 1.250000e-01 : f32
    %mul3A_259 = vector.broadcast %mul3A_258 : f32 to vector<256x384xf32>
    %mul3A_260 = arith.mulf %dot_general3A_257, %mul3A_259 : vector<256x384xf32>
    %add3A_261 = arith.addf %mul3A_260, %get3A_3 : vector<256x384xf32>
    %reduce_max3A_262 = arith.constant dense<0xFF800000> : vector<256xf32>
    %reduce_max3A_263 = vector.multi_reduction <maximumf>, %add3A_261, %reduce_max3A_262 [1] : vector<256x384xf32> to vector<256xf32>
    %broadcast_in_dim3A_264 = vector.shape_cast %reduce_max3A_263 : vector<256xf32> to vector<256x1xf32>
    %sub3A_265 = vector.broadcast %broadcast_in_dim3A_264 : vector<256x1xf32> to vector<256x384xf32>
    %sub3A_266 = arith.subf %add3A_261, %sub3A_265 : vector<256x384xf32>
    %exp3A_267 = math.exp %sub3A_266 : vector<256x384xf32>
    %reduce_sum3A_268 = arith.constant dense<0.000000e+00> : vector<256xf32>
    %reduce_sum3A_269 = vector.multi_reduction <add>, %exp3A_267, %reduce_sum3A_268 [1] : vector<256x384xf32> to vector<256xf32>
    %broadcast_in_dim3A_270 = vector.shape_cast %reduce_sum3A_269 : vector<256xf32> to vector<256x1xf32>
    %div3A_271 = vector.broadcast %broadcast_in_dim3A_270 : vector<256x1xf32> to vector<256x384xf32>
    %div3A_272 = arith.divf %exp3A_267, %div3A_271 : vector<256x384xf32>
    %dot_general3A_273 = arith.constant dense<0.000000e+00> : vector<256x64xf32>
    %dot_general3A_274 = tpu.matmul %div3A_272, %get3A_255, %dot_general3A_273 {dimension_numbers = #tpu.dot_dimension_numbers<[1], [0], [0], [1], [0, 0, 1, 1], [], []>, transpose_lhs_hint = false} : vector<256x384xf32>, vector<384x64xf32>, vector<256x64xf32> -> vector<256x64xf32>
    %get3A_275 = arith.constant 0 : index
    %get3A_276 = arith.constant 640 : index
    %get3A_277 = vector.load %arg3[%get3A_275, %get3A_276] : memref<256x1024xf32, #tpu.memory_space<vmem>>, vector<256x64xf32>
    %get3A_278 = arith.index_cast %multiple_of3A : i32 to index
    %get3A_279 = arith.constant 640 : index
    %get3A_280 = vector.load %arg4[%get3A_278, %get3A_279] : memref<2048x1024xf32, #tpu.memory_space<vmem>>, vector<384x64xf32>
    %get3A_281 = arith.index_cast %multiple_of3A : i32 to index
    %get3A_282 = arith.constant 640 : index
    %get3A_283 = vector.load %arg5[%get3A_281, %get3A_282] : memref<2048x1024xf32, #tpu.memory_space<vmem>>, vector<384x64xf32>
    %dot_general3A_284 = arith.constant dense<0.000000e+00> : vector<256x384xf32>
    %dot_general3A_285 = tpu.matmul %get3A_277, %get3A_280, %dot_general3A_284 {dimension_numbers = #tpu.dot_dimension_numbers<[1], [1], [0], [0], [0, 0, 1, 0], [], []>, transpose_lhs_hint = false} : vector<256x64xf32>, vector<384x64xf32>, vector<256x384xf32> -> vector<256x384xf32>
    %mul3A_286 = arith.constant 1.250000e-01 : f32
    %mul3A_287 = vector.broadcast %mul3A_286 : f32 to vector<256x384xf32>
    %mul3A_288 = arith.mulf %dot_general3A_285, %mul3A_287 : vector<256x384xf32>
    %add3A_289 = arith.addf %mul3A_288, %get3A_3 : vector<256x384xf32>
    %reduce_max3A_290 = arith.constant dense<0xFF800000> : vector<256xf32>
    %reduce_max3A_291 = vector.multi_reduction <maximumf>, %add3A_289, %reduce_max3A_290 [1] : vector<256x384xf32> to vector<256xf32>
    %broadcast_in_dim3A_292 = vector.shape_cast %reduce_max3A_291 : vector<256xf32> to vector<256x1xf32>
    %sub3A_293 = vector.broadcast %broadcast_in_dim3A_292 : vector<256x1xf32> to vector<256x384xf32>
    %sub3A_294 = arith.subf %add3A_289, %sub3A_293 : vector<256x384xf32>
    %exp3A_295 = math.exp %sub3A_294 : vector<256x384xf32>
    %reduce_sum3A_296 = arith.constant dense<0.000000e+00> : vector<256xf32>
    %reduce_sum3A_297 = vector.multi_reduction <add>, %exp3A_295, %reduce_sum3A_296 [1] : vector<256x384xf32> to vector<256xf32>
    %broadcast_in_dim3A_298 = vector.shape_cast %reduce_sum3A_297 : vector<256xf32> to vector<256x1xf32>
    %div3A_299 = vector.broadcast %broadcast_in_dim3A_298 : vector<256x1xf32> to vector<256x384xf32>
    %div3A_300 = arith.divf %exp3A_295, %div3A_299 : vector<256x384xf32>
    %dot_general3A_301 = arith.constant dense<0.000000e+00> : vector<256x64xf32>
    %dot_general3A_302 = tpu.matmul %div3A_300, %get3A_283, %dot_general3A_301 {dimension_numbers = #tpu.dot_dimension_numbers<[1], [0], [0], [1], [0, 0, 1, 1], [], []>, transpose_lhs_hint = false} : vector<256x384xf32>, vector<384x64xf32>, vector<256x64xf32> -> vector<256x64xf32>
    %get3A_303 = arith.constant 0 : index
    %get3A_304 = arith.constant 704 : index
    %get3A_305 = vector.load %arg3[%get3A_303, %get3A_304] : memref<256x1024xf32, #tpu.memory_space<vmem>>, vector<256x64xf32>
    %get3A_306 = arith.index_cast %multiple_of3A : i32 to index
    %get3A_307 = arith.constant 704 : index
    %get3A_308 = vector.load %arg4[%get3A_306, %get3A_307] : memref<2048x1024xf32, #tpu.memory_space<vmem>>, vector<384x64xf32>
    %get3A_309 = arith.index_cast %multiple_of3A : i32 to index
    %get3A_310 = arith.constant 704 : index
    %get3A_311 = vector.load %arg5[%get3A_309, %get3A_310] : memref<2048x1024xf32, #tpu.memory_space<vmem>>, vector<384x64xf32>
    %dot_general3A_312 = arith.constant dense<0.000000e+00> : vector<256x384xf32>
    %dot_general3A_313 = tpu.matmul %get3A_305, %get3A_308, %dot_general3A_312 {dimension_numbers = #tpu.dot_dimension_numbers<[1], [1], [0], [0], [0, 0, 1, 0], [], []>, transpose_lhs_hint = false} : vector<256x64xf32>, vector<384x64xf32>, vector<256x384xf32> -> vector<256x384xf32>
    %mul3A_314 = arith.constant 1.250000e-01 : f32
    %mul3A_315 = vector.broadcast %mul3A_314 : f32 to vector<256x384xf32>
    %mul3A_316 = arith.mulf %dot_general3A_313, %mul3A_315 : vector<256x384xf32>
    %add3A_317 = arith.addf %mul3A_316, %get3A_3 : vector<256x384xf32>
    %reduce_max3A_318 = arith.constant dense<0xFF800000> : vector<256xf32>
    %reduce_max3A_319 = vector.multi_reduction <maximumf>, %add3A_317, %reduce_max3A_318 [1] : vector<256x384xf32> to vector<256xf32>
    %broadcast_in_dim3A_320 = vector.shape_cast %reduce_max3A_319 : vector<256xf32> to vector<256x1xf32>
    %sub3A_321 = vector.broadcast %broadcast_in_dim3A_320 : vector<256x1xf32> to vector<256x384xf32>
    %sub3A_322 = arith.subf %add3A_317, %sub3A_321 : vector<256x384xf32>
    %exp3A_323 = math.exp %sub3A_322 : vector<256x384xf32>
    %reduce_sum3A_324 = arith.constant dense<0.000000e+00> : vector<256xf32>
    %reduce_sum3A_325 = vector.multi_reduction <add>, %exp3A_323, %reduce_sum3A_324 [1] : vector<256x384xf32> to vector<256xf32>
    %broadcast_in_dim3A_326 = vector.shape_cast %reduce_sum3A_325 : vector<256xf32> to vector<256x1xf32>
    %div3A_327 = vector.broadcast %broadcast_in_dim3A_326 : vector<256x1xf32> to vector<256x384xf32>
    %div3A_328 = arith.divf %exp3A_323, %div3A_327 : vector<256x384xf32>
    %dot_general3A_329 = arith.constant dense<0.000000e+00> : vector<256x64xf32>
    %dot_general3A_330 = tpu.matmul %div3A_328, %get3A_311, %dot_general3A_329 {dimension_numbers = #tpu.dot_dimension_numbers<[1], [0], [0], [1], [0, 0, 1, 1], [], []>, transpose_lhs_hint = false} : vector<256x384xf32>, vector<384x64xf32>, vector<256x64xf32> -> vector<256x64xf32>
    %get3A_331 = arith.constant 0 : index
    %get3A_332 = arith.constant 768 : index
    %get3A_333 = vector.load %arg3[%get3A_331, %get3A_332] : memref<256x1024xf32, #tpu.memory_space<vmem>>, vector<256x64xf32>
    %get3A_334 = arith.index_cast %multiple_of3A : i32 to index
    %get3A_335 = arith.constant 768 : index
    %get3A_336 = vector.load %arg4[%get3A_334, %get3A_335] : memref<2048x1024xf32, #tpu.memory_space<vmem>>, vector<384x64xf32>
    %get3A_337 = arith.index_cast %multiple_of3A : i32 to index
    %get3A_338 = arith.constant 768 : index
    %get3A_339 = vector.load %arg5[%get3A_337, %get3A_338] : memref<2048x1024xf32, #tpu.memory_space<vmem>>, vector<384x64xf32>
    %dot_general3A_340 = arith.constant dense<0.000000e+00> : vector<256x384xf32>
    %dot_general3A_341 = tpu.matmul %get3A_333, %get3A_336, %dot_general3A_340 {dimension_numbers = #tpu.dot_dimension_numbers<[1], [1], [0], [0], [0, 0, 1, 0], [], []>, transpose_lhs_hint = false} : vector<256x64xf32>, vector<384x64xf32>, vector<256x384xf32> -> vector<256x384xf32>
    %mul3A_342 = arith.constant 1.250000e-01 : f32
    %mul3A_343 = vector.broadcast %mul3A_342 : f32 to vector<256x384xf32>
    %mul3A_344 = arith.mulf %dot_general3A_341, %mul3A_343 : vector<256x384xf32>
    %add3A_345 = arith.addf %mul3A_344, %get3A_3 : vector<256x384xf32>
    %reduce_max3A_346 = arith.constant dense<0xFF800000> : vector<256xf32>
    %reduce_max3A_347 = vector.multi_reduction <maximumf>, %add3A_345, %reduce_max3A_346 [1] : vector<256x384xf32> to vector<256xf32>
    %broadcast_in_dim3A_348 = vector.shape_cast %reduce_max3A_347 : vector<256xf32> to vector<256x1xf32>
    %sub3A_349 = vector.broadcast %broadcast_in_dim3A_348 : vector<256x1xf32> to vector<256x384xf32>
    %sub3A_350 = arith.subf %add3A_345, %sub3A_349 : vector<256x384xf32>
    %exp3A_351 = math.exp %sub3A_350 : vector<256x384xf32>
    %reduce_sum3A_352 = arith.constant dense<0.000000e+00> : vector<256xf32>
    %reduce_sum3A_353 = vector.multi_reduction <add>, %exp3A_351, %reduce_sum3A_352 [1] : vector<256x384xf32> to vector<256xf32>
    %broadcast_in_dim3A_354 = vector.shape_cast %reduce_sum3A_353 : vector<256xf32> to vector<256x1xf32>
    %div3A_355 = vector.broadcast %broadcast_in_dim3A_354 : vector<256x1xf32> to vector<256x384xf32>
    %div3A_356 = arith.divf %exp3A_351, %div3A_355 : vector<256x384xf32>
    %dot_general3A_357 = arith.constant dense<0.000000e+00> : vector<256x64xf32>
    %dot_general3A_358 = tpu.matmul %div3A_356, %get3A_339, %dot_general3A_357 {dimension_numbers = #tpu.dot_dimension_numbers<[1], [0], [0], [1], [0, 0, 1, 1], [], []>, transpose_lhs_hint = false} : vector<256x384xf32>, vector<384x64xf32>, vector<256x64xf32> -> vector<256x64xf32>
    %get3A_359 = arith.constant 0 : index
    %get3A_360 = arith.constant 832 : index
    %get3A_361 = vector.load %arg3[%get3A_359, %get3A_360] : memref<256x1024xf32, #tpu.memory_space<vmem>>, vector<256x64xf32>
    %get3A_362 = arith.index_cast %multiple_of3A : i32 to index
    %get3A_363 = arith.constant 832 : index
    %get3A_364 = vector.load %arg4[%get3A_362, %get3A_363] : memref<2048x1024xf32, #tpu.memory_space<vmem>>, vector<384x64xf32>
    %get3A_365 = arith.index_cast %multiple_of3A : i32 to index
    %get3A_366 = arith.constant 832 : index
    %get3A_367 = vector.load %arg5[%get3A_365, %get3A_366] : memref<2048x1024xf32, #tpu.memory_space<vmem>>, vector<384x64xf32>
    %dot_general3A_368 = arith.constant dense<0.000000e+00> : vector<256x384xf32>
    %dot_general3A_369 = tpu.matmul %get3A_361, %get3A_364, %dot_general3A_368 {dimension_numbers = #tpu.dot_dimension_numbers<[1], [1], [0], [0], [0, 0, 1, 0], [], []>, transpose_lhs_hint = false} : vector<256x64xf32>, vector<384x64xf32>, vector<256x384xf32> -> vector<256x384xf32>
    %mul3A_370 = arith.constant 1.250000e-01 : f32
    %mul3A_371 = vector.broadcast %mul3A_370 : f32 to vector<256x384xf32>
    %mul3A_372 = arith.mulf %dot_general3A_369, %mul3A_371 : vector<256x384xf32>
    %add3A_373 = arith.addf %mul3A_372, %get3A_3 : vector<256x384xf32>
    %reduce_max3A_374 = arith.constant dense<0xFF800000> : vector<256xf32>
    %reduce_max3A_375 = vector.multi_reduction <maximumf>, %add3A_373, %reduce_max3A_374 [1] : vector<256x384xf32> to vector<256xf32>
    %broadcast_in_dim3A_376 = vector.shape_cast %reduce_max3A_375 : vector<256xf32> to vector<256x1xf32>
    %sub3A_377 = vector.broadcast %broadcast_in_dim3A_376 : vector<256x1xf32> to vector<256x384xf32>
    %sub3A_378 = arith.subf %add3A_373, %sub3A_377 : vector<256x384xf32>
    %exp3A_379 = math.exp %sub3A_378 : vector<256x384xf32>
    %reduce_sum3A_380 = arith.constant dense<0.000000e+00> : vector<256xf32>
    %reduce_sum3A_381 = vector.multi_reduction <add>, %exp3A_379, %reduce_sum3A_380 [1] : vector<256x384xf32> to vector<256xf32>
    %broadcast_in_dim3A_382 = vector.shape_cast %reduce_sum3A_381 : vector<256xf32> to vector<256x1xf32>
    %div3A_383 = vector.broadcast %broadcast_in_dim3A_382 : vector<256x1xf32> to vector<256x384xf32>
    %div3A_384 = arith.divf %exp3A_379, %div3A_383 : vector<256x384xf32>
    %dot_general3A_385 = arith.constant dense<0.000000e+00> : vector<256x64xf32>
    %dot_general3A_386 = tpu.matmul %div3A_384, %get3A_367, %dot_general3A_385 {dimension_numbers = #tpu.dot_dimension_numbers<[1], [0], [0], [1], [0, 0, 1, 1], [], []>, transpose_lhs_hint = false} : vector<256x384xf32>, vector<384x64xf32>, vector<256x64xf32> -> vector<256x64xf32>
    %get3A_387 = arith.constant 0 : index
    %get3A_388 = arith.constant 896 : index
    %get3A_389 = vector.load %arg3[%get3A_387, %get3A_388] : memref<256x1024xf32, #tpu.memory_space<vmem>>, vector<256x64xf32>
    %get3A_390 = arith.index_cast %multiple_of3A : i32 to index
    %get3A_391 = arith.constant 896 : index
    %get3A_392 = vector.load %arg4[%get3A_390, %get3A_391] : memref<2048x1024xf32, #tpu.memory_space<vmem>>, vector<384x64xf32>
    %get3A_393 = arith.index_cast %multiple_of3A : i32 to index
    %get3A_394 = arith.constant 896 : index
    %get3A_395 = vector.load %arg5[%get3A_393, %get3A_394] : memref<2048x1024xf32, #tpu.memory_space<vmem>>, vector<384x64xf32>
    %dot_general3A_396 = arith.constant dense<0.000000e+00> : vector<256x384xf32>
    %dot_general3A_397 = tpu.matmul %get3A_389, %get3A_392, %dot_general3A_396 {dimension_numbers = #tpu.dot_dimension_numbers<[1], [1], [0], [0], [0, 0, 1, 0], [], []>, transpose_lhs_hint = false} : vector<256x64xf32>, vector<384x64xf32>, vector<256x384xf32> -> vector<256x384xf32>
    %mul3A_398 = arith.constant 1.250000e-01 : f32
    %mul3A_399 = vector.broadcast %mul3A_398 : f32 to vector<256x384xf32>
    %mul3A_400 = arith.mulf %dot_general3A_397, %mul3A_399 : vector<256x384xf32>
    %add3A_401 = arith.addf %mul3A_400, %get3A_3 : vector<256x384xf32>
    %reduce_max3A_402 = arith.constant dense<0xFF800000> : vector<256xf32>
    %reduce_max3A_403 = vector.multi_reduction <maximumf>, %add3A_401, %reduce_max3A_402 [1] : vector<256x384xf32> to vector<256xf32>
    %broadcast_in_dim3A_404 = vector.shape_cast %reduce_max3A_403 : vector<256xf32> to vector<256x1xf32>
    %sub3A_405 = vector.broadcast %broadcast_in_dim3A_404 : vector<256x1xf32> to vector<256x384xf32>
    %sub3A_406 = arith.subf %add3A_401, %sub3A_405 : vector<256x384xf32>
    %exp3A_407 = math.exp %sub3A_406 : vector<256x384xf32>
    %reduce_sum3A_408 = arith.constant dense<0.000000e+00> : vector<256xf32>
    %reduce_sum3A_409 = vector.multi_reduction <add>, %exp3A_407, %reduce_sum3A_408 [1] : vector<256x384xf32> to vector<256xf32>
    %broadcast_in_dim3A_410 = vector.shape_cast %reduce_sum3A_409 : vector<256xf32> to vector<256x1xf32>
    %div3A_411 = vector.broadcast %broadcast_in_dim3A_410 : vector<256x1xf32> to vector<256x384xf32>
    %div3A_412 = arith.divf %exp3A_407, %div3A_411 : vector<256x384xf32>
    %dot_general3A_413 = arith.constant dense<0.000000e+00> : vector<256x64xf32>
    %dot_general3A_414 = tpu.matmul %div3A_412, %get3A_395, %dot_general3A_413 {dimension_numbers = #tpu.dot_dimension_numbers<[1], [0], [0], [1], [0, 0, 1, 1], [], []>, transpose_lhs_hint = false} : vector<256x384xf32>, vector<384x64xf32>, vector<256x64xf32> -> vector<256x64xf32>
    %get3A_415 = arith.constant 0 : index
    %get3A_416 = arith.constant 960 : index
    %get3A_417 = vector.load %arg3[%get3A_415, %get3A_416] : memref<256x1024xf32, #tpu.memory_space<vmem>>, vector<256x64xf32>
    %get3A_418 = arith.index_cast %multiple_of3A : i32 to index
    %get3A_419 = arith.constant 960 : index
    %get3A_420 = vector.load %arg4[%get3A_418, %get3A_419] : memref<2048x1024xf32, #tpu.memory_space<vmem>>, vector<384x64xf32>
    %get3A_421 = arith.index_cast %multiple_of3A : i32 to index
    %get3A_422 = arith.constant 960 : index
    %get3A_423 = vector.load %arg5[%get3A_421, %get3A_422] : memref<2048x1024xf32, #tpu.memory_space<vmem>>, vector<384x64xf32>
    %dot_general3A_424 = arith.constant dense<0.000000e+00> : vector<256x384xf32>
    %dot_general3A_425 = tpu.matmul %get3A_417, %get3A_420, %dot_general3A_424 {dimension_numbers = #tpu.dot_dimension_numbers<[1], [1], [0], [0], [0, 0, 1, 0], [], []>, transpose_lhs_hint = false} : vector<256x64xf32>, vector<384x64xf32>, vector<256x384xf32> -> vector<256x384xf32>
    %mul3A_426 = arith.constant 1.250000e-01 : f32
    %mul3A_427 = vector.broadcast %mul3A_426 : f32 to vector<256x384xf32>
    %mul3A_428 = arith.mulf %dot_general3A_425, %mul3A_427 : vector<256x384xf32>
    %add3A_429 = arith.addf %mul3A_428, %get3A_3 : vector<256x384xf32>
    %reduce_max3A_430 = arith.constant dense<0xFF800000> : vector<256xf32>
    %reduce_max3A_431 = vector.multi_reduction <maximumf>, %add3A_429, %reduce_max3A_430 [1] : vector<256x384xf32> to vector<256xf32>
    %broadcast_in_dim3A_432 = vector.shape_cast %reduce_max3A_431 : vector<256xf32> to vector<256x1xf32>
    %sub3A_433 = vector.broadcast %broadcast_in_dim3A_432 : vector<256x1xf32> to vector<256x384xf32>
    %sub3A_434 = arith.subf %add3A_429, %sub3A_433 : vector<256x384xf32>
    %exp3A_435 = math.exp %sub3A_434 : vector<256x384xf32>
    %reduce_sum3A_436 = arith.constant dense<0.000000e+00> : vector<256xf32>
    %reduce_sum3A_437 = vector.multi_reduction <add>, %exp3A_435, %reduce_sum3A_436 [1] : vector<256x384xf32> to vector<256xf32>
    %broadcast_in_dim3A_438 = vector.shape_cast %reduce_sum3A_437 : vector<256xf32> to vector<256x1xf32>
    %div3A_439 = vector.broadcast %broadcast_in_dim3A_438 : vector<256x1xf32> to vector<256x384xf32>
    %div3A_440 = arith.divf %exp3A_435, %div3A_439 : vector<256x384xf32>
    %dot_general3A_441 = arith.constant dense<0.000000e+00> : vector<256x64xf32>
    %dot_general3A_442 = tpu.matmul %div3A_440, %get3A_423, %dot_general3A_441 {dimension_numbers = #tpu.dot_dimension_numbers<[1], [0], [0], [1], [0, 0, 1, 1], [], []>, transpose_lhs_hint = false} : vector<256x384xf32>, vector<384x64xf32>, vector<256x64xf32> -> vector<256x64xf32>
    %concatenate3A = tpu.concatenate %dot_general3A_22, %dot_general3A_50, %dot_general3A_78, %dot_general3A_106, %dot_general3A_134, %dot_general3A_162, %dot_general3A_190, %dot_general3A_218, %dot_general3A_246, %dot_general3A_274, %dot_general3A_302, %dot_general3A_330, %dot_general3A_358, %dot_general3A_386, %dot_general3A_414, %dot_general3A_442 in 1 : vector<256x64xf32>, vector<256x64xf32>, vector<256x64xf32>, vector<256x64xf32>, vector<256x64xf32>, vector<256x64xf32>, vector<256x64xf32>, vector<256x64xf32>, vector<256x64xf32>, vector<256x64xf32>, vector<256x64xf32>, vector<256x64xf32>, vector<256x64xf32>, vector<256x64xf32>, vector<256x64xf32>, vector<256x64xf32> -> vector<256x1024xf32>
    %get3A_443 = arith.constant 0 : index
    %get3A_444 = arith.constant 0 : index
    %get3A_445 = vector.load %arg6[%get3A_443, %get3A_444] : memref<1024x1024xf32, #tpu.memory_space<vmem>>, vector<1024x1024xf32>
    %dot_general3A_446 = arith.constant dense<0.000000e+00> : vector<256x1024xf32>
    %dot_general3A_447 = tpu.matmul %concatenate3A, %get3A_445, %dot_general3A_446 {dimension_numbers = #tpu.dot_dimension_numbers<[1], [0], [0], [1], [0, 0, 1, 1], [], []>, transpose_lhs_hint = false} : vector<256x1024xf32>, vector<1024x1024xf32>, vector<256x1024xf32> -> vector<256x1024xf32>
    %get3A_448 = arith.constant 0 : index
    %get3A_449 = arith.constant 0 : index
    %get3A_450 = vector.load %arg7[%get3A_448, %get3A_449] : memref<1x1024xf32, #tpu.memory_space<vmem>>, vector<1x1024xf32>
    %add3A_451 = vector.broadcast %get3A_450 : vector<1x1024xf32> to vector<256x1024xf32>
    %add3A_452 = arith.addf %dot_general3A_447, %add3A_451 : vector<256x1024xf32>
    %swap3A = arith.constant 0 : index
    %swap3A_453 = arith.constant 0 : index
    %swap3A_454 = vector.load %arg8[%swap3A, %swap3A_453] : memref<256x1024xf32, #tpu.memory_space<vmem>>, vector<256x1024xf32>
    tpu.vector_store %arg8[%swap3A, %swap3A_453], %add3A_452 {strides = array<i32>} : memref<256x1024xf32, #tpu.memory_space<vmem>>, vector<256x1024xf32>,
    return
  }
  func.func @transform_0(%arg0: i32) -> i32 {
    %c0_i32 = arith.constant 0 : i32
    %c0_i32_0 = arith.constant 0 : i32
    return %c0_i32 : i32
  }
  func.func @transform_1(%arg0: i32) -> (i32, i32) {
    %c0_i32 = arith.constant 0 : i32
    %c0_i32_0 = arith.constant 0 : i32
    return %arg0, %c0_i32 : i32, i32
  }
  func.func @transform_2(%arg0: i32) -> (i32, i32) {
    %c0_i32 = arith.constant 0 : i32
    %c0_i32_0 = arith.constant 0 : i32
    return %arg0, %c0_i32 : i32, i32
  }
  func.func @transform_3(%arg0: i32) -> (i32, i32) {
    %c0_i32 = arith.constant 0 : i32
    %c1_i32 = arith.constant 1 : i32
    %c0_i32_0 = arith.constant 0 : i32
    return %c0_i32, %c1_i32 : i32, i32
  }
  func.func @transform_4(%arg0: i32) -> (i32, i32) {
    %c0_i32 = arith.constant 0 : i32
    %c2_i32 = arith.constant 2 : i32
    %c0_i32_0 = arith.constant 0 : i32
    return %c0_i32, %c2_i32 : i32, i32
  }
  func.func @transform_5(%arg0: i32) -> (i32, i32) {
    %c0_i32 = arith.constant 0 : i32
    %c0_i32_0 = arith.constant 0 : i32
    %c0_i32_1 = arith.constant 0 : i32
    return %c0_i32, %c0_i32_0 : i32, i32
  }
  func.func @transform_6(%arg0: i32) -> (i32, i32) {
    %c0_i32 = arith.constant 0 : i32
    %c0_i32_0 = arith.constant 0 : i32
    %c0_i32_1 = arith.constant 0 : i32
    return %c0_i32, %c0_i32_0 : i32, i32
  }
  func.func @transform_7(%arg0: i32) -> (i32, i32) {
    %c0_i32 = arith.constant 0 : i32
    %c0_i32_0 = arith.constant 0 : i32
    return %arg0, %c0_i32 : i32, i32
  }
}

</mosaic_0001>

<sc_bundles>
// kernel: _run.5.cloned.1.call-start
scs
__scs_entry_jumppad:
0x0: {  	(pc) =	sbr.rel $0x88, $3  }
0x1: {  	(tag) =	ssettag $0x0;
	lr =	simm.s32 $0x1  }
0x2: {  	[smem:$0x3F9B] =	sst lr;
	_ =	strace $0xD0000000  }
0x3: {  	_ = 	snop  }
0x4: {  	_ = 	snop  }
0x5: {  	_ = 	snop  }
0x6: {  	_ = 	snop  }
0x7: {  	_ = 	snop  }
__scs_overlays_trampoline_lowered:
0x8: {  	[smem:$0x3FAA] =	sst s0  }
0x9: {  	[smem:$0x3FAB] =	sst s1  }
0xa: {  	[smem:$0x3FAC] =	sst s2  }
0xb: {  	[smem:$0x3FAD] =	sst s3  }
0xc: {  	[smem:$0x3FAE] =	sst s4  }
0xd: {  	[smem:$0x3FAF] =	sst s5  }
0xe: {  	[smem:$0x3FB0] =	sst s6  }
0xf: {  	[smem:$0x3FB1] =	sst s7  }
0x10: {  	[smem:$0x3FB2] =	sst s8  }
0x11: {  	[smem:$0x3FB3] =	sst s9;
	s0 =	simm.s32 @!p0 $0x0  }
0x12: {  	s1 =	sld [smem:$0x3F99];
	s0 =	simm.s32 @p0 $0x1  }
0x13: {  	[smem:$0x3FB4] =	sst s0;
	s0 =	simm.s32 @!p1 $0x0  }
0x14: {  	s2 =	sld [smem:$0x3F98];
	s0 =	simm.s32 @p1 $0x1  }
0x15: {  	[smem:$0x3FB5] =	sst s0;
	s0 =	simm.s32 @!p2 $0x0  }
0x16: {  	s3 =	sld [smem:$0x3FDB];
	s0 =	simm.s32 @p2 $0x1  }
0x17: {  	s4 =	simm.s32 $0x1BF5;
	[smem:$0x3FB7] =	sst s0  }
0x18: {  	s0 =	sld [smem:$0x3F9A];
	_ =	swait.ge [sflag:s4], $0x0  }
0x19: {  	s7 =	sld [smem:$0x3F9B]  }
0x1a: {  	s8 =	sadd.s32 $0xFFFFE003, lr  }
0x1b: {  	s9 =	sadd.s32 $0xFFFFFEF7, lr;
	s5 =	simm.s32 $0xFFFFFFFF;
	p2 =	slt.u32 s8, $0xFFFFF086  }
0x1c: {  	p1 =	slt.u32 s9, $0xF7A;
	s5 =	simm.s32 @!p2 $0x0  }
0x1d: {  	s5 =	simm.s32 @p1 $0x1;
	p0 =	seq.s32 s7, s2  }
0x1e: {  	s7 =	smul.u32 @!p0 $0xF7A, s2;
	p2 =	seq.s32 @!p0 s5, $0x0  }
0x1f: {  	s9 =	smul.u32 $0xF7A, s1;
	s8 =	simm.s32 @!p0 $0x1BF5;
	p2 =	por !p2, p0  }
0x20: {  	[sflag:s8] =	ssyncset.s32 @!p0 $0xFFFFF086;
	s6 =	sadd.s32 @!p0 s3, s7;
	s7 =	simm.s32 @!p0 $0x108  }
0x21: {  	s3 =	sadd.s32 s3, s9;
	s6 =	sadd.s32 @!p0 $0x88, s6;
	s7 =	simm.s32 @p2 $0x1082  }
0x22: {  	[simem:s7], [sflag:s8] =	dma.local @!p0 [hbm:s6], $0xF7A  }
0x23: {  	s9 =	sor.u32 $0xD0000000, s2;
	s6 =	simm.s32 $0x108;
	_ =	swait.ge @!p0 [sflag:s8], $0x0  }
0x24: {  	s3 =	sadd.s32 $0x88, s3;
	s6 =	simm.s32 @!p1 $0x1082;
	[sflag:s4] =	ssyncset.s32 $0xFFFFF086  }
0x25: {  	[simem:s6], [sflag:s4] =	dma.local [hbm:s3], $0xF7A  }
0x26: {  	[smem:$0x3F9B] =	sst s1;
	(tag) =	ssettag s2;
	_ =	strace s9  }
0x27: {  	s1 =	sld [smem:$0x3FAB]  }
0x28: {  	s2 =	sld [smem:$0x3FAC]  }
0x29: {  	s4 =	sld [smem:$0x3FAE]  }
0x2a: {  	p0 =	seq.s32 s5, $0x0;
	s5 =	sld [smem:$0x3FAF]  }
0x2b: {  	s6 =	sld [smem:$0x3FB0]  }
0x2c: {  	s7 =	sld [smem:$0x3FB1]  }
0x2d: {  	s3 =	simm.s32 $0x108;
	s8 =	sld [smem:$0x3FB2]  }
0x2e: {  	s3 =	simm.s32 @!p0 $0x1082;
	s9 =	sld [smem:$0x3FB3]  }
0x2f: {  	lr =	sadd.s32 s0, s3;
	s0 =	sld [smem:$0x3FAA]  }
0x30: {  	s3 =	sld [smem:$0x3FAD]  }
0x31: {  	[smem:$0x3FB6] =	sst s10  }
0x32: {  	s10 =	sld [smem:$0x3FB4];
	_ =	sdelay $0x3  }
0x33: {  	p0 =	seq.s32 s10, $0x1;
	s10 =	sld [smem:$0x3FB6];
	_ =	sdelay $0x3  }
0x34: {  	[smem:$0x3FB6] =	sst s10  }
0x35: {  	s10 =	sld [smem:$0x3FB5];
	_ =	sdelay $0x3  }
0x36: {  	p1 =	seq.s32 s10, $0x1;
	s10 =	sld [smem:$0x3FB6];
	_ =	sdelay $0x3  }
0x37: {  	[smem:$0x3FB6] =	sst s10  }
0x38: {  	s10 =	sld [smem:$0x3FB7]  }
0x39: {  	_ = 	snop;
	(pc) =	sbr.ind lr, $3  }
0x3a: {  	_ = 	snop  }
0x3b: {  	_ = 	snop  }
0x3c: {  	p2 =	seq.s32 s10, $0x1;
	s10 =	sld [smem:$0x3FB6]  }
0x3d: {  	_ =	shalt  }
0x3e: {  	_ =	shalt  }
0x3f: {  	_ =	shalt  }
0x40: {  	_ =	shalt  }
0x41: {  	_ =	shalt  }
0x42: {  	_ =	shalt  }
0x43: {  	_ =	shalt  }
0x44: {  	_ =	shalt  }
0x45: {  	_ =	shalt  }
0x46: {  	_ =	shalt  }
0x47: {  	_ =	shalt  }
0x48: {  	_ =	shalt  }
0x49: {  	_ =	shalt  }
0x4a: {  	_ =	shalt  }
0x4b: {  	_ =	shalt  }
0x4c: {  	_ =	shalt  }
0x4d: {  	_ =	shalt  }
0x4e: {  	_ =	shalt  }
0x4f: {  	_ =	shalt  }
0x50: {  	_ =	shalt  }
0x51: {  	_ =	shalt  }
0x52: {  	_ =	shalt  }
0x53: {  	_ =	shalt  }
0x54: {  	_ =	shalt  }
0x55: {  	_ =	shalt  }
0x56: {  	_ =	shalt  }
0x57: {  	_ =	shalt  }
0x58: {  	_ =	shalt  }
0x59: {  	_ =	shalt  }
0x5a: {  	_ =	shalt  }
0x5b: {  	_ =	shalt  }
0x5c: {  	_ =	shalt  }
0x5d: {  	_ =	shalt  }
0x5e: {  	_ =	shalt  }
0x5f: {  	_ =	shalt  }
0x60: {  	_ =	shalt  }
0x61: {  	_ =	shalt  }
0x62: {  	_ =	shalt  }
0x63: {  	_ =	shalt  }
0x64: {  	_ =	shalt  }
0x65: {  	_ =	shalt  }
0x66: {  	_ =	shalt  }
0x67: {  	_ =	shalt  }
0x68: {  	_ =	shalt  }
0x69: {  	_ =	shalt  }
0x6a: {  	_ =	shalt  }
0x6b: {  	_ =	shalt  }
0x6c: {  	_ =	shalt  }
0x6d: {  	_ =	shalt  }
0x6e: {  	_ =	shalt  }
0x6f: {  	_ =	shalt  }
0x70: {  	_ =	shalt  }
0x71: {  	_ =	shalt  }
0x72: {  	_ =	shalt  }
0x73: {  	_ =	shalt  }
0x74: {  	_ =	shalt  }
0x75: {  	_ =	shalt  }
0x76: {  	_ =	shalt  }
0x77: {  	_ =	shalt  }
0x78: {  	_ =	shalt  }
0x79: {  	_ =	shalt  }
0x7a: {  	_ =	shalt  }
0x7b: {  	_ =	shalt  }
0x7c: {  	_ =	shalt  }
0x7d: {  	_ =	shalt  }
0x7e: {  	_ =	shalt  }
0x7f: {  	_ =	shalt  }
0x80: {  	_ =	shalt  }
0x81: {  	_ =	shalt  }
0x82: {  	_ =	shalt  }
0x83: {  	_ =	shalt  }
0x84: {  	_ =	shalt  }
0x85: {  	_ =	shalt  }
0x86: {  	_ =	shalt  }
0x87: {  	_ =	shalt  }
.Lfunc_end0:
.L_simem_size_0:
called_computation.3_lowered:
.L_overlay_start_0:
0x88: {  	s2 =	sld [smem:$0x3FD9]  }
0x89: {  	s3 =	sld [smem:$0x3FFE];
	_ =	sdelay $0x1  }
0x8a: {  	s1 =	srdreg.scid  }
0x8b: {  	s0 =	sand.u32 $0x1, s1  }
0x8c: {  	s17 =	sshll.u32 s0, $0xA;
	s2 =	sadd.s32 s3, s2  }
0x8d: {  	s2 =	sadd.s32 s2, s17  }
0x8e: {  	[smem:$0x3FC2] =	sst s2  }
0x8f: {  	_ = 	snop  }
0x90: {  	(tm) =	ssettm $0x1  }
0x91: {  	s18 =	sld [smem:$0x3FFB];
	_ =	sdelay $0x3  }
0x92: {  	_ =	strace s18  }
0x93: {  	s2 =	sld [smem:$0x3FFC];
	_ =	sdelay $0x3  }
0x94: {  	_ =	strace s2  }
0x95: {  	s2 =	sld [smem:$0x3FFD];
	_ =	sdelay $0x3  }
0x96: {  	_ =	strace s2  }
0x97: {  	_ =	strace $0x8FFFFFFF  }
0x98: {  	s19 =	sld [smem:$0x3FDB];
	_ =	sdelay $0x1  }
0x99: {  	s20 =	simm.s32 $_scs_section_size  }
0x9a: {  	s4 =	simm.s32 $_size__tile_overlayer_lowered;
	s5 =	simm.s32 $_tile_overlayer_lowered  }
0x9b: {  	s6 =	simm.s32 $0x1BFF;
	s21 =	sshll.u32 s5, $0x1;
	s3 =	sadd.s32 s20, s19  }
0x9c: {  	s22 =	simm.s32 $0x0;
	s4 =	sshll.u32 s4, $0x1;
	s5 =	sadd.s32 s21, s3  }
0x9d: {  	[timem:s22], [sflag:s6] =	dma.local [hbm:s5], s4  }
0x9e: {  	_ =	swait.ge [sflag:s6], s4  }
0x9f: {  	s4 =	ssub.s32 $0x0, s4;
	[sflag:s6] =	ssyncset.done $0x0  }
0xa0: {  	[sflag:s6] =	ssyncadd.s32 s4;
	_ =	sdelay $0x1  }
0xa1: {  	s23 =	simm.s32 $0x1B8B  }
0xa2: {  	_ =	swait.ge [sflag:s23], $0x1  }
0xa3: {  	[sflag:s23] =	ssyncset.done $0x0  }
0xa4: {  	[sflag:s23] =	ssyncadd.s32 $0xFFFFFFFF  }
0xa5: {  	s4 =	sld [smem:$0x0]  }
0xa6: {  	s5 =	sand.u32 $0xFFFFFFFE, s1  }
0xa7: {  	p0 =	sne.s32 s1, s5  }
0xa8: {  	s5 =	sshll.u32 @p0 s5, $0xE  }
0xa9: {  	s5 =	sadd.s32 @p0 $0x11B8D, s5;
	s6 =	sshll.u32 @p0 s4, $0x11  }
0xaa: {  	s5 =	sor.u32 @p0 s6, s5  }
0xab: {  	[sflag:s5] =	ssyncadd.remote.s32 @p0 $0x1;
	_ =	sdelay $0x1  }
0xac: {  	s5 =	simm.s32 @p0 $0x1B8D  }
0xad: {  	_ =	swait.eq @p0 [sflag:s5], $0x1  }
0xae: {  	[sflag:s5] =	ssyncadd.s32 @p0 $0xFFFFFFFF  }
0xaf: {  	s6 =	sshll.u32 @!p0 s1, $0xE  }
0xb0: {  	s6 =	sor.u32 @!p0 $0x4000, s6;
	s5 =	simm.s32 @!p0 $0x1B8D  }
0xb1: {  	s4 =	sshll.u32 @!p0 s4, $0x11;
	s6 =	sadd.s32 @!p0 $0x11B8D, s6;
	_ =	swait.eq @!p0 [sflag:s5], $0x1  }
0xb2: {  	s4 =	sor.u32 @!p0 s4, s6;
	[sflag:s5] =	ssyncadd.s32 @!p0 $0xFFFFFFFF  }
0xb3: {  	s25 =	simm.s32 $0x1B8E;
	s24 =	sld [smem:$0x3FFE];
	[sflag:s4] =	ssyncadd.remote.s32 @!p0 $0x1  }
0xb4: {  	s26 =	simm.s32 $execute0_lowered;
	[smem:$0x3FD2] =	sst s25  }
0xb5: {  	s5 =	sshll.u32 s26, $0x1;
	_ =	strace $0x8000004C;
	[dreg:$0x1] =	wrdreg $0xFFFFFFFF  }
0xb6: {  	s28 =	simm.s32 $_size_execute0_lowered;
	s3 =	sadd.s32 s3, s5;
	[dreg:$0x0] =	wrdreg $0x0  }
0xb7: {  	s5 =	sshll.u32 s28, $0x1;
	[dreg:$0x2] =	wrdreg s3  }
0xb8: {  	[dreg:$0x3] =	wrdreg s5  }
0xb9: {  	[dreg:$0x4] =	wrdreg $0xC0  }
0xba: {  	_ =	task [dreg:s22], $0x5FFFF  }
0xbb: {  	[dreg:$0x1] =	wrdreg $0xFFFFFFFF  }
0xbc: {  	[dreg:$0x0] =	wrdreg $0x60  }
0xbd: {  	[dreg:$0x2] =	wrdreg s24  }
0xbe: {  	[dreg:$0x3] =	wrdreg $0xA  }
0xbf: {  	_ =	task.clear_ibuf [dreg:s22], $0x4FFFF;
	_ =	strace $0x9000004C  }
0xc0: {  	s29 =	simm.s32 $0xA;
	_ =	strace $0x8000004E  }
0xc1: {  	_ =	swait.ge [sflag:s29], $0x1  }
0xc2: {  	[sflag:s29] =	ssyncadd.s32 $0xFFFFFFFF  }
0xc3: {  	_ =	strace $0x9000004E  }
0xc4: {  	_ =	sfence  }
0xc5: {  	s30 =	sld [smem:$0x0];
	_ =	sdelay $0x2  }
0xc6: {  	s31 =	sshll.u32 s1, $0xD;
	s1 =	sshrl.u32 s1, $0x2  }
0xc7: {  	s4 =	sand.u32 $0x4000, s31;
	s1 =	sadd.s32 s1, s30  }
0xc8: {  	s0 =	sor.u32 s4, s0;
	s1 =	sshll.u32 s1, $0x11  }
0xc9: {  	s0 =	sor.u32 s1, s0  }
0xca: {  	s0 =	sadd.s32 $0x8F2B, s0  }
0xcb: {  	[sflag:s0] =	ssyncadd.remote.s32 $0x1  }
0xcc: {  	_ =	sfence.sel $0xFFFF  }
0xcd: {  	[dreg:$0x0] =	wrdreg $0xFFFFFFFF;
	(pc) =	sbr.abs _section_cstart, $3  }
0xce: {  	[dreg:$0x1] =	wrdreg $0xFFFFFFFF  }
0xcf: {  	_ =	task.clear_ibuf [dreg:s22], $0x2FFFF;
	_ =	strace $0x9FFFFFFF  }
0xd0: {  	(tm) =	ssettm $0x7FFFFFFF  }
0xd1: {  	_ =	shalt  }
tec
execute0_lowered:
.L_overlay_start_1:
0x0: {  	(tag) =	ssettag $0x1  }
0x1: {  	s5 =	rddreg [dreg:$0x0]  }
0x2: {  	s0 =	rddreg [dreg:$0x1];
	s2 =	simm.s32 $0x0  }
0x3: {  	s1 =	stileid.u32;
	s4 =	srdreg.scid;
	s12 =	simm.s32 $0x0  }
0x4: {  	[smem:$0x7FF] =	sst s2;
	s3 =	sshll.u32 s1, $0xA;
	s6 =	smul.u32 $0x1800, s1  }
0x5: {  	s8 =	sand.u32 $0x1, s4;
	s4 =	sadd.s32 $0x7000, s5;
	s11 =	sshrl.u32 s1, $0x1  }
0x6: {  	_ =	strace $0x8000004D;
	s7 =	sadd.s32 s3, s5;
	s3 =	sadd.s32 $0x6E00, s5  }
0x7: {  	s28 =	ssub.s32 $0x2, s8;
	s10 =	sshll.u32 s8, $0x9;
	s8 =	smul.u32 $0xC00, s8  }
0x8: {  	v0 =	vmov s11;
	s11 =	simm.s32 $0xA80;
	s9 =	sadd.s32 s6, s5;
	s29 =	sshrl.u32 s28, $0x1  }
0x9: {  	s30 =	sadd.s32 s10, s7;
	s10 =	simm.s32 $0xA00;
	s5 =	ssub.s32 s28, s29  }
0xa: {  	s6 =	sadd.s32 $0x2E00, s30;
	s31 =	sadd.s32 s8, s9;
	s8 =	simm.s32 $0x200  }
0xb: {  	v1 =	vimm.f32 $-1.000000020e+30;
	v2 =	vimm.f32 $0.0e+00;
	s9 =	simm.s32 $0x1;
	s5 =	smax.u32 s5, $0x1;
	s7 =	sadd.s32 $0x7200, s31  }
.LBB2_1:
0xc: {  	[tilespmem:s8], [sflag:$0x1] =	stream.linear.gather [hbm4b:s3+s2], $0x800, $0x38;
	[tilespmem:$0x1680] =	vst v63  }
0xd: {  	_ =	swait.ge [sflag:s9], $0x800  }
0xe: {  	[sflag:s9] =	ssyncset.done $0x0  }
0xf: {  	[sflag:s9] =	ssyncadd.s32 $0xFFFFF800  }
0x10: {  	[tilespmem:s10], [sflag:$0x1] =	stream.linear.gather [hbm4b:s4+s2], $0x80, $0x38;
	[tilespmem:$0x1680] =	vst v63  }
0x11: {  	_ =	swait.ge [sflag:s9], $0x80  }
0x12: {  	[sflag:s9] =	ssyncset.done $0x0  }
0x13: {  	[sflag:s9] =	ssyncadd.s32 $0xFFFFFF80  }
0x14: {  	s13 =	simm.s32 $0x0;
	v3 =	vld.idx.msk [tilespmem:v0+s10+$0x0], $0xffff  }
.LBB2_2:
0x15: {  	p0 =	sne.s32 s13, $0x2FC0  }
.Ltmp0:
0x16: {  	_ = 	snop;
	(pc) =	sbr.rel @p0 .LBB2_2-.Ltmp0, $3  }
0x17: {  	_ =	sdelay $0x1  }
0x18: {  	s14 =	sshra.s32 s13, $0x2  }
0x19: {  	s13 =	sadd.s32 $0x40, s13;
	[tilespmem:s14+$0xA80] =	vst v1  }
0x1a: {  	s13 =	simm.s32 $0x0;
	s14 =	smov.u32 s7  }
.LBB2_4:
0x1b: {  	s15 =	sadd.s32 s13, s6  }
0x1c: {  	[tilespmem:s2], [sflag:$0x1] =	stream.linear.gather [hbm4b:s15+s2], $0x200, $0x38;
	[tilespmem:$0x1680] =	vst v63  }
0x1d: {  	_ =	swait.ge [sflag:s9], $0x200  }
0x1e: {  	[sflag:s9] =	ssyncset.done $0x0  }
0x1f: {  	[sflag:s9] =	ssyncadd.s32 $0xFFFFFE00  }
0x20: {  	v4 =	vld [tilespmem:$0x0];
	_ =	sdelay $0x7  }
0x21: {  	v4 =	vld.idx.msk [tilespmem:v4+s8+$0x0], $0xffff;
	_ =	sdelay $0x4  }
0x22: {  	v4 =	vsub.s32 v4, v3  }
0x23: {  	vm0 =	vgt.s32 v4, $0x0  }
0x24: {  	v4 =	vnsel vm0, $0x0, v4  }
0x25: {  	v4 =	vmin.u32 v4, $0x17F;
	_ =	sdelay $0x4  }
0x26: {  	[tilespmem:v4+s11+$0x0] =	vst.idx.msk $0xffff, v2  }
0x27: {  	v4 =	vld [tilespmem:$0x10];
	_ =	sdelay $0x7  }
0x28: {  	v4 =	vld.idx.msk [tilespmem:v4+s8+$0x0], $0xffff;
	_ =	sdelay $0x4  }
0x29: {  	v4 =	vsub.s32 v4, v3  }
0x2a: {  	vm13 =	vgt.s32 v4, $0x0  }
0x2b: {  	v4 =	vnsel vm13, $0x0, v4  }
0x2c: {  	v4 =	vmin.u32 v4, $0x17F;
	_ =	sdelay $0x4  }
0x2d: {  	[tilespmem:v4+s11+$0x0] =	vst.idx.msk $0xffff, v2  }
0x2e: {  	v4 =	vld [tilespmem:$0x20];
	_ =	sdelay $0x7  }
0x2f: {  	v4 =	vld.idx.msk [tilespmem:v4+s8+$0x0], $0xffff;
	_ =	sdelay $0x4  }
0x30: {  	v4 =	vsub.s32 v4, v3  }
0x31: {  	vm14 =	vgt.s32 v4, $0x0  }
0x32: {  	v4 =	vnsel vm14, $0x0, v4  }
0x33: {  	v4 =	vmin.u32 v4, $0x17F;
	_ =	sdelay $0x4  }
0x34: {  	[tilespmem:v4+s11+$0x0] =	vst.idx.msk $0xffff, v2  }
0x35: {  	v4 =	vld [tilespmem:$0x30];
	_ =	sdelay $0x7  }
0x36: {  	v4 =	vld.idx.msk [tilespmem:v4+s8+$0x0], $0xffff;
	_ =	sdelay $0x4  }
0x37: {  	v4 =	vsub.s32 v4, v3  }
0x38: {  	vm15 =	vgt.s32 v4, $0x0  }
0x39: {  	v4 =	vnsel vm15, $0x0, v4  }
0x3a: {  	v4 =	vmin.u32 v4, $0x17F;
	_ =	sdelay $0x4  }
0x3b: {  	[tilespmem:v4+s11+$0x0] =	vst.idx.msk $0xffff, v2  }
0x3c: {  	v4 =	vld [tilespmem:$0x40];
	_ =	sdelay $0x7  }
0x3d: {  	v4 =	vld.idx.msk [tilespmem:v4+s8+$0x0], $0xffff;
	_ =	sdelay $0x4  }
0x3e: {  	v4 =	vsub.s32 v4, v3  }
0x3f: {  	vm4 =	vgt.s32 v4, $0x0  }
0x40: {  	v4 =	vnsel vm4, $0x0, v4  }
0x41: {  	v4 =	vmin.u32 v4, $0x17F  }
0x42: {  	v5 =	vadd.s32 $0x180, v4  }
0x43: {  	v4 =	vand.u32 $0x7F, v4;
	v5 =	vand.u32 $0x380, v5  }
0x44: {  	v4 =	vor.u32 v4, v5;
	_ =	sdelay $0x4  }
0x45: {  	[tilespmem:v4+s11+$0x0] =	vst.idx.msk $0xffff, v2  }
0x46: {  	v4 =	vld [tilespmem:$0x50];
	_ =	sdelay $0x7  }
0x47: {  	v4 =	vld.idx.msk [tilespmem:v4+s8+$0x0], $0xffff;
	_ =	sdelay $0x4  }
0x48: {  	v4 =	vsub.s32 v4, v3  }
0x49: {  	vm5 =	vgt.s32 v4, $0x0  }
0x4a: {  	v4 =	vnsel vm5, $0x0, v4  }
0x4b: {  	v4 =	vmin.u32 v4, $0x17F  }
0x4c: {  	v5 =	vadd.s32 $0x180, v4  }
0x4d: {  	v4 =	vand.u32 $0x7F, v4;
	v5 =	vand.u32 $0x380, v5  }
0x4e: {  	v4 =	vor.u32 v4, v5;
	_ =	sdelay $0x4  }
0x4f: {  	[tilespmem:v4+s11+$0x0] =	vst.idx.msk $0xffff, v2  }
0x50: {  	v4 =	vld [tilespmem:$0x60];
	_ =	sdelay $0x7  }
0x51: {  	v4 =	vld.idx.msk [tilespmem:v4+s8+$0x0], $0xffff;
	_ =	sdelay $0x4  }
0x52: {  	v4 =	vsub.s32 v4, v3  }
0x53: {  	vm6 =	vgt.s32 v4, $0x0  }
0x54: {  	v4 =	vnsel vm6, $0x0, v4  }
0x55: {  	v4 =	vmin.u32 v4, $0x17F  }
0x56: {  	v5 =	vadd.s32 $0x180, v4  }
0x57: {  	v4 =	vand.u32 $0x7F, v4;
	v5 =	vand.u32 $0x380, v5  }
0x58: {  	v4 =	vor.u32 v4, v5;
	_ =	sdelay $0x4  }
0x59: {  	[tilespmem:v4+s11+$0x0] =	vst.idx.msk $0xffff, v2  }
0x5a: {  	v4 =	vld [tilespmem:$0x70];
	_ =	sdelay $0x7  }
0x5b: {  	v4 =	vld.idx.msk [tilespmem:v4+s8+$0x0], $0xffff;
	_ =	sdelay $0x4  }
0x5c: {  	v4 =	vsub.s32 v4, v3  }
0x5d: {  	vm7 =	vgt.s32 v4, $0x0  }
0x5e: {  	v4 =	vnsel vm7, $0x0, v4  }
0x5f: {  	v4 =	vmin.u32 v4, $0x17F  }
0x60: {  	v5 =	vadd.s32 $0x180, v4  }
0x61: {  	v4 =	vand.u32 $0x7F, v4;
	v5 =	vand.u32 $0x380, v5  }
0x62: {  	v4 =	vor.u32 v4, v5;
	_ =	sdelay $0x4  }
0x63: {  	[tilespmem:v4+s11+$0x0] =	vst.idx.msk $0xffff, v2  }
0x64: {  	v4 =	vld [tilespmem:$0x80];
	_ =	sdelay $0x7  }
0x65: {  	v4 =	vld.idx.msk [tilespmem:v4+s8+$0x0], $0xffff;
	_ =	sdelay $0x4  }
0x66: {  	v4 =	vsub.s32 v4, v3  }
0x67: {  	vm8 =	vgt.s32 v4, $0x0  }
0x68: {  	v4 =	vnsel vm8, $0x0, v4  }
0x69: {  	v4 =	vmin.u32 v4, $0x17F  }
0x6a: {  	v5 =	vadd.s32 $0x300, v4  }
0x6b: {  	v4 =	vand.u32 $0x7F, v4;
	v5 =	vand.u32 $0x780, v5  }
0x6c: {  	v4 =	vor.u32 v4, v5;
	_ =	sdelay $0x4  }
0x6d: {  	[tilespmem:v4+s11+$0x0] =	vst.idx.msk $0xffff, v2  }
0x6e: {  	v4 =	vld [tilespmem:$0x90];
	_ =	sdelay $0x7  }
0x6f: {  	v4 =	vld.idx.msk [tilespmem:v4+s8+$0x0], $0xffff;
	_ =	sdelay $0x4  }
0x70: {  	v4 =	vsub.s32 v4, v3  }
0x71: {  	vm9 =	vgt.s32 v4, $0x0  }
0x72: {  	v4 =	vnsel vm9, $0x0, v4  }
0x73: {  	v4 =	vmin.u32 v4, $0x17F  }
0x74: {  	v5 =	vadd.s32 $0x300, v4  }
0x75: {  	v4 =	vand.u32 $0x7F, v4;
	v5 =	vand.u32 $0x780, v5  }
0x76: {  	v4 =	vor.u32 v4, v5;
	_ =	sdelay $0x4  }
0x77: {  	[tilespmem:v4+s11+$0x0] =	vst.idx.msk $0xffff, v2  }
0x78: {  	v4 =	vld [tilespmem:$0xA0];
	_ =	sdelay $0x7  }
0x79: {  	v4 =	vld.idx.msk [tilespmem:v4+s8+$0x0], $0xffff;
	_ =	sdelay $0x4  }
0x7a: {  	v4 =	vsub.s32 v4, v3  }
0x7b: {  	vm10 =	vgt.s32 v4, $0x0  }
0x7c: {  	v4 =	vnsel vm10, $0x0, v4  }
0x7d: {  	v4 =	vmin.u32 v4, $0x17F  }
0x7e: {  	v5 =	vadd.s32 $0x300, v4  }
0x7f: {  	v4 =	vand.u32 $0x7F, v4;
	v5 =	vand.u32 $0x780, v5  }
0x80: {  	v4 =	vor.u32 v4, v5;
	_ =	sdelay $0x4  }
0x81: {  	[tilespmem:v4+s11+$0x0] =	vst.idx.msk $0xffff, v2  }
0x82: {  	v4 =	vld [tilespmem:$0xB0];
	_ =	sdelay $0x7  }
0x83: {  	v4 =	vld.idx.msk [tilespmem:v4+s8+$0x0], $0xffff;
	_ =	sdelay $0x4  }
0x84: {  	v4 =	vsub.s32 v4, v3  }
0x85: {  	vm11 =	vgt.s32 v4, $0x0  }
0x86: {  	v4 =	vnsel vm11, $0x0, v4  }
0x87: {  	v4 =	vmin.u32 v4, $0x17F  }
0x88: {  	v5 =	vadd.s32 $0x300, v4  }
0x89: {  	v4 =	vand.u32 $0x7F, v4;
	v5 =	vand.u32 $0x780, v5  }
0x8a: {  	v4 =	vor.u32 v4, v5;
	_ =	sdelay $0x4  }
0x8b: {  	[tilespmem:v4+s11+$0x0] =	vst.idx.msk $0xffff, v2  }
0x8c: {  	v4 =	vld [tilespmem:$0xC0];
	_ =	sdelay $0x7  }
0x8d: {  	v4 =	vld.idx.msk [tilespmem:v4+s8+$0x0], $0xffff;
	_ =	sdelay $0x4  }
0x8e: {  	v4 =	vsub.s32 v4, v3  }
0x8f: {  	vm12 =	vgt.s32 v4, $0x0  }
0x90: {  	v4 =	vnsel vm12, $0x0, v4  }
0x91: {  	v4 =	vmin.u32 v4, $0x17F  }
0x92: {  	v5 =	vadd.s32 $0x480, v4  }
0x93: {  	v4 =	vand.u32 $0x7F, v4;
	v5 =	vand.u32 $0x780, v5  }
0x94: {  	v4 =	vor.u32 v4, v5;
	_ =	sdelay $0x4  }
0x95: {  	[tilespmem:v4+s11+$0x0] =	vst.idx.msk $0xffff, v2  }
0x96: {  	v4 =	vld [tilespmem:$0xD0];
	_ =	sdelay $0x7  }
0x97: {  	v4 =	vld.idx.msk [tilespmem:v4+s8+$0x0], $0xffff;
	_ =	sdelay $0x4  }
0x98: {  	v4 =	vsub.s32 v4, v3  }
0x99: {  	vm13 =	vgt.s32 v4, $0x0  }
0x9a: {  	v4 =	vnsel vm13, $0x0, v4  }
0x9b: {  	v4 =	vmin.u32 v4, $0x17F  }
0x9c: {  	v5 =	vadd.s32 $0x480, v4  }
0x9d: {  	v4 =	vand.u32 $0x7F, v4;
	v5 =	vand.u32 $0x780, v5  }
0x9e: {  	v4 =	vor.u32 v4, v5;
	_ =	sdelay $0x4  }
0x9f: {  	[tilespmem:v4+s11+$0x0] =	vst.idx.msk $0xffff, v2  }
0xa0: {  	v4 =	vld [tilespmem:$0xE0];
	_ =	sdelay $0x7  }
0xa1: {  	v4 =	vld.idx.msk [tilespmem:v4+s8+$0x0], $0xffff;
	_ =	sdelay $0x4  }
0xa2: {  	v4 =	vsub.s32 v4, v3  }
0xa3: {  	vm14 =	vgt.s32 v4, $0x0  }
0xa4: {  	v4 =	vnsel vm14, $0x0, v4  }
0xa5: {  	v4 =	vmin.u32 v4, $0x17F  }
0xa6: {  	v5 =	vadd.s32 $0x480, v4  }
0xa7: {  	v4 =	vand.u32 $0x7F, v4;
	v5 =	vand.u32 $0x780, v5  }
0xa8: {  	v4 =	vor.u32 v4, v5;
	_ =	sdelay $0x4  }
0xa9: {  	[tilespmem:v4+s11+$0x0] =	vst.idx.msk $0xffff, v2  }
0xaa: {  	v4 =	vld [tilespmem:$0xF0];
	_ =	sdelay $0x7  }
0xab: {  	v4 =	vld.idx.msk [tilespmem:v4+s8+$0x0], $0xffff;
	_ =	sdelay $0x4  }
0xac: {  	v4 =	vsub.s32 v4, v3  }
0xad: {  	vm15 =	vgt.s32 v4, $0x0  }
0xae: {  	v4 =	vnsel vm15, $0x0, v4  }
0xaf: {  	v4 =	vmin.u32 v4, $0x17F  }
0xb0: {  	v5 =	vadd.s32 $0x480, v4  }
0xb1: {  	v4 =	vand.u32 $0x7F, v4;
	v5 =	vand.u32 $0x780, v5  }
0xb2: {  	v4 =	vor.u32 v4, v5;
	_ =	sdelay $0x4  }
0xb3: {  	[tilespmem:v4+s11+$0x0] =	vst.idx.msk $0xffff, v2  }
0xb4: {  	v4 =	vld [tilespmem:$0x100];
	_ =	sdelay $0x7  }
0xb5: {  	v4 =	vld.idx.msk [tilespmem:v4+s8+$0x0], $0xffff;
	_ =	sdelay $0x4  }
0xb6: {  	v4 =	vsub.s32 v4, v3  }
0xb7: {  	vm4 =	vgt.s32 v4, $0x0  }
0xb8: {  	v4 =	vnsel vm4, $0x0, v4  }
0xb9: {  	v4 =	vmin.u32 v4, $0x17F  }
0xba: {  	v4 =	vor.u32 $0x600, v4;
	_ =	sdelay $0x4  }
0xbb: {  	[tilespmem:v4+s11+$0x0] =	vst.idx.msk $0xffff, v2  }
0xbc: {  	v4 =	vld [tilespmem:$0x110];
	_ =	sdelay $0x7  }
0xbd: {  	v4 =	vld.idx.msk [tilespmem:v4+s8+$0x0], $0xffff;
	_ =	sdelay $0x4  }
0xbe: {  	v4 =	vsub.s32 v4, v3  }
0xbf: {  	vm5 =	vgt.s32 v4, $0x0  }
0xc0: {  	v4 =	vnsel vm5, $0x0, v4  }
0xc1: {  	v4 =	vmin.u32 v4, $0x17F  }
0xc2: {  	v4 =	vor.u32 $0x600, v4;
	_ =	sdelay $0x4  }
0xc3: {  	[tilespmem:v4+s11+$0x0] =	vst.idx.msk $0xffff, v2  }
0xc4: {  	v4 =	vld [tilespmem:$0x120];
	_ =	sdelay $0x7  }
0xc5: {  	v4 =	vld.idx.msk [tilespmem:v4+s8+$0x0], $0xffff;
	_ =	sdelay $0x4  }
0xc6: {  	v4 =	vsub.s32 v4, v3  }
0xc7: {  	vm6 =	vgt.s32 v4, $0x0  }
0xc8: {  	v4 =	vnsel vm6, $0x0, v4  }
0xc9: {  	v4 =	vmin.u32 v4, $0x17F  }
0xca: {  	v4 =	vor.u32 $0x600, v4;
	_ =	sdelay $0x4  }
0xcb: {  	[tilespmem:v4+s11+$0x0] =	vst.idx.msk $0xffff, v2  }
0xcc: {  	v4 =	vld [tilespmem:$0x130];
	_ =	sdelay $0x7  }
0xcd: {  	v4 =	vld.idx.msk [tilespmem:v4+s8+$0x0], $0xffff;
	_ =	sdelay $0x4  }
0xce: {  	v4 =	vsub.s32 v4, v3  }
0xcf: {  	vm7 =	vgt.s32 v4, $0x0  }
0xd0: {  	v4 =	vnsel vm7, $0x0, v4  }
0xd1: {  	v4 =	vmin.u32 v4, $0x17F  }
0xd2: {  	v4 =	vor.u32 $0x600, v4;
	_ =	sdelay $0x4  }
0xd3: {  	[tilespmem:v4+s11+$0x0] =	vst.idx.msk $0xffff, v2  }
0xd4: {  	v4 =	vld [tilespmem:$0x140];
	_ =	sdelay $0x7  }
0xd5: {  	v4 =	vld.idx.msk [tilespmem:v4+s8+$0x0], $0xffff;
	_ =	sdelay $0x4  }
0xd6: {  	v4 =	vsub.s32 v4, v3  }
0xd7: {  	vm8 =	vgt.s32 v4, $0x0  }
0xd8: {  	v4 =	vnsel vm8, $0x0, v4  }
0xd9: {  	v4 =	vmin.u32 v4, $0x17F  }
0xda: {  	v5 =	vadd.s32 $0x780, v4  }
0xdb: {  	v4 =	vand.u32 $0x7F, v4;
	v5 =	vand.u32 $0xF80, v5  }
0xdc: {  	v4 =	vor.u32 v4, v5;
	_ =	sdelay $0x4  }
0xdd: {  	[tilespmem:v4+s11+$0x0] =	vst.idx.msk $0xffff, v2  }
0xde: {  	v4 =	vld [tilespmem:$0x150];
	_ =	sdelay $0x7  }
0xdf: {  	v4 =	vld.idx.msk [tilespmem:v4+s8+$0x0], $0xffff;
	_ =	sdelay $0x4  }
0xe0: {  	v4 =	vsub.s32 v4, v3  }
0xe1: {  	vm9 =	vgt.s32 v4, $0x0  }
0xe2: {  	v4 =	vnsel vm9, $0x0, v4  }
0xe3: {  	v4 =	vmin.u32 v4, $0x17F  }
0xe4: {  	v5 =	vadd.s32 $0x780, v4  }
0xe5: {  	v4 =	vand.u32 $0x7F, v4;
	v5 =	vand.u32 $0xF80, v5  }
0xe6: {  	v4 =	vor.u32 v4, v5;
	_ =	sdelay $0x4  }
0xe7: {  	[tilespmem:v4+s11+$0x0] =	vst.idx.msk $0xffff, v2  }
0xe8: {  	v4 =	vld [tilespmem:$0x160];
	_ =	sdelay $0x7  }
0xe9: {  	v4 =	vld.idx.msk [tilespmem:v4+s8+$0x0], $0xffff;
	_ =	sdelay $0x4  }
0xea: {  	v4 =	vsub.s32 v4, v3  }
0xeb: {  	vm10 =	vgt.s32 v4, $0x0  }
0xec: {  	v4 =	vnsel vm10, $0x0, v4  }
0xed: {  	v4 =	vmin.u32 v4, $0x17F  }
0xee: {  	v5 =	vadd.s32 $0x780, v4  }
0xef: {  	v4 =	vand.u32 $0x7F, v4;
	v5 =	vand.u32 $0xF80, v5  }
0xf0: {  	v4 =	vor.u32 v4, v5;
	_ =	sdelay $0x4  }
0xf1: {  	[tilespmem:v4+s11+$0x0] =	vst.idx.msk $0xffff, v2  }
0xf2: {  	v4 =	vld [tilespmem:$0x170];
	_ =	sdelay $0x7  }
0xf3: {  	v4 =	vld.idx.msk [tilespmem:v4+s8+$0x0], $0xffff;
	_ =	sdelay $0x4  }
0xf4: {  	v4 =	vsub.s32 v4, v3  }
0xf5: {  	vm11 =	vgt.s32 v4, $0x0  }
0xf6: {  	v4 =	vnsel vm11, $0x0, v4  }
0xf7: {  	v4 =	vmin.u32 v4, $0x17F  }
0xf8: {  	v5 =	vadd.s32 $0x780, v4  }
0xf9: {  	v4 =	vand.u32 $0x7F, v4;
	v5 =	vand.u32 $0xF80, v5  }
0xfa: {  	v4 =	vor.u32 v4, v5;
	_ =	sdelay $0x4  }
0xfb: {  	[tilespmem:v4+s11+$0x0] =	vst.idx.msk $0xffff, v2  }
0xfc: {  	v4 =	vld [tilespmem:$0x180];
	_ =	sdelay $0x7  }
0xfd: {  	v4 =	vld.idx.msk [tilespmem:v4+s8+$0x0], $0xffff;
	_ =	sdelay $0x4  }
0xfe: {  	v4 =	vsub.s32 v4, v3  }
0xff: {  	vm12 =	vgt.s32 v4, $0x0  }
0x100: {  	v4 =	vnsel vm12, $0x0, v4  }
0x101: {  	v4 =	vmin.u32 v4, $0x17F  }
0x102: {  	v5 =	vadd.s32 $0x900, v4  }
0x103: {  	v4 =	vand.u32 $0x7F, v4;
	v5 =	vand.u32 $0xB80, v5  }
0x104: {  	v4 =	vor.u32 v4, v5;
	_ =	sdelay $0x4  }
0x105: {  	[tilespmem:v4+s11+$0x0] =	vst.idx.msk $0xffff, v2  }
0x106: {  	v4 =	vld [tilespmem:$0x190];
	_ =	sdelay $0x7  }
0x107: {  	v4 =	vld.idx.msk [tilespmem:v4+s8+$0x0], $0xffff;
	_ =	sdelay $0x4  }
0x108: {  	v4 =	vsub.s32 v4, v3  }
0x109: {  	vm13 =	vgt.s32 v4, $0x0  }
0x10a: {  	v4 =	vnsel vm13, $0x0, v4  }
0x10b: {  	v4 =	vmin.u32 v4, $0x17F  }
0x10c: {  	v5 =	vadd.s32 $0x900, v4  }
0x10d: {  	v4 =	vand.u32 $0x7F, v4;
	v5 =	vand.u32 $0xB80, v5  }
0x10e: {  	v4 =	vor.u32 v4, v5;
	_ =	sdelay $0x4  }
0x10f: {  	[tilespmem:v4+s11+$0x0] =	vst.idx.msk $0xffff, v2  }
0x110: {  	v4 =	vld [tilespmem:$0x1A0];
	_ =	sdelay $0x7  }
0x111: {  	v4 =	vld.idx.msk [tilespmem:v4+s8+$0x0], $0xffff;
	_ =	sdelay $0x4  }
0x112: {  	v4 =	vsub.s32 v4, v3  }
0x113: {  	vm14 =	vgt.s32 v4, $0x0  }
0x114: {  	v4 =	vnsel vm14, $0x0, v4  }
0x115: {  	v4 =	vmin.u32 v4, $0x17F  }
0x116: {  	v5 =	vadd.s32 $0x900, v4  }
0x117: {  	v4 =	vand.u32 $0x7F, v4;
	v5 =	vand.u32 $0xB80, v5  }
0x118: {  	v4 =	vor.u32 v4, v5;
	_ =	sdelay $0x4  }
0x119: {  	[tilespmem:v4+s11+$0x0] =	vst.idx.msk $0xffff, v2  }
0x11a: {  	v4 =	vld [tilespmem:$0x1B0];
	_ =	sdelay $0x7  }
0x11b: {  	v4 =	vld.idx.msk [tilespmem:v4+s8+$0x0], $0xffff;
	_ =	sdelay $0x4  }
0x11c: {  	v4 =	vsub.s32 v4, v3  }
0x11d: {  	vm15 =	vgt.s32 v4, $0x0  }
0x11e: {  	v4 =	vnsel vm15, $0x0, v4  }
0x11f: {  	v4 =	vmin.u32 v4, $0x17F  }
0x120: {  	v5 =	vadd.s32 $0x900, v4  }
0x121: {  	v4 =	vand.u32 $0x7F, v4;
	v5 =	vand.u32 $0xB80, v5  }
0x122: {  	v4 =	vor.u32 v4, v5;
	_ =	sdelay $0x4  }
0x123: {  	[tilespmem:v4+s11+$0x0] =	vst.idx.msk $0xffff, v2  }
0x124: {  	v4 =	vld [tilespmem:$0x1C0];
	_ =	sdelay $0x7  }
0x125: {  	v4 =	vld.idx.msk [tilespmem:v4+s8+$0x0], $0xffff;
	_ =	sdelay $0x4  }
0x126: {  	v4 =	vsub.s32 v4, v3  }
0x127: {  	vm4 =	vgt.s32 v4, $0x0  }
0x128: {  	v4 =	vnsel vm4, $0x0, v4  }
0x129: {  	v4 =	vmin.u32 v4, $0x17F  }
0x12a: {  	v5 =	vadd.s32 $0xA80, v4  }
0x12b: {  	v4 =	vand.u32 $0x7F, v4;
	v5 =	vand.u32 $0xF80, v5  }
0x12c: {  	v4 =	vor.u32 v4, v5;
	_ =	sdelay $0x4  }
0x12d: {  	[tilespmem:v4+s11+$0x0] =	vst.idx.msk $0xffff, v2  }
0x12e: {  	v4 =	vld [tilespmem:$0x1D0];
	_ =	sdelay $0x7  }
0x12f: {  	v4 =	vld.idx.msk [tilespmem:v4+s8+$0x0], $0xffff;
	_ =	sdelay $0x4  }
0x130: {  	v4 =	vsub.s32 v4, v3  }
0x131: {  	vm5 =	vgt.s32 v4, $0x0  }
0x132: {  	v4 =	vnsel vm5, $0x0, v4  }
0x133: {  	v4 =	vmin.u32 v4, $0x17F  }
0x134: {  	v5 =	vadd.s32 $0xA80, v4  }
0x135: {  	v4 =	vand.u32 $0x7F, v4;
	v5 =	vand.u32 $0xF80, v5  }
0x136: {  	v4 =	vor.u32 v4, v5;
	_ =	sdelay $0x4  }
0x137: {  	[tilespmem:v4+s11+$0x0] =	vst.idx.msk $0xffff, v2  }
0x138: {  	v4 =	vld [tilespmem:$0x1E0];
	_ =	sdelay $0x7  }
0x139: {  	v4 =	vld.idx.msk [tilespmem:v4+s8+$0x0], $0xffff;
	_ =	sdelay $0x4  }
0x13a: {  	v4 =	vsub.s32 v4, v3  }
0x13b: {  	vm6 =	vgt.s32 v4, $0x0  }
0x13c: {  	v4 =	vnsel vm6, $0x0, v4  }
0x13d: {  	v4 =	vmin.u32 v4, $0x17F  }
0x13e: {  	v5 =	vadd.s32 $0xA80, v4  }
0x13f: {  	v4 =	vand.u32 $0x7F, v4;
	v5 =	vand.u32 $0xF80, v5  }
0x140: {  	v4 =	vor.u32 v4, v5;
	_ =	sdelay $0x4  }
0x141: {  	[tilespmem:v4+s11+$0x0] =	vst.idx.msk $0xffff, v2  }
0x142: {  	v4 =	vld [tilespmem:$0x1F0];
	_ =	sdelay $0x7  }
0x143: {  	v4 =	vld.idx.msk [tilespmem:v4+s8+$0x0], $0xffff;
	_ =	sdelay $0x4  }
0x144: {  	v4 =	vsub.s32 v4, v3  }
0x145: {  	vm7 =	vgt.s32 v4, $0x0  }
0x146: {  	v4 =	vnsel vm7, $0x0, v4  }
0x147: {  	v4 =	vmin.u32 v4, $0x17F  }
0x148: {  	v5 =	vadd.s32 $0xA80, v4  }
0x149: {  	v4 =	vand.u32 $0x7F, v4;
	v5 =	vand.u32 $0xF80, v5  }
0x14a: {  	v4 =	vor.u32 v4, v5;
	_ =	sdelay $0x4  }
0x14b: {  	[tilespmem:v4+s11+$0x0] =	vst.idx.msk $0xffff, v2  }
0x14c: {  	[hbm4b:s14+s2] =	stream.linear.scatter [tilespmem:s11], [sflag:$0x1], $0xC00, $0x38;
	[tilespmem:$0x1680] =	vst v63  }
0x14d: {  	_ =	swait.ge [sflag:s9], $0xC00  }
0x14e: {  	[sflag:s9] =	ssyncset.done $0x0  }
0x14f: {  	[sflag:s9] =	ssyncadd.s32 $0xFFFFF400  }
0x150: {  	v4 =	vld [tilespmem:$0x0];
	_ =	sdelay $0x7  }
0x151: {  	v4 =	vld.idx.msk [tilespmem:v4+s8+$0x0], $0xffff;
	_ =	sdelay $0x4  }
0x152: {  	v4 =	vsub.s32 v4, v3  }
0x153: {  	vm8 =	vgt.s32 v4, $0x0  }
0x154: {  	v4 =	vnsel vm8, $0x0, v4  }
0x155: {  	v4 =	vmin.u32 v4, $0x17F;
	_ =	sdelay $0x4  }
0x156: {  	[tilespmem:v4+s11+$0x0] =	vst.idx.msk $0xffff, v1  }
0x157: {  	v4 =	vld [tilespmem:$0x10];
	_ =	sdelay $0x7  }
0x158: {  	v4 =	vld.idx.msk [tilespmem:v4+s8+$0x0], $0xffff;
	_ =	sdelay $0x4  }
0x159: {  	v4 =	vsub.s32 v4, v3  }
0x15a: {  	vm9 =	vgt.s32 v4, $0x0  }
0x15b: {  	v4 =	vnsel vm9, $0x0, v4  }
0x15c: {  	v4 =	vmin.u32 v4, $0x17F;
	_ =	sdelay $0x4  }
0x15d: {  	[tilespmem:v4+s11+$0x0] =	vst.idx.msk $0xffff, v1  }
0x15e: {  	v4 =	vld [tilespmem:$0x20];
	_ =	sdelay $0x7  }
0x15f: {  	v4 =	vld.idx.msk [tilespmem:v4+s8+$0x0], $0xffff;
	_ =	sdelay $0x4  }
0x160: {  	v4 =	vsub.s32 v4, v3  }
0x161: {  	vm10 =	vgt.s32 v4, $0x0  }
0x162: {  	v4 =	vnsel vm10, $0x0, v4  }
0x163: {  	v4 =	vmin.u32 v4, $0x17F;
	_ =	sdelay $0x4  }
0x164: {  	[tilespmem:v4+s11+$0x0] =	vst.idx.msk $0xffff, v1  }
0x165: {  	v4 =	vld [tilespmem:$0x30];
	_ =	sdelay $0x7  }
0x166: {  	v4 =	vld.idx.msk [tilespmem:v4+s8+$0x0], $0xffff;
	_ =	sdelay $0x4  }
0x167: {  	v4 =	vsub.s32 v4, v3  }
0x168: {  	vm11 =	vgt.s32 v4, $0x0  }
0x169: {  	v4 =	vnsel vm11, $0x0, v4  }
0x16a: {  	v4 =	vmin.u32 v4, $0x17F;
	_ =	sdelay $0x4  }
0x16b: {  	[tilespmem:v4+s11+$0x0] =	vst.idx.msk $0xffff, v1  }
0x16c: {  	v4 =	vld [tilespmem:$0x40];
	_ =	sdelay $0x7  }
0x16d: {  	v4 =	vld.idx.msk [tilespmem:v4+s8+$0x0], $0xffff;
	_ =	sdelay $0x4  }
0x16e: {  	v4 =	vsub.s32 v4, v3  }
0x16f: {  	vm12 =	vgt.s32 v4, $0x0  }
0x170: {  	v4 =	vnsel vm12, $0x0, v4  }
0x171: {  	v4 =	vmin.u32 v4, $0x17F  }
0x172: {  	v5 =	vadd.s32 $0x180, v4  }
0x173: {  	v4 =	vand.u32 $0x7F, v4;
	v5 =	vand.u32 $0x380, v5  }
0x174: {  	v4 =	vor.u32 v4, v5;
	_ =	sdelay $0x4  }
0x175: {  	[tilespmem:v4+s11+$0x0] =	vst.idx.msk $0xffff, v1  }
0x176: {  	v4 =	vld [tilespmem:$0x50];
	_ =	sdelay $0x7  }
0x177: {  	v4 =	vld.idx.msk [tilespmem:v4+s8+$0x0], $0xffff;
	_ =	sdelay $0x4  }
0x178: {  	v4 =	vsub.s32 v4, v3  }
0x179: {  	vm13 =	vgt.s32 v4, $0x0  }
0x17a: {  	v4 =	vnsel vm13, $0x0, v4  }
0x17b: {  	v4 =	vmin.u32 v4, $0x17F  }
0x17c: {  	v5 =	vadd.s32 $0x180, v4  }
0x17d: {  	v4 =	vand.u32 $0x7F, v4;
	v5 =	vand.u32 $0x380, v5  }
0x17e: {  	v4 =	vor.u32 v4, v5;
	_ =	sdelay $0x4  }
0x17f: {  	[tilespmem:v4+s11+$0x0] =	vst.idx.msk $0xffff, v1  }
0x180: {  	v4 =	vld [tilespmem:$0x60];
	_ =	sdelay $0x7  }
0x181: {  	v4 =	vld.idx.msk [tilespmem:v4+s8+$0x0], $0xffff;
	_ =	sdelay $0x4  }
0x182: {  	v4 =	vsub.s32 v4, v3  }
0x183: {  	vm14 =	vgt.s32 v4, $0x0  }
0x184: {  	v4 =	vnsel vm14, $0x0, v4  }
0x185: {  	v4 =	vmin.u32 v4, $0x17F  }
0x186: {  	v5 =	vadd.s32 $0x180, v4  }
0x187: {  	v4 =	vand.u32 $0x7F, v4;
	v5 =	vand.u32 $0x380, v5  }
0x188: {  	v4 =	vor.u32 v4, v5;
	_ =	sdelay $0x4  }
0x189: {  	[tilespmem:v4+s11+$0x0] =	vst.idx.msk $0xffff, v1  }
0x18a: {  	v4 =	vld [tilespmem:$0x70];
	_ =	sdelay $0x7  }
0x18b: {  	v4 =	vld.idx.msk [tilespmem:v4+s8+$0x0], $0xffff;
	_ =	sdelay $0x4  }
0x18c: {  	v4 =	vsub.s32 v4, v3  }
0x18d: {  	vm15 =	vgt.s32 v4, $0x0  }
0x18e: {  	v4 =	vnsel vm15, $0x0, v4  }
0x18f: {  	v4 =	vmin.u32 v4, $0x17F  }
0x190: {  	v5 =	vadd.s32 $0x180, v4  }
0x191: {  	v4 =	vand.u32 $0x7F, v4;
	v5 =	vand.u32 $0x380, v5  }
0x192: {  	v4 =	vor.u32 v4, v5;
	_ =	sdelay $0x4  }
0x193: {  	[tilespmem:v4+s11+$0x0] =	vst.idx.msk $0xffff, v1  }
0x194: {  	v4 =	vld [tilespmem:$0x80];
	_ =	sdelay $0x7  }
0x195: {  	v4 =	vld.idx.msk [tilespmem:v4+s8+$0x0], $0xffff;
	_ =	sdelay $0x4  }
0x196: {  	v4 =	vsub.s32 v4, v3  }
0x197: {  	vm4 =	vgt.s32 v4, $0x0  }
0x198: {  	v4 =	vnsel vm4, $0x0, v4  }
0x199: {  	v4 =	vmin.u32 v4, $0x17F  }
0x19a: {  	v5 =	vadd.s32 $0x300, v4  }
0x19b: {  	v4 =	vand.u32 $0x7F, v4;
	v5 =	vand.u32 $0x780, v5  }
0x19c: {  	v4 =	vor.u32 v4, v5;
	_ =	sdelay $0x4  }
0x19d: {  	[tilespmem:v4+s11+$0x0] =	vst.idx.msk $0xffff, v1  }
0x19e: {  	v4 =	vld [tilespmem:$0x90];
	_ =	sdelay $0x7  }
0x19f: {  	v4 =	vld.idx.msk [tilespmem:v4+s8+$0x0], $0xffff;
	_ =	sdelay $0x4  }
0x1a0: {  	v4 =	vsub.s32 v4, v3  }
0x1a1: {  	vm5 =	vgt.s32 v4, $0x0  }
0x1a2: {  	v4 =	vnsel vm5, $0x0, v4  }
0x1a3: {  	v4 =	vmin.u32 v4, $0x17F  }
0x1a4: {  	v5 =	vadd.s32 $0x300, v4  }
0x1a5: {  	v4 =	vand.u32 $0x7F, v4;
	v5 =	vand.u32 $0x780, v5  }
0x1a6: {  	v4 =	vor.u32 v4, v5;
	_ =	sdelay $0x4  }
0x1a7: {  	[tilespmem:v4+s11+$0x0] =	vst.idx.msk $0xffff, v1  }
0x1a8: {  	v4 =	vld [tilespmem:$0xA0];
	_ =	sdelay $0x7  }
0x1a9: {  	v4 =	vld.idx.msk [tilespmem:v4+s8+$0x0], $0xffff;
	_ =	sdelay $0x4  }
0x1aa: {  	v4 =	vsub.s32 v4, v3  }
0x1ab: {  	vm6 =	vgt.s32 v4, $0x0  }
0x1ac: {  	v4 =	vnsel vm6, $0x0, v4  }
0x1ad: {  	v4 =	vmin.u32 v4, $0x17F  }
0x1ae: {  	v5 =	vadd.s32 $0x300, v4  }
0x1af: {  	v4 =	vand.u32 $0x7F, v4;
	v5 =	vand.u32 $0x780, v5  }
0x1b0: {  	v4 =	vor.u32 v4, v5;
	_ =	sdelay $0x4  }
0x1b1: {  	[tilespmem:v4+s11+$0x0] =	vst.idx.msk $0xffff, v1  }
0x1b2: {  	v4 =	vld [tilespmem:$0xB0];
	_ =	sdelay $0x7  }
0x1b3: {  	v4 =	vld.idx.msk [tilespmem:v4+s8+$0x0], $0xffff;
	_ =	sdelay $0x4  }
0x1b4: {  	v4 =	vsub.s32 v4, v3  }
0x1b5: {  	vm7 =	vgt.s32 v4, $0x0  }
0x1b6: {  	v4 =	vnsel vm7, $0x0, v4  }
0x1b7: {  	v4 =	vmin.u32 v4, $0x17F  }
0x1b8: {  	v5 =	vadd.s32 $0x300, v4  }
0x1b9: {  	v4 =	vand.u32 $0x7F, v4;
	v5 =	vand.u32 $0x780, v5  }
0x1ba: {  	v4 =	vor.u32 v4, v5;
	_ =	sdelay $0x4  }
0x1bb: {  	[tilespmem:v4+s11+$0x0] =	vst.idx.msk $0xffff, v1  }
0x1bc: {  	v4 =	vld [tilespmem:$0xC0];
	_ =	sdelay $0x7  }
0x1bd: {  	v4 =	vld.idx.msk [tilespmem:v4+s8+$0x0], $0xffff;
	_ =	sdelay $0x4  }
0x1be: {  	v4 =	vsub.s32 v4, v3  }
0x1bf: {  	vm8 =	vgt.s32 v4, $0x0  }
0x1c0: {  	v4 =	vnsel vm8, $0x0, v4  }
0x1c1: {  	v4 =	vmin.u32 v4, $0x17F  }
0x1c2: {  	v5 =	vadd.s32 $0x480, v4  }
0x1c3: {  	v4 =	vand.u32 $0x7F, v4;
	v5 =	vand.u32 $0x780, v5  }
0x1c4: {  	v4 =	vor.u32 v4, v5;
	_ =	sdelay $0x4  }
0x1c5: {  	[tilespmem:v4+s11+$0x0] =	vst.idx.msk $0xffff, v1  }
0x1c6: {  	v4 =	vld [tilespmem:$0xD0];
	_ =	sdelay $0x7  }
0x1c7: {  	v4 =	vld.idx.msk [tilespmem:v4+s8+$0x0], $0xffff;
	_ =	sdelay $0x4  }
0x1c8: {  	v4 =	vsub.s32 v4, v3  }
0x1c9: {  	vm9 =	vgt.s32 v4, $0x0  }
0x1ca: {  	v4 =	vnsel vm9, $0x0, v4  }
0x1cb: {  	v4 =	vmin.u32 v4, $0x17F  }
0x1cc: {  	v5 =	vadd.s32 $0x480, v4  }
0x1cd: {  	v4 =	vand.u32 $0x7F, v4;
	v5 =	vand.u32 $0x780, v5  }
0x1ce: {  	v4 =	vor.u32 v4, v5;
	_ =	sdelay $0x4  }
0x1cf: {  	[tilespmem:v4+s11+$0x0] =	vst.idx.msk $0xffff, v1  }
0x1d0: {  	v4 =	vld [tilespmem:$0xE0];
	_ =	sdelay $0x7  }
0x1d1: {  	v4 =	vld.idx.msk [tilespmem:v4+s8+$0x0], $0xffff;
	_ =	sdelay $0x4  }
0x1d2: {  	v4 =	vsub.s32 v4, v3  }
0x1d3: {  	vm10 =	vgt.s32 v4, $0x0  }
0x1d4: {  	v4 =	vnsel vm10, $0x0, v4  }
0x1d5: {  	v4 =	vmin.u32 v4, $0x17F  }
0x1d6: {  	v5 =	vadd.s32 $0x480, v4  }
0x1d7: {  	v4 =	vand.u32 $0x7F, v4;
	v5 =	vand.u32 $0x780, v5  }
0x1d8: {  	v4 =	vor.u32 v4, v5;
	_ =	sdelay $0x4  }
0x1d9: {  	[tilespmem:v4+s11+$0x0] =	vst.idx.msk $0xffff, v1  }
0x1da: {  	v4 =	vld [tilespmem:$0xF0];
	_ =	sdelay $0x7  }
0x1db: {  	v4 =	vld.idx.msk [tilespmem:v4+s8+$0x0], $0xffff;
	_ =	sdelay $0x4  }
0x1dc: {  	v4 =	vsub.s32 v4, v3  }
0x1dd: {  	vm11 =	vgt.s32 v4, $0x0  }
0x1de: {  	v4 =	vnsel vm11, $0x0, v4  }
0x1df: {  	v4 =	vmin.u32 v4, $0x17F  }
0x1e0: {  	v5 =	vadd.s32 $0x480, v4  }
0x1e1: {  	v4 =	vand.u32 $0x7F, v4;
	v5 =	vand.u32 $0x780, v5  }
0x1e2: {  	v4 =	vor.u32 v4, v5;
	_ =	sdelay $0x4  }
0x1e3: {  	[tilespmem:v4+s11+$0x0] =	vst.idx.msk $0xffff, v1  }
0x1e4: {  	v4 =	vld [tilespmem:$0x100];
	_ =	sdelay $0x7  }
0x1e5: {  	v4 =	vld.idx.msk [tilespmem:v4+s8+$0x0], $0xffff;
	_ =	sdelay $0x4  }
0x1e6: {  	v4 =	vsub.s32 v4, v3  }
0x1e7: {  	vm12 =	vgt.s32 v4, $0x0  }
0x1e8: {  	v4 =	vnsel vm12, $0x0, v4  }
0x1e9: {  	v4 =	vmin.u32 v4, $0x17F  }
0x1ea: {  	v4 =	vor.u32 $0x600, v4;
	_ =	sdelay $0x4  }
0x1eb: {  	[tilespmem:v4+s11+$0x0] =	vst.idx.msk $0xffff, v1  }
0x1ec: {  	v4 =	vld [tilespmem:$0x110];
	_ =	sdelay $0x7  }
0x1ed: {  	v4 =	vld.idx.msk [tilespmem:v4+s8+$0x0], $0xffff;
	_ =	sdelay $0x4  }
0x1ee: {  	v4 =	vsub.s32 v4, v3  }
0x1ef: {  	vm13 =	vgt.s32 v4, $0x0  }
0x1f0: {  	v4 =	vnsel vm13, $0x0, v4  }
0x1f1: {  	v4 =	vmin.u32 v4, $0x17F  }
0x1f2: {  	v4 =	vor.u32 $0x600, v4;
	_ =	sdelay $0x4  }
0x1f3: {  	[tilespmem:v4+s11+$0x0] =	vst.idx.msk $0xffff, v1  }
0x1f4: {  	v4 =	vld [tilespmem:$0x120];
	_ =	sdelay $0x7  }
0x1f5: {  	v4 =	vld.idx.msk [tilespmem:v4+s8+$0x0], $0xffff;
	_ =	sdelay $0x4  }
0x1f6: {  	v4 =	vsub.s32 v4, v3  }
0x1f7: {  	vm14 =	vgt.s32 v4, $0x0  }
0x1f8: {  	v4 =	vnsel vm14, $0x0, v4  }
0x1f9: {  	v4 =	vmin.u32 v4, $0x17F  }
0x1fa: {  	v4 =	vor.u32 $0x600, v4;
	_ =	sdelay $0x4  }
0x1fb: {  	[tilespmem:v4+s11+$0x0] =	vst.idx.msk $0xffff, v1  }
0x1fc: {  	v4 =	vld [tilespmem:$0x130];
	_ =	sdelay $0x7  }
0x1fd: {  	v4 =	vld.idx.msk [tilespmem:v4+s8+$0x0], $0xffff;
	_ =	sdelay $0x4  }
0x1fe: {  	v4 =	vsub.s32 v4, v3  }
0x1ff: {  	vm15 =	vgt.s32 v4, $0x0  }
0x200: {  	v4 =	vnsel vm15, $0x0, v4  }
0x201: {  	v4 =	vmin.u32 v4, $0x17F  }
0x202: {  	v4 =	vor.u32 $0x600, v4;
	_ =	sdelay $0x4  }
0x203: {  	[tilespmem:v4+s11+$0x0] =	vst.idx.msk $0xffff, v1  }
0x204: {  	v4 =	vld [tilespmem:$0x140];
	_ =	sdelay $0x7  }
0x205: {  	v4 =	vld.idx.msk [tilespmem:v4+s8+$0x0], $0xffff;
	_ =	sdelay $0x4  }
0x206: {  	v4 =	vsub.s32 v4, v3  }
0x207: {  	vm4 =	vgt.s32 v4, $0x0  }
0x208: {  	v4 =	vnsel vm4, $0x0, v4  }
0x209: {  	v4 =	vmin.u32 v4, $0x17F  }
0x20a: {  	v5 =	vadd.s32 $0x780, v4  }
0x20b: {  	v4 =	vand.u32 $0x7F, v4;
	v5 =	vand.u32 $0xF80, v5  }
0x20c: {  	v4 =	vor.u32 v4, v5;
	_ =	sdelay $0x4  }
0x20d: {  	[tilespmem:v4+s11+$0x0] =	vst.idx.msk $0xffff, v1  }
0x20e: {  	v4 =	vld [tilespmem:$0x150];
	_ =	sdelay $0x7  }
0x20f: {  	v4 =	vld.idx.msk [tilespmem:v4+s8+$0x0], $0xffff;
	_ =	sdelay $0x4  }
0x210: {  	v4 =	vsub.s32 v4, v3  }
0x211: {  	vm5 =	vgt.s32 v4, $0x0  }
0x212: {  	v4 =	vnsel vm5, $0x0, v4  }
0x213: {  	v4 =	vmin.u32 v4, $0x17F  }
0x214: {  	v5 =	vadd.s32 $0x780, v4  }
0x215: {  	v4 =	vand.u32 $0x7F, v4;
	v5 =	vand.u32 $0xF80, v5  }
0x216: {  	v4 =	vor.u32 v4, v5;
	_ =	sdelay $0x4  }
0x217: {  	[tilespmem:v4+s11+$0x0] =	vst.idx.msk $0xffff, v1  }
0x218: {  	v4 =	vld [tilespmem:$0x160];
	_ =	sdelay $0x7  }
0x219: {  	v4 =	vld.idx.msk [tilespmem:v4+s8+$0x0], $0xffff;
	_ =	sdelay $0x4  }
0x21a: {  	v4 =	vsub.s32 v4, v3  }
0x21b: {  	vm6 =	vgt.s32 v4, $0x0  }
0x21c: {  	v4 =	vnsel vm6, $0x0, v4  }
0x21d: {  	v4 =	vmin.u32 v4, $0x17F  }
0x21e: {  	v5 =	vadd.s32 $0x780, v4  }
0x21f: {  	v4 =	vand.u32 $0x7F, v4;
	v5 =	vand.u32 $0xF80, v5  }
0x220: {  	v4 =	vor.u32 v4, v5;
	_ =	sdelay $0x4  }
0x221: {  	[tilespmem:v4+s11+$0x0] =	vst.idx.msk $0xffff, v1  }
0x222: {  	v4 =	vld [tilespmem:$0x170];
	_ =	sdelay $0x7  }
0x223: {  	v4 =	vld.idx.msk [tilespmem:v4+s8+$0x0], $0xffff;
	_ =	sdelay $0x4  }
0x224: {  	v4 =	vsub.s32 v4, v3  }
0x225: {  	vm7 =	vgt.s32 v4, $0x0  }
0x226: {  	v4 =	vnsel vm7, $0x0, v4  }
0x227: {  	v4 =	vmin.u32 v4, $0x17F  }
0x228: {  	v5 =	vadd.s32 $0x780, v4  }
0x229: {  	v4 =	vand.u32 $0x7F, v4;
	v5 =	vand.u32 $0xF80, v5  }
0x22a: {  	v4 =	vor.u32 v4, v5;
	_ =	sdelay $0x4  }
0x22b: {  	[tilespmem:v4+s11+$0x0] =	vst.idx.msk $0xffff, v1  }
0x22c: {  	v4 =	vld [tilespmem:$0x180];
	_ =	sdelay $0x7  }
0x22d: {  	v4 =	vld.idx.msk [tilespmem:v4+s8+$0x0], $0xffff;
	_ =	sdelay $0x4  }
0x22e: {  	v4 =	vsub.s32 v4, v3  }
0x22f: {  	vm8 =	vgt.s32 v4, $0x0  }
0x230: {  	v4 =	vnsel vm8, $0x0, v4  }
0x231: {  	v4 =	vmin.u32 v4, $0x17F  }
0x232: {  	v5 =	vadd.s32 $0x900, v4  }
0x233: {  	v4 =	vand.u32 $0x7F, v4;
	v5 =	vand.u32 $0xB80, v5  }
0x234: {  	v4 =	vor.u32 v4, v5;
	_ =	sdelay $0x4  }
0x235: {  	[tilespmem:v4+s11+$0x0] =	vst.idx.msk $0xffff, v1  }
0x236: {  	v4 =	vld [tilespmem:$0x190];
	_ =	sdelay $0x7  }
0x237: {  	v4 =	vld.idx.msk [tilespmem:v4+s8+$0x0], $0xffff;
	_ =	sdelay $0x4  }
0x238: {  	v4 =	vsub.s32 v4, v3  }
0x239: {  	vm9 =	vgt.s32 v4, $0x0  }
0x23a: {  	v4 =	vnsel vm9, $0x0, v4  }
0x23b: {  	v4 =	vmin.u32 v4, $0x17F  }
0x23c: {  	v5 =	vadd.s32 $0x900, v4  }
0x23d: {  	v4 =	vand.u32 $0x7F, v4;
	v5 =	vand.u32 $0xB80, v5  }
0x23e: {  	v4 =	vor.u32 v4, v5;
	_ =	sdelay $0x4  }
0x23f: {  	[tilespmem:v4+s11+$0x0] =	vst.idx.msk $0xffff, v1  }
0x240: {  	v4 =	vld [tilespmem:$0x1A0];
	_ =	sdelay $0x7  }
0x241: {  	v4 =	vld.idx.msk [tilespmem:v4+s8+$0x0], $0xffff;
	_ =	sdelay $0x4  }
0x242: {  	v4 =	vsub.s32 v4, v3  }
0x243: {  	vm10 =	vgt.s32 v4, $0x0  }
0x244: {  	v4 =	vnsel vm10, $0x0, v4  }
0x245: {  	v4 =	vmin.u32 v4, $0x17F  }
0x246: {  	v5 =	vadd.s32 $0x900, v4  }
0x247: {  	v4 =	vand.u32 $0x7F, v4;
	v5 =	vand.u32 $0xB80, v5  }
0x248: {  	v4 =	vor.u32 v4, v5;
	_ =	sdelay $0x4  }
0x249: {  	[tilespmem:v4+s11+$0x0] =	vst.idx.msk $0xffff, v1  }
0x24a: {  	v4 =	vld [tilespmem:$0x1B0];
	_ =	sdelay $0x7  }
0x24b: {  	v4 =	vld.idx.msk [tilespmem:v4+s8+$0x0], $0xffff;
	_ =	sdelay $0x4  }
0x24c: {  	v4 =	vsub.s32 v4, v3  }
0x24d: {  	vm11 =	vgt.s32 v4, $0x0  }
0x24e: {  	v4 =	vnsel vm11, $0x0, v4  }
0x24f: {  	v4 =	vmin.u32 v4, $0x17F  }
0x250: {  	v5 =	vadd.s32 $0x900, v4  }
0x251: {  	v4 =	vand.u32 $0x7F, v4;
	v5 =	vand.u32 $0xB80, v5  }
0x252: {  	v4 =	vor.u32 v4, v5;
	_ =	sdelay $0x4  }
0x253: {  	[tilespmem:v4+s11+$0x0] =	vst.idx.msk $0xffff, v1  }
0x254: {  	v4 =	vld [tilespmem:$0x1C0];
	_ =	sdelay $0x7  }
0x255: {  	v4 =	vld.idx.msk [tilespmem:v4+s8+$0x0], $0xffff;
	_ =	sdelay $0x4  }
0x256: {  	v4 =	vsub.s32 v4, v3  }
0x257: {  	vm12 =	vgt.s32 v4, $0x0  }
0x258: {  	v4 =	vnsel vm12, $0x0, v4  }
0x259: {  	v4 =	vmin.u32 v4, $0x17F  }
0x25a: {  	v5 =	vadd.s32 $0xA80, v4  }
0x25b: {  	v4 =	vand.u32 $0x7F, v4;
	v5 =	vand.u32 $0xF80, v5  }
0x25c: {  	v4 =	vor.u32 v4, v5;
	_ =	sdelay $0x4  }
0x25d: {  	[tilespmem:v4+s11+$0x0] =	vst.idx.msk $0xffff, v1  }
0x25e: {  	v4 =	vld [tilespmem:$0x1D0];
	_ =	sdelay $0x7  }
0x25f: {  	v4 =	vld.idx.msk [tilespmem:v4+s8+$0x0], $0xffff;
	_ =	sdelay $0x4  }
0x260: {  	v4 =	vsub.s32 v4, v3  }
0x261: {  	vm13 =	vgt.s32 v4, $0x0  }
0x262: {  	v4 =	vnsel vm13, $0x0, v4  }
0x263: {  	v4 =	vmin.u32 v4, $0x17F  }
0x264: {  	v5 =	vadd.s32 $0xA80, v4  }
0x265: {  	v4 =	vand.u32 $0x7F, v4;
	v5 =	vand.u32 $0xF80, v5  }
0x266: {  	v4 =	vor.u32 v4, v5;
	_ =	sdelay $0x4  }
0x267: {  	[tilespmem:v4+s11+$0x0] =	vst.idx.msk $0xffff, v1  }
0x268: {  	v4 =	vld [tilespmem:$0x1E0];
	_ =	sdelay $0x7  }
0x269: {  	v4 =	vld.idx.msk [tilespmem:v4+s8+$0x0], $0xffff;
	_ =	sdelay $0x4  }
0x26a: {  	v4 =	vsub.s32 v4, v3  }
0x26b: {  	vm14 =	vgt.s32 v4, $0x0  }
0x26c: {  	v4 =	vnsel vm14, $0x0, v4  }
0x26d: {  	v4 =	vmin.u32 v4, $0x17F  }
0x26e: {  	v5 =	vadd.s32 $0xA80, v4  }
0x26f: {  	v4 =	vand.u32 $0x7F, v4;
	v5 =	vand.u32 $0xF80, v5  }
0x270: {  	v4 =	vor.u32 v4, v5;
	_ =	sdelay $0x4  }
0x271: {  	[tilespmem:v4+s11+$0x0] =	vst.idx.msk $0xffff, v1  }
0x272: {  	v4 =	vld [tilespmem:$0x1F0];
	_ =	sdelay $0x7  }
0x273: {  	v4 =	vld.idx.msk [tilespmem:v4+s8+$0x0], $0xffff;
	_ =	sdelay $0x4  }
0x274: {  	v4 =	vsub.s32 v4, v3  }
0x275: {  	vm15 =	vgt.s32 v4, $0x0  }
0x276: {  	v4 =	vnsel vm15, $0x0, v4  }
0x277: {  	v4 =	vmin.u32 v4, $0x17F  }
0x278: {  	v5 =	vadd.s32 $0xA80, v4  }
0x279: {  	v4 =	vand.u32 $0x7F, v4;
	v5 =	vand.u32 $0xF80, v5  }
0x27a: {  	p0 =	sne.s32 s13, $0x1C0;
	v4 =	vor.u32 v4, v5  }
.Ltmp1:
0x27b: {  	_ = 	snop;
	(pc) =	sbr.rel @p0 .LBB2_4-.Ltmp1, $2  }
0x27c: {  	_ =	sdelay $0x2  }
0x27d: {  	s13 =	sadd.s32 $0x40, s13;
	s14 =	sadd.s32 $0x180, s14;
	[tilespmem:v4+s11+$0x0] =	vst.idx.msk $0xffff, v1  }
0x27e: {  	s12 =	sadd.s32 $0x1, s12  }
0x27f: {  	p0 =	sne.s32 s12, s5  }
.Ltmp2:
0x280: {  	_ = 	snop;
	(pc) =	sbr.rel @p0 .LBB2_1-.Ltmp2, $1  }
0x281: {  	_ =	sdelay $0x3  }
0x282: {  	_ =	sfence.sel $0x180000  }
0x283: {  	[bflag:$0x0] =	sbarrier.arrive $0xFFFF  }
0x284: {  	p0 =	sne.s32 s1, $0x0;
	_ =	strace $0x9000004D  }
0x285: {  	s0 =	sadd.s32 @!p0 $0x100000, s0;
	[bflag:$0x2] =	sbarrier.arrive $0xFFFF  }
0x286: {  	[sflag:s0] =	ssyncadd.tile.s32 @!p0 $0x1;
	_ =	shalt  }
.Lfunc_end2:
_tile_overlayer_lowered:
.L_overlay_start_2:
0x287: {  	(tag) =	ssettag $0x2  }
0x288: {  	s0 =	rddreg [dreg:$0x0];
	s2 =	stileid.u32  }
0x289: {  	s1 =	rddreg [dreg:$0x1];
	p0 =	sne.s32 s2, $0x0  }
0x28a: {  	s3 =	rddreg [dreg:$0x2];
	[bflag:$0x3] =	sbarrier.arrive $0xFFFF;
	s2 =	simm.s32 @!p0 $0x1C01  }
0x28b: {  	[timem:s3], [sflag:s2] =	dma.local @!p0 [hbm:s0], s1  }
0x28c: {  	s0 =	simm.s32 @!p0 $0x1  }
0x28d: {  	_ =	swait.ge @!p0 [sflag:s0], s1  }
0x28e: {  	s1 =	ssub.s32 @!p0 $0x0, s1;
	[sflag:s0] =	ssyncset.done @!p0 $0x0  }
0x28f: {  	[sflag:s0] =	ssyncadd.s32 @!p0 s1  }
0x290: {  	[bflag:$0x3] =	sbarrier.arrive $0xFFFF  }
0x291: {  	_ =	shalt  }

// kernel: gather_offload_async_start.1
scs
__scs_entry_jumppad:
0x0: {  	(pc) =	sbr.rel $0x88, $3  }
0x1: {  	(tag) =	ssettag $0x0;
	lr =	simm.s32 $0x1  }
0x2: {  	[smem:$0x3F9B] =	sst lr;
	_ =	strace $0xD0000000  }
0x3: {  	_ = 	snop  }
0x4: {  	_ = 	snop  }
0x5: {  	_ = 	snop  }
0x6: {  	_ = 	snop  }
0x7: {  	_ = 	snop  }
__scs_overlays_trampoline_lowered:
0x8: {  	[smem:$0x3FAA] =	sst s0  }
0x9: {  	[smem:$0x3FAB] =	sst s1  }
0xa: {  	[smem:$0x3FAC] =	sst s2  }
0xb: {  	[smem:$0x3FAD] =	sst s3  }
0xc: {  	[smem:$0x3FAE] =	sst s4  }
0xd: {  	[smem:$0x3FAF] =	sst s5  }
0xe: {  	[smem:$0x3FB0] =	sst s6  }
0xf: {  	[smem:$0x3FB1] =	sst s7  }
0x10: {  	[smem:$0x3FB2] =	sst s8  }
0x11: {  	[smem:$0x3FB3] =	sst s9;
	s0 =	simm.s32 @!p0 $0x0  }
0x12: {  	s1 =	sld [smem:$0x3F99];
	s0 =	simm.s32 @p0 $0x1  }
0x13: {  	[smem:$0x3FB4] =	sst s0;
	s0 =	simm.s32 @!p1 $0x0  }
0x14: {  	s2 =	sld [smem:$0x3F98];
	s0 =	simm.s32 @p1 $0x1  }
0x15: {  	[smem:$0x3FB5] =	sst s0;
	s0 =	simm.s32 @!p2 $0x0  }
0x16: {  	s3 =	sld [smem:$0x3FDB];
	s0 =	simm.s32 @p2 $0x1  }
0x17: {  	s4 =	simm.s32 $0x1BF5;
	[smem:$0x3FB7] =	sst s0  }
0x18: {  	s0 =	sld [smem:$0x3F9A];
	_ =	swait.ge [sflag:s4], $0x0  }
0x19: {  	s7 =	sld [smem:$0x3F9B]  }
0x1a: {  	s8 =	sadd.s32 $0xFFFFE003, lr  }
0x1b: {  	s9 =	sadd.s32 $0xFFFFFEF7, lr;
	s5 =	simm.s32 $0xFFFFFFFF;
	p2 =	slt.u32 s8, $0xFFFFF086  }
0x1c: {  	p1 =	slt.u32 s9, $0xF7A;
	s5 =	simm.s32 @!p2 $0x0  }
0x1d: {  	s5 =	simm.s32 @p1 $0x1;
	p0 =	seq.s32 s7, s2  }
0x1e: {  	s7 =	smul.u32 @!p0 $0xF7A, s2;
	p2 =	seq.s32 @!p0 s5, $0x0  }
0x1f: {  	s9 =	smul.u32 $0xF7A, s1;
	s8 =	simm.s32 @!p0 $0x1BF5;
	p2 =	por !p2, p0  }
0x20: {  	[sflag:s8] =	ssyncset.s32 @!p0 $0xFFFFF086;
	s6 =	sadd.s32 @!p0 s3, s7;
	s7 =	simm.s32 @!p0 $0x108  }
0x21: {  	s3 =	sadd.s32 s3, s9;
	s6 =	sadd.s32 @!p0 $0x88, s6;
	s7 =	simm.s32 @p2 $0x1082  }
0x22: {  	[simem:s7], [sflag:s8] =	dma.local @!p0 [hbm:s6], $0xF7A  }
0x23: {  	s9 =	sor.u32 $0xD0000000, s2;
	s6 =	simm.s32 $0x108;
	_ =	swait.ge @!p0 [sflag:s8], $0x0  }
0x24: {  	s3 =	sadd.s32 $0x88, s3;
	s6 =	simm.s32 @!p1 $0x1082;
	[sflag:s4] =	ssyncset.s32 $0xFFFFF086  }
0x25: {  	[simem:s6], [sflag:s4] =	dma.local [hbm:s3], $0xF7A  }
0x26: {  	[smem:$0x3F9B] =	sst s1;
	(tag) =	ssettag s2;
	_ =	strace s9  }
0x27: {  	s1 =	sld [smem:$0x3FAB]  }
0x28: {  	s2 =	sld [smem:$0x3FAC]  }
0x29: {  	s4 =	sld [smem:$0x3FAE]  }
0x2a: {  	p0 =	seq.s32 s5, $0x0;
	s5 =	sld [smem:$0x3FAF]  }
0x2b: {  	s6 =	sld [smem:$0x3FB0]  }
0x2c: {  	s7 =	sld [smem:$0x3FB1]  }
0x2d: {  	s3 =	simm.s32 $0x108;
	s8 =	sld [smem:$0x3FB2]  }
0x2e: {  	s3 =	simm.s32 @!p0 $0x1082;
	s9 =	sld [smem:$0x3FB3]  }
0x2f: {  	lr =	sadd.s32 s0, s3;
	s0 =	sld [smem:$0x3FAA]  }
0x30: {  	s3 =	sld [smem:$0x3FAD]  }
0x31: {  	[smem:$0x3FB6] =	sst s10  }
0x32: {  	s10 =	sld [smem:$0x3FB4];
	_ =	sdelay $0x3  }
0x33: {  	p0 =	seq.s32 s10, $0x1;
	s10 =	sld [smem:$0x3FB6];
	_ =	sdelay $0x3  }
0x34: {  	[smem:$0x3FB6] =	sst s10  }
0x35: {  	s10 =	sld [smem:$0x3FB5];
	_ =	sdelay $0x3  }
0x36: {  	p1 =	seq.s32 s10, $0x1;
	s10 =	sld [smem:$0x3FB6];
	_ =	sdelay $0x3  }
0x37: {  	[smem:$0x3FB6] =	sst s10  }
0x38: {  	s10 =	sld [smem:$0x3FB7]  }
0x39: {  	_ = 	snop;
	(pc) =	sbr.ind lr, $3  }
0x3a: {  	_ = 	snop  }
0x3b: {  	_ = 	snop  }
0x3c: {  	p2 =	seq.s32 s10, $0x1;
	s10 =	sld [smem:$0x3FB6]  }
0x3d: {  	_ =	shalt  }
0x3e: {  	_ =	shalt  }
0x3f: {  	_ =	shalt  }
0x40: {  	_ =	shalt  }
0x41: {  	_ =	shalt  }
0x42: {  	_ =	shalt  }
0x43: {  	_ =	shalt  }
0x44: {  	_ =	shalt  }
0x45: {  	_ =	shalt  }
0x46: {  	_ =	shalt  }
0x47: {  	_ =	shalt  }
0x48: {  	_ =	shalt  }
0x49: {  	_ =	shalt  }
0x4a: {  	_ =	shalt  }
0x4b: {  	_ =	shalt  }
0x4c: {  	_ =	shalt  }
0x4d: {  	_ =	shalt  }
0x4e: {  	_ =	shalt  }
0x4f: {  	_ =	shalt  }
0x50: {  	_ =	shalt  }
0x51: {  	_ =	shalt  }
0x52: {  	_ =	shalt  }
0x53: {  	_ =	shalt  }
0x54: {  	_ =	shalt  }
0x55: {  	_ =	shalt  }
0x56: {  	_ =	shalt  }
0x57: {  	_ =	shalt  }
0x58: {  	_ =	shalt  }
0x59: {  	_ =	shalt  }
0x5a: {  	_ =	shalt  }
0x5b: {  	_ =	shalt  }
0x5c: {  	_ =	shalt  }
0x5d: {  	_ =	shalt  }
0x5e: {  	_ =	shalt  }
0x5f: {  	_ =	shalt  }
0x60: {  	_ =	shalt  }
0x61: {  	_ =	shalt  }
0x62: {  	_ =	shalt  }
0x63: {  	_ =	shalt  }
0x64: {  	_ =	shalt  }
0x65: {  	_ =	shalt  }
0x66: {  	_ =	shalt  }
0x67: {  	_ =	shalt  }
0x68: {  	_ =	shalt  }
0x69: {  	_ =	shalt  }
0x6a: {  	_ =	shalt  }
0x6b: {  	_ =	shalt  }
0x6c: {  	_ =	shalt  }
0x6d: {  	_ =	shalt  }
0x6e: {  	_ =	shalt  }
0x6f: {  	_ =	shalt  }
0x70: {  	_ =	shalt  }
0x71: {  	_ =	shalt  }
0x72: {  	_ =	shalt  }
0x73: {  	_ =	shalt  }
0x74: {  	_ =	shalt  }
0x75: {  	_ =	shalt  }
0x76: {  	_ =	shalt  }
0x77: {  	_ =	shalt  }
0x78: {  	_ =	shalt  }
0x79: {  	_ =	shalt  }
0x7a: {  	_ =	shalt  }
0x7b: {  	_ =	shalt  }
0x7c: {  	_ =	shalt  }
0x7d: {  	_ =	shalt  }
0x7e: {  	_ =	shalt  }
0x7f: {  	_ =	shalt  }
0x80: {  	_ =	shalt  }
0x81: {  	_ =	shalt  }
0x82: {  	_ =	shalt  }
0x83: {  	_ =	shalt  }
0x84: {  	_ =	shalt  }
0x85: {  	_ =	shalt  }
0x86: {  	_ =	shalt  }
0x87: {  	_ =	shalt  }
.Lfunc_end0:
.L_simem_size_0:
called_computation.1_lowered:
.L_overlay_start_0:
0x88: {  	s2 =	sld [smem:$0x3FD9]  }
0x89: {  	s3 =	sld [smem:$0x3FFE];
	_ =	sdelay $0x1  }
0x8a: {  	s1 =	srdreg.scid  }
0x8b: {  	s0 =	sand.u32 $0x1, s1  }
0x8c: {  	s17 =	sshll.u32 s0, $0xA;
	s2 =	sadd.s32 s3, s2  }
0x8d: {  	s2 =	sadd.s32 s2, s17  }
0x8e: {  	[smem:$0x3FC2] =	sst s2  }
0x8f: {  	_ = 	snop  }
0x90: {  	s4 =	sld [smem:$0x3FC9]  }
0x91: {  	s18 =	sld [smem:$0x3FD0];
	(tm) =	ssettm $0x1  }
0x92: {  	s19 =	sld [smem:$0x3FFB];
	_ =	sdelay $0x3  }
0x93: {  	_ =	strace s19  }
0x94: {  	s2 =	sld [smem:$0x3FFC];
	_ =	sdelay $0x3  }
0x95: {  	_ =	strace s2  }
0x96: {  	s2 =	sld [smem:$0x3FFD];
	_ =	sdelay $0x3  }
0x97: {  	_ =	strace s2  }
0x98: {  	_ =	strace $0x8FFFFFFF  }
0x99: {  	s20 =	sld [smem:$0x3FDB];
	_ =	sdelay $0x1  }
0x9a: {  	s5 =	simm.s32 $_scs_section_size  }
0x9b: {  	s6 =	simm.s32 $_size__tile_overlayer_lowered;
	s7 =	simm.s32 $_tile_overlayer_lowered  }
0x9c: {  	s8 =	simm.s32 $0x1BFF;
	s21 =	sshll.u32 s7, $0x1;
	s5 =	sadd.s32 s5, s20  }
0x9d: {  	s22 =	simm.s32 $0x0;
	s6 =	sshll.u32 s6, $0x1;
	s7 =	sadd.s32 s21, s5  }
0x9e: {  	[timem:s22], [sflag:s8] =	dma.local [hbm:s7], s6  }
0x9f: {  	_ =	swait.ge [sflag:s8], s6  }
0xa0: {  	s6 =	ssub.s32 $0x0, s6;
	[sflag:s8] =	ssyncset.done $0x0  }
0xa1: {  	[sflag:s8] =	ssyncadd.s32 s6;
	_ =	sdelay $0x1  }
0xa2: {  	s23 =	simm.s32 $0x1B8B  }
0xa3: {  	_ =	swait.ge [sflag:s23], $0x1  }
0xa4: {  	[sflag:s23] =	ssyncset.done $0x0  }
0xa5: {  	[sflag:s23] =	ssyncadd.s32 $0xFFFFFFFF  }
0xa6: {  	s6 =	sld [smem:$0x0]  }
0xa7: {  	s7 =	sand.u32 $0xFFFFFFFE, s1  }
0xa8: {  	p0 =	sne.s32 s1, s7  }
0xa9: {  	s7 =	sshll.u32 @p0 s7, $0xE  }
0xaa: {  	s7 =	sadd.s32 @p0 $0x11B8D, s7;
	s8 =	sshll.u32 @p0 s6, $0x11  }
0xab: {  	s7 =	sor.u32 @p0 s8, s7  }
0xac: {  	[sflag:s7] =	ssyncadd.remote.s32 @p0 $0x1;
	_ =	sdelay $0x1  }
0xad: {  	s7 =	simm.s32 @p0 $0x1B8D  }
0xae: {  	_ =	swait.eq @p0 [sflag:s7], $0x1  }
0xaf: {  	[sflag:s7] =	ssyncadd.s32 @p0 $0xFFFFFFFF  }
0xb0: {  	s8 =	sshll.u32 @!p0 s1, $0xE  }
0xb1: {  	s8 =	sor.u32 @!p0 $0x4000, s8;
	s7 =	simm.s32 @!p0 $0x1B8D  }
0xb2: {  	s6 =	sshll.u32 @!p0 s6, $0x11;
	s8 =	sadd.s32 @!p0 $0x11B8D, s8;
	_ =	swait.eq @!p0 [sflag:s7], $0x1  }
0xb3: {  	s6 =	sor.u32 @!p0 s6, s8;
	[sflag:s7] =	ssyncadd.s32 @!p0 $0xFFFFFFFF  }
0xb4: {  	s25 =	simm.s32 $0x1B8E;
	s24 =	sld [smem:$0x3FFE];
	[sflag:s6] =	ssyncadd.remote.s32 @!p0 $0x1  }
0xb5: {  	s26 =	simm.s32 $execute0_lowered;
	[smem:$0x3FD2] =	sst s25  }
0xb6: {  	s7 =	sshll.u32 s26, $0x1;
	_ =	strace $0x80000049;
	[dreg:$0x1] =	wrdreg $0xFFFFFFFF  }
0xb7: {  	s28 =	simm.s32 $_size_execute0_lowered;
	s5 =	sadd.s32 s5, s7;
	[dreg:$0x0] =	wrdreg $0x0  }
0xb8: {  	s7 =	sshll.u32 s28, $0x1;
	[dreg:$0x2] =	wrdreg s5  }
0xb9: {  	[dreg:$0x3] =	wrdreg s7  }
0xba: {  	[dreg:$0x4] =	wrdreg $0xC0  }
0xbb: {  	_ =	task [dreg:s22], $0x5FFFF  }
0xbc: {  	[dreg:$0x1] =	wrdreg $0xFFFFFFFF  }
0xbd: {  	[dreg:$0x0] =	wrdreg $0x60  }
0xbe: {  	[dreg:$0x2] =	wrdreg s4  }
0xbf: {  	[dreg:$0x3] =	wrdreg s24  }
0xc0: {  	[dreg:$0x4] =	wrdreg s18  }
0xc1: {  	[dreg:$0x5] =	wrdreg $0x9  }
0xc2: {  	_ =	task.clear_ibuf [dreg:s22], $0x6FFFF;
	_ =	strace $0x90000049  }
0xc3: {  	s29 =	simm.s32 $0x9;
	_ =	strace $0x8000004B  }
0xc4: {  	_ =	swait.ge [sflag:s29], $0x1  }
0xc5: {  	[sflag:s29] =	ssyncadd.s32 $0xFFFFFFFF  }
0xc6: {  	_ =	strace $0x9000004B  }
0xc7: {  	_ =	sfence  }
0xc8: {  	s30 =	sld [smem:$0x0];
	_ =	sdelay $0x2  }
0xc9: {  	s31 =	sshll.u32 s1, $0xD;
	s1 =	sshrl.u32 s1, $0x2  }
0xca: {  	s4 =	sand.u32 $0x4000, s31;
	s1 =	sadd.s32 s1, s30  }
0xcb: {  	s0 =	sor.u32 s4, s0;
	s1 =	sshll.u32 s1, $0x11  }
0xcc: {  	s0 =	sor.u32 s1, s0  }
0xcd: {  	s0 =	sadd.s32 $0x8F2B, s0  }
0xce: {  	[sflag:s0] =	ssyncadd.remote.s32 $0x1  }
0xcf: {  	_ =	sfence.sel $0xFFFF  }
0xd0: {  	[dreg:$0x0] =	wrdreg $0xFFFFFFFF;
	(pc) =	sbr.abs _section_cstart, $3  }
0xd1: {  	[dreg:$0x1] =	wrdreg $0xFFFFFFFF  }
0xd2: {  	_ =	task.clear_ibuf [dreg:s22], $0x2FFFF;
	_ =	strace $0x9FFFFFFF  }
0xd3: {  	(tm) =	ssettm $0x7FFFFFFF  }
tec
execute0_lowered:
.L_overlay_start_1:
0x0: {  	(tag) =	ssettag $0x1  }
0x1: {  	s2 =	rddreg [dreg:$0x0]  }
0x2: {  	s7 =	rddreg [dreg:$0x1]  }
0x3: {  	s3 =	rddreg [dreg:$0x2]  }
0x4: {  	s0 =	rddreg [dreg:$0x3];
	s1 =	srdreg.scid;
	_ =	strace $0x8000004A  }
0x5: {  	s4 =	simm.s32 $0x1;
	s9 =	simm.s32 $0x3;
	s5 =	sshll.u32 s1, $0x4  }
.Ltmp0:
0x6: {  	s1 =	stileid.u32;
	s5 =	sand.u32 $0x10, s5;
	(pc) =	sbr.rel .LBB2_1-.Ltmp0, $4  }
0x7: {  	s11 =	simm.s32 $0x0;
	p0 =	por $0x0, $0x0;
	s6 =	sor.u32 s1, s5  }
0x8: {  	[sflag:s4] =	ssyncpa.u1 $0x0;
	s5 =	simm.s32 $0x2;
	s6 =	sshll.u32 s6, $0x6  }
0x9: {  	s7 =	sadd.s32 $0x2C00, s7;
	[sflag:s5] =	ssyncpa.u1 $0x0;
	s8 =	sadd.s32 $0x40, s6  }
0xa: {  	vm0 =	vmmov $0xff;
	vm1 =	vcmask $0x3F20;
	[sflag:s9] =	ssyncpa.u1 $0x0;
	s10 =	smov.u32 s6;
	s9 =	simm.s32 $0x0  }
.LBB2_9:
0xb: {  	p1 =	slt.u32 s9, $0x2;
	s11 =	sadd.s32 $0x20, s10  }
0xc: {  	s13 =	smov.u32 s6;
	s9 =	sadd.s32 $0x1, s9;
	p2 =	slt.s32 s11, s8  }
0xd: {  	s13 =	smov.u32 @p2 s11;
	p2 =	sne.s32 s9, $0x4  }
.Ltmp1:
0xe: {  	_ = 	snop;
	(pc) =	sbr.rel @!p2 .LBB2_10-.Ltmp1, $4  }
0xf: {  	s12 =	simm.s32 @!p1 $0x3  }
0x10: {  	_ =	swait.ge @!p1 [sflag:s12], $0x8000  }
0x11: {  	p0 =	por !p0, !p0;
	[sflag:s12] =	ssyncset.done @!p1 $0x0  }
0x12: {  	s11 =	smov.u32 s10;
	s10 =	smov.u32 s13;
	[sflag:s12] =	ssyncadd.s32 @!p1 $0xFFFF8000  }
.LBB2_1:
0x13: {  	p1 =	sgt.u32 s9, $0x1  }
0x14: {  	s12 =	sshll.u32 @!p1 s9, $0x5;
	s13 =	sshrl.u32 @!p1 s10, $0x3  }
0x15: {  	s14 =	sand.u32 @!p1 $0x7, s10;
	s12 =	sxor.u32 @!p1 $0x20, s12;
	s13 =	sadd.s32 @!p1 s7, s13  }
0x16: {  	[tilespmem:s12], [sflag:$0x2] =	stream.linear.gather @!p1 [hbm4b:s13+s14], $0x20, $0x38;
	[tilespmem:$0x10040] =	vst v63  }
0x17: {  	p1 =	seq.s32 s9, $0x0  }
0x18: {  	p2 =	seq.s32 @!p1 s9, $0x3  }
0x19: {  	p1 =	por p1, p2  }
.Ltmp2:
0x1a: {  	_ = 	snop;
	(pc) =	sbr.rel @p1 .LBB2_9-.Ltmp2, $1  }
0x1b: {  	_ =	sdelay $0x3  }
0x1c: {  	s12 =	simm.s32 $0x1  }
0x1d: {  	_ =	swait.ge [sflag:s5], $0x20;
	s13 =	sand.u32 $0x1, s9;
	s12 =	simm.s32 @!p0 $0x0  }
0x1e: {  	s15 =	simm.s32 $0x0;
	p2 =	por $0x1, $0x1;
	s12 =	sshll.u32 s12, $0x11  }
0x1f: {  	[sflag:s5] =	ssyncset.done $0x0;
	s13 =	sshll.u32 s13, $0x5;
	s14 =	sshrl.u32 s12, $0x2  }
0x20: {  	[sflag:s5] =	ssyncadd.s32 $0xFFFFFFE0;
	s12 =	sor.u32 $0x40, s14;
	s14 =	sadd.s32 $0x40, s14  }
.LBB2_3:
0x21: {  	s16 =	sshll.u32 s15, $0x4  }
0x22: {  	s16 =	sand.u32 $0x3FFFFFF0, s16  }
0x23: {  	s16 =	sadd.s32 s16, s13  }
0x24: {  	v0 =	vld.msk [tilespmem:s16+$0x0 ss:$0x1], $0xffff;
	_ =	sdelay $0x4  }
0x25: {  	vm2 =	vgt.s32 v0, $0x0  }
0x26: {  	v0 =	vnsel vm2, $0x0, v0  }
0x27: {  	v0 =	vmin.u32 v0, $0x7FF  }
0x28: {  	v1 =	vshll.u32 v0, $0x7;
	v0 =	vshll.u32 v0, $0x4  }
0x29: {  	v1 =	vand.u32 $0x3FC00, v1;
	v0 =	vand.u32 $0x70, v0  }
0x2a: {  	v0 =	vor.u32 v0, v1  }
0x2b: {  	s31 =	sshll.u32 s15, $0x10  }
0x2c: {  	s15 =	sshra.s32 s31, $0x2  }
0x2d: {  	s15 =	sadd.s32 s15, s14  }
0x2e: {  	s17 =	sadd.s32 $0x0, s15  }
0x2f: {  	[tilespmem:s17], [sflag:$0x1] =	stream.indirect_vreg.gather [hbm:s2], $0x80, v0, vm0, $0x38;
	[tilespmem:$0x10040] =	vst v63  }
0x30: {  	p1 =	por p2, p2;
	s16 =	simm.s32 $0x1000;
	v1 =	vadd.s32 $0x80, v0;
	s17 =	sadd.s32 $0x2000, s17  }
.LBB2_4:
0x31: {  	[tilespmem:s17], [sflag:$0x1] =	stream.indirect_vreg.gather [hbm:s2], $0x80, v0, vm1, $0x38;
	[tilespmem:$0x10040] =	vst v63  }
0x32: {  	v0 =	vmov v1;
	s17 =	smov.u32 s16;
	p2 =	sne.s32 s16, $0x7000  }
.Ltmp3:
0x33: {  	s16 =	sadd.s32 $0x1000, s16;
	(pc) =	sbr.rel @p2 .LBB2_4-.Ltmp3, $4  }
0x34: {  	s17 =	sshra.s32 s17, $0x2  }
0x35: {  	s17 =	sadd.s32 s17, s15  }
0x36: {  	[tilespmem:s17], [sflag:$0x1] =	stream.indirect_vreg.gather [hbm:s2], $0x80, v1, vm0, $0x38;
	[tilespmem:$0x10040] =	vst v63  }
0x37: {  	s17 =	sadd.s32 $0x2000, s17;
	v1 =	vadd.s32 $0x80, v1  }
0x38: {  	_ = 	snop  }
.Ltmp4:
0x39: {  	_ = 	snop;
	(pc) =	sbr.rel @p1 .LBB2_3-.Ltmp4, $3  }
0x3a: {  	_ =	sdelay $0x1  }
0x3b: {  	[tilespmem:s17], [sflag:$0x1] =	stream.indirect_vreg.gather [hbm:s2], $0x80, v0, vm1, $0x38;
	[tilespmem:$0x10040] =	vst v63  }
0x3c: {  	s15 =	simm.s32 $0x1;
	p2 =	por $0x0, $0x0  }
0x3d: {  	s13 =	sshll.u32 s11, $0x7  }
0x3e: {  	s31 =	sshll.u32 s11, $0x4;
	s13 =	sand.u32 $0xFFFFFC00, s13  }
0x3f: {  	_ =	swait.ge [sflag:s4], $0x8000;
	s11 =	sand.u32 $0x70, s31;
	s13 =	sadd.s32 s13, s3  }
0x40: {  	s14 =	sadd.s32 $0x2000, s12;
	[sflag:s4] =	ssyncset.done $0x0;
	s11 =	sadd.s32 s11, s13  }
0x41: {  	[sflag:s4] =	ssyncadd.s32 $0xFFFF8000;
	s13 =	simm.s32 $0x400;
	s15 =	sadd.s32 $0x0, s11  }
.LBB2_7:
0x42: {  	[hbm:s15] =	stream.linear.scatter [tilespmem:s12], [sflag:$0x3], $0x2000, $0x38;
	[tilespmem:$0x10040] =	vst v63  }
0x43: {  	s15 =	smov.u32 s13;
	s12 =	smov.u32 s14;
	p1 =	sne.s32 s13, $0xC00  }
.Ltmp5:
0x44: {  	s13 =	sadd.s32 $0x400, s13;
	(pc) =	sbr.rel @p1 .LBB2_7-.Ltmp5, $2  }
0x45: {  	_ =	sdelay $0x2  }
0x46: {  	s14 =	sadd.s32 $0x2000, s14;
	s15 =	sadd.s32 s15, s11  }
.Ltmp6:
0x47: {  	(pc) =	sbr.rel .LBB2_9-.Ltmp6, $2  }
0x48: {  	_ =	sdelay $0x2  }
0x49: {  	[hbm:s15] =	stream.linear.scatter [tilespmem:s12], [sflag:$0x3], $0x2000, $0x38;
	[tilespmem:$0x10040] =	vst v63  }
.LBB2_10:
0x4a: {  	_ =	sfence.sel $0x180000  }
0x4b: {  	s2 =	simm.s32 $0x2;
	[bflag:$0x0] =	sbarrier.arrive $0xFFFF  }
0x4c: {  	s30 =	simm.s32 $0x3;
	[sflag:s2] =	ssyncpa.u1 $0x1  }
0x4d: {  	s31 =	simm.s32 $0x1;
	[sflag:s30] =	ssyncpa.u1 $0x1  }
0x4e: {  	[sflag:s31] =	ssyncpa.u1 $0x1  }
0x4f: {  	p0 =	sne.s32 s1, $0x0;
	_ =	strace $0x9000004A  }
0x50: {  	s0 =	sadd.s32 @!p0 $0x100000, s0;
	[bflag:$0x2] =	sbarrier.arrive $0xFFFF  }
0x51: {  	[sflag:s0] =	ssyncadd.tile.s32 @!p0 $0x1;
	_ =	shalt  }
.Lfunc_end2:
_tile_overlayer_lowered:
.L_overlay_start_2:
0x52: {  	(tag) =	ssettag $0x2  }
0x53: {  	s0 =	rddreg [dreg:$0x0];
	s2 =	stileid.u32  }
0x54: {  	s1 =	rddreg [dreg:$0x1];
	p0 =	sne.s32 s2, $0x0  }
0x55: {  	s3 =	rddreg [dreg:$0x2];
	[bflag:$0x3] =	sbarrier.arrive $0xFFFF;
	s2 =	simm.s32 @!p0 $0x1C01  }
0x56: {  	[timem:s3], [sflag:s2] =	dma.local @!p0 [hbm:s0], s1  }
0x57: {  	s0 =	simm.s32 @!p0 $0x1  }
0x58: {  	_ =	swait.ge @!p0 [sflag:s0], s1  }
0x59: {  	s1 =	ssub.s32 @!p0 $0x0, s1;
	[sflag:s0] =	ssyncset.done @!p0 $0x0  }
0x5a: {  	[sflag:s0] =	ssyncadd.s32 @!p0 s1  }
0x5b: {  	[bflag:$0x3] =	sbarrier.arrive $0xFFFF  }
0x5c: {  	_ =	shalt  }

// kernel: gather_offload_async_start.2
scs
__scs_entry_jumppad:
0x0: {  	(pc) =	sbr.rel $0x88, $3  }
0x1: {  	(tag) =	ssettag $0x0;
	lr =	simm.s32 $0x1  }
0x2: {  	[smem:$0x3F9B] =	sst lr;
	_ =	strace $0xD0000000  }
0x3: {  	_ = 	snop  }
0x4: {  	_ = 	snop  }
0x5: {  	_ = 	snop  }
0x6: {  	_ = 	snop  }
0x7: {  	_ = 	snop  }
__scs_overlays_trampoline_lowered:
0x8: {  	[smem:$0x3FAA] =	sst s0  }
0x9: {  	[smem:$0x3FAB] =	sst s1  }
0xa: {  	[smem:$0x3FAC] =	sst s2  }
0xb: {  	[smem:$0x3FAD] =	sst s3  }
0xc: {  	[smem:$0x3FAE] =	sst s4  }
0xd: {  	[smem:$0x3FAF] =	sst s5  }
0xe: {  	[smem:$0x3FB0] =	sst s6  }
0xf: {  	[smem:$0x3FB1] =	sst s7  }
0x10: {  	[smem:$0x3FB2] =	sst s8  }
0x11: {  	[smem:$0x3FB3] =	sst s9;
	s0 =	simm.s32 @!p0 $0x0  }
0x12: {  	s1 =	sld [smem:$0x3F99];
	s0 =	simm.s32 @p0 $0x1  }
0x13: {  	[smem:$0x3FB4] =	sst s0;
	s0 =	simm.s32 @!p1 $0x0  }
0x14: {  	s2 =	sld [smem:$0x3F98];
	s0 =	simm.s32 @p1 $0x1  }
0x15: {  	[smem:$0x3FB5] =	sst s0;
	s0 =	simm.s32 @!p2 $0x0  }
0x16: {  	s3 =	sld [smem:$0x3FDB];
	s0 =	simm.s32 @p2 $0x1  }
0x17: {  	s4 =	simm.s32 $0x1BF5;
	[smem:$0x3FB7] =	sst s0  }
0x18: {  	s0 =	sld [smem:$0x3F9A];
	_ =	swait.ge [sflag:s4], $0x0  }
0x19: {  	s7 =	sld [smem:$0x3F9B]  }
0x1a: {  	s8 =	sadd.s32 $0xFFFFE003, lr  }
0x1b: {  	s9 =	sadd.s32 $0xFFFFFEF7, lr;
	s5 =	simm.s32 $0xFFFFFFFF;
	p2 =	slt.u32 s8, $0xFFFFF086  }
0x1c: {  	p1 =	slt.u32 s9, $0xF7A;
	s5 =	simm.s32 @!p2 $0x0  }
0x1d: {  	s5 =	simm.s32 @p1 $0x1;
	p0 =	seq.s32 s7, s2  }
0x1e: {  	s7 =	smul.u32 @!p0 $0xF7A, s2;
	p2 =	seq.s32 @!p0 s5, $0x0  }
0x1f: {  	s9 =	smul.u32 $0xF7A, s1;
	s8 =	simm.s32 @!p0 $0x1BF5;
	p2 =	por !p2, p0  }
0x20: {  	[sflag:s8] =	ssyncset.s32 @!p0 $0xFFFFF086;
	s6 =	sadd.s32 @!p0 s3, s7;
	s7 =	simm.s32 @!p0 $0x108  }
0x21: {  	s3 =	sadd.s32 s3, s9;
	s6 =	sadd.s32 @!p0 $0x88, s6;
	s7 =	simm.s32 @p2 $0x1082  }
0x22: {  	[simem:s7], [sflag:s8] =	dma.local @!p0 [hbm:s6], $0xF7A  }
0x23: {  	s9 =	sor.u32 $0xD0000000, s2;
	s6 =	simm.s32 $0x108;
	_ =	swait.ge @!p0 [sflag:s8], $0x0  }
0x24: {  	s3 =	sadd.s32 $0x88, s3;
	s6 =	simm.s32 @!p1 $0x1082;
	[sflag:s4] =	ssyncset.s32 $0xFFFFF086  }
0x25: {  	[simem:s6], [sflag:s4] =	dma.local [hbm:s3], $0xF7A  }
0x26: {  	[smem:$0x3F9B] =	sst s1;
	(tag) =	ssettag s2;
	_ =	strace s9  }
0x27: {  	s1 =	sld [smem:$0x3FAB]  }
0x28: {  	s2 =	sld [smem:$0x3FAC]  }
0x29: {  	s4 =	sld [smem:$0x3FAE]  }
0x2a: {  	p0 =	seq.s32 s5, $0x0;
	s5 =	sld [smem:$0x3FAF]  }
0x2b: {  	s6 =	sld [smem:$0x3FB0]  }
0x2c: {  	s7 =	sld [smem:$0x3FB1]  }
0x2d: {  	s3 =	simm.s32 $0x108;
	s8 =	sld [smem:$0x3FB2]  }
0x2e: {  	s3 =	simm.s32 @!p0 $0x1082;
	s9 =	sld [smem:$0x3FB3]  }
0x2f: {  	lr =	sadd.s32 s0, s3;
	s0 =	sld [smem:$0x3FAA]  }
0x30: {  	s3 =	sld [smem:$0x3FAD]  }
0x31: {  	[smem:$0x3FB6] =	sst s10  }
0x32: {  	s10 =	sld [smem:$0x3FB4];
	_ =	sdelay $0x3  }
0x33: {  	p0 =	seq.s32 s10, $0x1;
	s10 =	sld [smem:$0x3FB6];
	_ =	sdelay $0x3  }
0x34: {  	[smem:$0x3FB6] =	sst s10  }
0x35: {  	s10 =	sld [smem:$0x3FB5];
	_ =	sdelay $0x3  }
0x36: {  	p1 =	seq.s32 s10, $0x1;
	s10 =	sld [smem:$0x3FB6];
	_ =	sdelay $0x3  }
0x37: {  	[smem:$0x3FB6] =	sst s10  }
0x38: {  	s10 =	sld [smem:$0x3FB7]  }
0x39: {  	_ = 	snop;
	(pc) =	sbr.ind lr, $3  }
0x3a: {  	_ = 	snop  }
0x3b: {  	_ = 	snop  }
0x3c: {  	p2 =	seq.s32 s10, $0x1;
	s10 =	sld [smem:$0x3FB6]  }
0x3d: {  	_ =	shalt  }
0x3e: {  	_ =	shalt  }
0x3f: {  	_ =	shalt  }
0x40: {  	_ =	shalt  }
0x41: {  	_ =	shalt  }
0x42: {  	_ =	shalt  }
0x43: {  	_ =	shalt  }
0x44: {  	_ =	shalt  }
0x45: {  	_ =	shalt  }
0x46: {  	_ =	shalt  }
0x47: {  	_ =	shalt  }
0x48: {  	_ =	shalt  }
0x49: {  	_ =	shalt  }
0x4a: {  	_ =	shalt  }
0x4b: {  	_ =	shalt  }
0x4c: {  	_ =	shalt  }
0x4d: {  	_ =	shalt  }
0x4e: {  	_ =	shalt  }
0x4f: {  	_ =	shalt  }
0x50: {  	_ =	shalt  }
0x51: {  	_ =	shalt  }
0x52: {  	_ =	shalt  }
0x53: {  	_ =	shalt  }
0x54: {  	_ =	shalt  }
0x55: {  	_ =	shalt  }
0x56: {  	_ =	shalt  }
0x57: {  	_ =	shalt  }
0x58: {  	_ =	shalt  }
0x59: {  	_ =	shalt  }
0x5a: {  	_ =	shalt  }
0x5b: {  	_ =	shalt  }
0x5c: {  	_ =	shalt  }
0x5d: {  	_ =	shalt  }
0x5e: {  	_ =	shalt  }
0x5f: {  	_ =	shalt  }
0x60: {  	_ =	shalt  }
0x61: {  	_ =	shalt  }
0x62: {  	_ =	shalt  }
0x63: {  	_ =	shalt  }
0x64: {  	_ =	shalt  }
0x65: {  	_ =	shalt  }
0x66: {  	_ =	shalt  }
0x67: {  	_ =	shalt  }
0x68: {  	_ =	shalt  }
0x69: {  	_ =	shalt  }
0x6a: {  	_ =	shalt  }
0x6b: {  	_ =	shalt  }
0x6c: {  	_ =	shalt  }
0x6d: {  	_ =	shalt  }
0x6e: {  	_ =	shalt  }
0x6f: {  	_ =	shalt  }
0x70: {  	_ =	shalt  }
0x71: {  	_ =	shalt  }
0x72: {  	_ =	shalt  }
0x73: {  	_ =	shalt  }
0x74: {  	_ =	shalt  }
0x75: {  	_ =	shalt  }
0x76: {  	_ =	shalt  }
0x77: {  	_ =	shalt  }
0x78: {  	_ =	shalt  }
0x79: {  	_ =	shalt  }
0x7a: {  	_ =	shalt  }
0x7b: {  	_ =	shalt  }
0x7c: {  	_ =	shalt  }
0x7d: {  	_ =	shalt  }
0x7e: {  	_ =	shalt  }
0x7f: {  	_ =	shalt  }
0x80: {  	_ =	shalt  }
0x81: {  	_ =	shalt  }
0x82: {  	_ =	shalt  }
0x83: {  	_ =	shalt  }
0x84: {  	_ =	shalt  }
0x85: {  	_ =	shalt  }
0x86: {  	_ =	shalt  }
0x87: {  	_ =	shalt  }
.Lfunc_end0:
.L_simem_size_0:
called_computation.2_lowered:
.L_overlay_start_0:
0x88: {  	s2 =	sld [smem:$0x3FD9]  }
0x89: {  	s3 =	sld [smem:$0x3FFE];
	_ =	sdelay $0x1  }
0x8a: {  	s1 =	srdreg.scid  }
0x8b: {  	s0 =	sand.u32 $0x1, s1  }
0x8c: {  	s17 =	sshll.u32 s0, $0xA;
	s2 =	sadd.s32 s3, s2  }
0x8d: {  	s2 =	sadd.s32 s2, s17  }
0x8e: {  	[smem:$0x3FC2] =	sst s2  }
0x8f: {  	_ = 	snop  }
0x90: {  	s2 =	sld [smem:$0x3FD0];
	(tm) =	ssettm $0x1  }
0x91: {  	s18 =	sld [smem:$0x3FFB];
	_ =	sdelay $0x3  }
0x92: {  	_ =	strace s18  }
0x93: {  	s3 =	sld [smem:$0x3FFC];
	_ =	sdelay $0x3  }
0x94: {  	_ =	strace s3  }
0x95: {  	s3 =	sld [smem:$0x3FFD];
	_ =	sdelay $0x3  }
0x96: {  	_ =	strace s3  }
0x97: {  	_ =	strace $0x8FFFFFFF  }
0x98: {  	s19 =	sld [smem:$0x3FDB];
	_ =	sdelay $0x1  }
0x99: {  	s4 =	simm.s32 $_scs_section_size  }
0x9a: {  	s5 =	simm.s32 $_size__tile_overlayer_lowered;
	s6 =	simm.s32 $_tile_overlayer_lowered  }
0x9b: {  	s22 =	simm.s32 $0x1BFF;
	s21 =	sshll.u32 s6, $0x1;
	s3 =	sadd.s32 s4, s19  }
0x9c: {  	s7 =	simm.s32 $0x0;
	s20 =	sshll.u32 s5, $0x1;
	s5 =	sadd.s32 s21, s3  }
0x9d: {  	[timem:s7], [sflag:s22] =	dma.local [hbm:s5], s20  }
0x9e: {  	_ =	swait.ge [sflag:s22], s20  }
0x9f: {  	s4 =	ssub.s32 $0x0, s20;
	[sflag:s22] =	ssyncset.done $0x0  }
0xa0: {  	[sflag:s22] =	ssyncadd.s32 s4;
	_ =	sdelay $0x1  }
0xa1: {  	s23 =	simm.s32 $0x1B8B  }
0xa2: {  	_ =	swait.ge [sflag:s23], $0x1  }
0xa3: {  	[sflag:s23] =	ssyncset.done $0x0  }
0xa4: {  	s25 =	simm.s32 $0x1B8E;
	s24 =	sld [smem:$0x3FFE];
	[sflag:s23] =	ssyncadd.s32 $0xFFFFFFFF  }
0xa5: {  	s26 =	simm.s32 $execute0_lowered;
	[smem:$0x3FD2] =	sst s25  }
0xa6: {  	s5 =	sshll.u32 s26, $0x1;
	_ =	strace $0x8000004F;
	[dreg:$0x1] =	wrdreg $0xFFFFFFFF  }
0xa7: {  	s28 =	simm.s32 $_size_execute0_lowered;
	s3 =	sadd.s32 s3, s5;
	[dreg:$0x0] =	wrdreg $0x0  }
0xa8: {  	s5 =	sshll.u32 s28, $0x1;
	[dreg:$0x2] =	wrdreg s3  }
0xa9: {  	[dreg:$0x3] =	wrdreg s5  }
0xaa: {  	[dreg:$0x4] =	wrdreg $0xC0  }
0xab: {  	_ =	task [dreg:s7], $0x5FFFF  }
0xac: {  	[dreg:$0x1] =	wrdreg $0xFFFFFFFF  }
0xad: {  	[dreg:$0x0] =	wrdreg $0x60  }
0xae: {  	[dreg:$0x2] =	wrdreg s24  }
0xaf: {  	[dreg:$0x3] =	wrdreg s2  }
0xb0: {  	[dreg:$0x4] =	wrdreg $0x9  }
0xb1: {  	_ =	task.clear_ibuf [dreg:s7], $0x5FFFF;
	_ =	strace $0x9000004F  }
0xb2: {  	s29 =	simm.s32 $0x9;
	_ =	strace $0x80000051  }
0xb3: {  	_ =	swait.ge [sflag:s29], $0x1  }
0xb4: {  	[sflag:s29] =	ssyncadd.s32 $0xFFFFFFFF  }
0xb5: {  	_ =	strace $0x90000051  }
0xb6: {  	_ =	sfence  }
0xb7: {  	s30 =	sld [smem:$0x0];
	_ =	sdelay $0x2  }
0xb8: {  	s31 =	sshll.u32 s1, $0xD;
	s1 =	sshrl.u32 s1, $0x2  }
0xb9: {  	s3 =	sand.u32 $0x4000, s31;
	s1 =	sadd.s32 s1, s30  }
0xba: {  	s0 =	sor.u32 s3, s0;
	s1 =	sshll.u32 s1, $0x11  }
0xbb: {  	s0 =	sor.u32 s1, s0  }
0xbc: {  	s0 =	sadd.s32 $0x8F2B, s0  }
0xbd: {  	[sflag:s0] =	ssyncadd.remote.s32 $0x1  }
0xbe: {  	_ =	sfence.sel $0xFFFF  }
0xbf: {  	[dreg:$0x0] =	wrdreg $0xFFFFFFFF;
	(pc) =	sbr.abs _section_cstart, $3  }
0xc0: {  	[dreg:$0x1] =	wrdreg $0xFFFFFFFF  }
0xc1: {  	_ =	task.clear_ibuf [dreg:s7], $0x2FFFF;
	_ =	strace $0x9FFFFFFF  }
0xc2: {  	(tm) =	ssettm $0x7FFFFFFF  }
0xc3: {  	_ =	shalt  }
tec
execute0_lowered:
.L_overlay_start_1:
0x0: {  	(tag) =	ssettag $0x1  }
0x1: {  	s7 =	rddreg [dreg:$0x0]  }
0x2: {  	s2 =	rddreg [dreg:$0x1]  }
0x3: {  	s0 =	rddreg [dreg:$0x2]  }
0x4: {  	s1 =	srdreg.scid;
	_ =	strace $0x80000050;
	s4 =	simm.s32 $0x1  }
0x5: {  	s9 =	simm.s32 $0x3;
	s11 =	simm.s32 $0x0;
	s5 =	sshll.u32 s1, $0x4  }
.Ltmp0:
0x6: {  	s1 =	stileid.u32;
	s5 =	sand.u32 $0x10, s5;
	(pc) =	sbr.rel .LBB2_1-.Ltmp0, $4  }
0x7: {  	p0 =	por $0x0, $0x0;
	s3 =	sadd.s32 $0x1F400, s7;
	s6 =	sor.u32 s1, s5  }
0x8: {  	[sflag:s4] =	ssyncpa.u1 $0x0;
	s5 =	simm.s32 $0x2;
	s6 =	sshll.u32 s6, $0x6  }
0x9: {  	s7 =	sadd.s32 $0x1F200, s7;
	[sflag:s5] =	ssyncpa.u1 $0x0;
	s8 =	sadd.s32 $0x40, s6  }
0xa: {  	vm0 =	vmmov $0xff;
	vm1 =	vcmask $0x3F20;
	[sflag:s9] =	ssyncpa.u1 $0x0;
	s10 =	smov.u32 s6;
	s9 =	simm.s32 $0x0  }
.LBB2_9:
0xb: {  	p1 =	slt.u32 s9, $0x2;
	s11 =	sadd.s32 $0x20, s10  }
0xc: {  	s13 =	smov.u32 s6;
	s9 =	sadd.s32 $0x1, s9;
	p2 =	slt.s32 s11, s8  }
0xd: {  	s13 =	smov.u32 @p2 s11;
	p2 =	sne.s32 s9, $0x4  }
.Ltmp1:
0xe: {  	_ = 	snop;
	(pc) =	sbr.rel @!p2 .LBB2_10-.Ltmp1, $4  }
0xf: {  	s12 =	simm.s32 @!p1 $0x3  }
0x10: {  	_ =	swait.ge @!p1 [sflag:s12], $0x8000  }
0x11: {  	p0 =	por !p0, !p0;
	[sflag:s12] =	ssyncset.done @!p1 $0x0  }
0x12: {  	s11 =	smov.u32 s10;
	s10 =	smov.u32 s13;
	[sflag:s12] =	ssyncadd.s32 @!p1 $0xFFFF8000  }
.LBB2_1:
0x13: {  	p1 =	sgt.u32 s9, $0x1  }
0x14: {  	s12 =	sshll.u32 @!p1 s9, $0x5;
	s13 =	sshrl.u32 @!p1 s10, $0x3  }
0x15: {  	s14 =	sand.u32 @!p1 $0x7, s10;
	s12 =	sxor.u32 @!p1 $0x20, s12;
	s13 =	sadd.s32 @!p1 s7, s13  }
0x16: {  	[tilespmem:s12], [sflag:$0x2] =	stream.linear.gather @!p1 [hbm4b:s13+s14], $0x20, $0x38;
	[tilespmem:$0x10040] =	vst v63  }
0x17: {  	p1 =	seq.s32 s9, $0x0  }
0x18: {  	p2 =	seq.s32 @!p1 s9, $0x3  }
0x19: {  	p1 =	por p1, p2  }
.Ltmp2:
0x1a: {  	_ = 	snop;
	(pc) =	sbr.rel @p1 .LBB2_9-.Ltmp2, $1  }
0x1b: {  	_ =	sdelay $0x3  }
0x1c: {  	s12 =	simm.s32 $0x1  }
0x1d: {  	_ =	swait.ge [sflag:s5], $0x20;
	s13 =	sand.u32 $0x1, s9;
	s12 =	simm.s32 @!p0 $0x0  }
0x1e: {  	s15 =	simm.s32 $0x0;
	p2 =	por $0x1, $0x1;
	s12 =	sshll.u32 s12, $0x11  }
0x1f: {  	[sflag:s5] =	ssyncset.done $0x0;
	s13 =	sshll.u32 s13, $0x5;
	s14 =	sshrl.u32 s12, $0x2  }
0x20: {  	[sflag:s5] =	ssyncadd.s32 $0xFFFFFFE0;
	s12 =	sor.u32 $0x40, s14;
	s14 =	sadd.s32 $0x40, s14  }
.LBB2_3:
0x21: {  	s16 =	sshll.u32 s15, $0x4  }
0x22: {  	s16 =	sand.u32 $0x3FFFFFF0, s16  }
0x23: {  	s16 =	sadd.s32 s16, s13  }
0x24: {  	v0 =	vld.msk [tilespmem:s16+$0x0 ss:$0x1], $0xffff;
	_ =	sdelay $0x4  }
0x25: {  	vm2 =	vgt.s32 v0, $0x0  }
0x26: {  	v0 =	vnsel vm2, $0x0, v0  }
0x27: {  	v0 =	vmin.u32 v0, $0x7FF  }
0x28: {  	v1 =	vshll.u32 v0, $0x7;
	v0 =	vshll.u32 v0, $0x4  }
0x29: {  	v1 =	vand.u32 $0x3FC00, v1;
	v0 =	vand.u32 $0x70, v0  }
0x2a: {  	v0 =	vor.u32 v0, v1  }
0x2b: {  	s31 =	sshll.u32 s15, $0x10  }
0x2c: {  	s15 =	sshra.s32 s31, $0x2  }
0x2d: {  	s15 =	sadd.s32 s15, s14  }
0x2e: {  	s17 =	sadd.s32 $0x0, s15  }
0x2f: {  	[tilespmem:s17], [sflag:$0x1] =	stream.indirect_vreg.gather [hbm:s3], $0x80, v0, vm0, $0x38;
	[tilespmem:$0x10040] =	vst v63  }
0x30: {  	p1 =	por p2, p2;
	s16 =	simm.s32 $0x1000;
	v1 =	vadd.s32 $0x80, v0;
	s17 =	sadd.s32 $0x2000, s17  }
.LBB2_4:
0x31: {  	[tilespmem:s17], [sflag:$0x1] =	stream.indirect_vreg.gather [hbm:s3], $0x80, v0, vm1, $0x38;
	[tilespmem:$0x10040] =	vst v63  }
0x32: {  	v0 =	vmov v1;
	s17 =	smov.u32 s16;
	p2 =	sne.s32 s16, $0x7000  }
.Ltmp3:
0x33: {  	s16 =	sadd.s32 $0x1000, s16;
	(pc) =	sbr.rel @p2 .LBB2_4-.Ltmp3, $4  }
0x34: {  	s17 =	sshra.s32 s17, $0x2  }
0x35: {  	s17 =	sadd.s32 s17, s15  }
0x36: {  	[tilespmem:s17], [sflag:$0x1] =	stream.indirect_vreg.gather [hbm:s3], $0x80, v1, vm0, $0x38;
	[tilespmem:$0x10040] =	vst v63  }
0x37: {  	s17 =	sadd.s32 $0x2000, s17;
	v1 =	vadd.s32 $0x80, v1  }
0x38: {  	_ = 	snop  }
.Ltmp4:
0x39: {  	_ = 	snop;
	(pc) =	sbr.rel @p1 .LBB2_3-.Ltmp4, $3  }
0x3a: {  	_ =	sdelay $0x1  }
0x3b: {  	[tilespmem:s17], [sflag:$0x1] =	stream.indirect_vreg.gather [hbm:s3], $0x80, v0, vm1, $0x38;
	[tilespmem:$0x10040] =	vst v63  }
0x3c: {  	s15 =	simm.s32 $0x1;
	p2 =	por $0x0, $0x0  }
0x3d: {  	s13 =	sshll.u32 s11, $0x7  }
0x3e: {  	s31 =	sshll.u32 s11, $0x4;
	s13 =	sand.u32 $0xFFFFFC00, s13  }
0x3f: {  	_ =	swait.ge [sflag:s4], $0x8000;
	s11 =	sand.u32 $0x70, s31;
	s13 =	sadd.s32 s13, s2  }
0x40: {  	s14 =	sadd.s32 $0x2000, s12;
	[sflag:s4] =	ssyncset.done $0x0;
	s11 =	sadd.s32 s11, s13  }
0x41: {  	[sflag:s4] =	ssyncadd.s32 $0xFFFF8000;
	s13 =	simm.s32 $0x400;
	s15 =	sadd.s32 $0x0, s11  }
.LBB2_7:
0x42: {  	[hbm:s15] =	stream.linear.scatter [tilespmem:s12], [sflag:$0x3], $0x2000, $0x38;
	[tilespmem:$0x10040] =	vst v63  }
0x43: {  	s15 =	smov.u32 s13;
	s12 =	smov.u32 s14;
	p1 =	sne.s32 s13, $0xC00  }
.Ltmp5:
0x44: {  	s13 =	sadd.s32 $0x400, s13;
	(pc) =	sbr.rel @p1 .LBB2_7-.Ltmp5, $2  }
0x45: {  	_ =	sdelay $0x2  }
0x46: {  	s14 =	sadd.s32 $0x2000, s14;
	s15 =	sadd.s32 s15, s11  }
.Ltmp6:
0x47: {  	(pc) =	sbr.rel .LBB2_9-.Ltmp6, $2  }
0x48: {  	_ =	sdelay $0x2  }
0x49: {  	[hbm:s15] =	stream.linear.scatter [tilespmem:s12], [sflag:$0x3], $0x2000, $0x38;
	[tilespmem:$0x10040] =	vst v63  }
.LBB2_10:
0x4a: {  	_ =	sfence.sel $0x180000  }
0x4b: {  	s2 =	simm.s32 $0x2;
	[bflag:$0x0] =	sbarrier.arrive $0xFFFF  }
0x4c: {  	s30 =	simm.s32 $0x3;
	[sflag:s2] =	ssyncpa.u1 $0x1  }
0x4d: {  	s31 =	simm.s32 $0x1;
	[sflag:s30] =	ssyncpa.u1 $0x1  }
0x4e: {  	[sflag:s31] =	ssyncpa.u1 $0x1  }
0x4f: {  	p0 =	sne.s32 s1, $0x0;
	_ =	strace $0x90000050  }
0x50: {  	s0 =	sadd.s32 @!p0 $0x100000, s0;
	[bflag:$0x2] =	sbarrier.arrive $0xFFFF  }
0x51: {  	[sflag:s0] =	ssyncadd.tile.s32 @!p0 $0x1;
	_ =	shalt  }
.Lfunc_end2:
_tile_overlayer_lowered:
.L_overlay_start_2:
0x52: {  	(tag) =	ssettag $0x2  }
0x53: {  	s0 =	rddreg [dreg:$0x0];
	s2 =	stileid.u32  }
0x54: {  	s1 =	rddreg [dreg:$0x1];
	p0 =	sne.s32 s2, $0x0  }
0x55: {  	s3 =	rddreg [dreg:$0x2];
	[bflag:$0x3] =	sbarrier.arrive $0xFFFF;
	s2 =	simm.s32 @!p0 $0x1C01  }
0x56: {  	[timem:s3], [sflag:s2] =	dma.local @!p0 [hbm:s0], s1  }
0x57: {  	s0 =	simm.s32 @!p0 $0x1  }
0x58: {  	_ =	swait.ge @!p0 [sflag:s0], s1  }
0x59: {  	s1 =	ssub.s32 @!p0 $0x0, s1;
	[sflag:s0] =	ssyncset.done @!p0 $0x0  }
0x5a: {  	[sflag:s0] =	ssyncadd.s32 @!p0 s1  }
0x5b: {  	[bflag:$0x3] =	sbarrier.arrive $0xFFFF  }
0x5c: {  	_ =	shalt  }

// kernel: gather_offload_async_start
scs
__scs_entry_jumppad:
0x0: {  	(pc) =	sbr.rel $0x88, $3  }
0x1: {  	(tag) =	ssettag $0x0;
	lr =	simm.s32 $0x1  }
0x2: {  	[smem:$0x3F9B] =	sst lr;
	_ =	strace $0xD0000000  }
0x3: {  	_ = 	snop  }
0x4: {  	_ = 	snop  }
0x5: {  	_ = 	snop  }
0x6: {  	_ = 	snop  }
0x7: {  	_ = 	snop  }
__scs_overlays_trampoline_lowered:
0x8: {  	[smem:$0x3FAA] =	sst s0  }
0x9: {  	[smem:$0x3FAB] =	sst s1  }
0xa: {  	[smem:$0x3FAC] =	sst s2  }
0xb: {  	[smem:$0x3FAD] =	sst s3  }
0xc: {  	[smem:$0x3FAE] =	sst s4  }
0xd: {  	[smem:$0x3FAF] =	sst s5  }
0xe: {  	[smem:$0x3FB0] =	sst s6  }
0xf: {  	[smem:$0x3FB1] =	sst s7  }
0x10: {  	[smem:$0x3FB2] =	sst s8  }
0x11: {  	[smem:$0x3FB3] =	sst s9;
	s0 =	simm.s32 @!p0 $0x0  }
0x12: {  	s1 =	sld [smem:$0x3F99];
	s0 =	simm.s32 @p0 $0x1  }
0x13: {  	[smem:$0x3FB4] =	sst s0;
	s0 =	simm.s32 @!p1 $0x0  }
0x14: {  	s2 =	sld [smem:$0x3F98];
	s0 =	simm.s32 @p1 $0x1  }
0x15: {  	[smem:$0x3FB5] =	sst s0;
	s0 =	simm.s32 @!p2 $0x0  }
0x16: {  	s3 =	sld [smem:$0x3FDB];
	s0 =	simm.s32 @p2 $0x1  }
0x17: {  	s4 =	simm.s32 $0x1BF5;
	[smem:$0x3FB7] =	sst s0  }
0x18: {  	s0 =	sld [smem:$0x3F9A];
	_ =	swait.ge [sflag:s4], $0x0  }
0x19: {  	s7 =	sld [smem:$0x3F9B]  }
0x1a: {  	s8 =	sadd.s32 $0xFFFFE003, lr  }
0x1b: {  	s9 =	sadd.s32 $0xFFFFFEF7, lr;
	s5 =	simm.s32 $0xFFFFFFFF;
	p2 =	slt.u32 s8, $0xFFFFF086  }
0x1c: {  	p1 =	slt.u32 s9, $0xF7A;
	s5 =	simm.s32 @!p2 $0x0  }
0x1d: {  	s5 =	simm.s32 @p1 $0x1;
	p0 =	seq.s32 s7, s2  }
0x1e: {  	s7 =	smul.u32 @!p0 $0xF7A, s2;
	p2 =	seq.s32 @!p0 s5, $0x0  }
0x1f: {  	s9 =	smul.u32 $0xF7A, s1;
	s8 =	simm.s32 @!p0 $0x1BF5;
	p2 =	por !p2, p0  }
0x20: {  	[sflag:s8] =	ssyncset.s32 @!p0 $0xFFFFF086;
	s6 =	sadd.s32 @!p0 s3, s7;
	s7 =	simm.s32 @!p0 $0x108  }
0x21: {  	s3 =	sadd.s32 s3, s9;
	s6 =	sadd.s32 @!p0 $0x88, s6;
	s7 =	simm.s32 @p2 $0x1082  }
0x22: {  	[simem:s7], [sflag:s8] =	dma.local @!p0 [hbm:s6], $0xF7A  }
0x23: {  	s9 =	sor.u32 $0xD0000000, s2;
	s6 =	simm.s32 $0x108;
	_ =	swait.ge @!p0 [sflag:s8], $0x0  }
0x24: {  	s3 =	sadd.s32 $0x88, s3;
	s6 =	simm.s32 @!p1 $0x1082;
	[sflag:s4] =	ssyncset.s32 $0xFFFFF086  }
0x25: {  	[simem:s6], [sflag:s4] =	dma.local [hbm:s3], $0xF7A  }
0x26: {  	[smem:$0x3F9B] =	sst s1;
	(tag) =	ssettag s2;
	_ =	strace s9  }
0x27: {  	s1 =	sld [smem:$0x3FAB]  }
0x28: {  	s2 =	sld [smem:$0x3FAC]  }
0x29: {  	s4 =	sld [smem:$0x3FAE]  }
0x2a: {  	p0 =	seq.s32 s5, $0x0;
	s5 =	sld [smem:$0x3FAF]  }
0x2b: {  	s6 =	sld [smem:$0x3FB0]  }
0x2c: {  	s7 =	sld [smem:$0x3FB1]  }
0x2d: {  	s3 =	simm.s32 $0x108;
	s8 =	sld [smem:$0x3FB2]  }
0x2e: {  	s3 =	simm.s32 @!p0 $0x1082;
	s9 =	sld [smem:$0x3FB3]  }
0x2f: {  	lr =	sadd.s32 s0, s3;
	s0 =	sld [smem:$0x3FAA]  }
0x30: {  	s3 =	sld [smem:$0x3FAD]  }
0x31: {  	[smem:$0x3FB6] =	sst s10  }
0x32: {  	s10 =	sld [smem:$0x3FB4];
	_ =	sdelay $0x3  }
0x33: {  	p0 =	seq.s32 s10, $0x1;
	s10 =	sld [smem:$0x3FB6];
	_ =	sdelay $0x3  }
0x34: {  	[smem:$0x3FB6] =	sst s10  }
0x35: {  	s10 =	sld [smem:$0x3FB5];
	_ =	sdelay $0x3  }
0x36: {  	p1 =	seq.s32 s10, $0x1;
	s10 =	sld [smem:$0x3FB6];
	_ =	sdelay $0x3  }
0x37: {  	[smem:$0x3FB6] =	sst s10  }
0x38: {  	s10 =	sld [smem:$0x3FB7]  }
0x39: {  	_ = 	snop;
	(pc) =	sbr.ind lr, $3  }
0x3a: {  	_ = 	snop  }
0x3b: {  	_ = 	snop  }
0x3c: {  	p2 =	seq.s32 s10, $0x1;
	s10 =	sld [smem:$0x3FB6]  }
0x3d: {  	_ =	shalt  }
0x3e: {  	_ =	shalt  }
0x3f: {  	_ =	shalt  }
0x40: {  	_ =	shalt  }
0x41: {  	_ =	shalt  }
0x42: {  	_ =	shalt  }
0x43: {  	_ =	shalt  }
0x44: {  	_ =	shalt  }
0x45: {  	_ =	shalt  }
0x46: {  	_ =	shalt  }
0x47: {  	_ =	shalt  }
0x48: {  	_ =	shalt  }
0x49: {  	_ =	shalt  }
0x4a: {  	_ =	shalt  }
0x4b: {  	_ =	shalt  }
0x4c: {  	_ =	shalt  }
0x4d: {  	_ =	shalt  }
0x4e: {  	_ =	shalt  }
0x4f: {  	_ =	shalt  }
0x50: {  	_ =	shalt  }
0x51: {  	_ =	shalt  }
0x52: {  	_ =	shalt  }
0x53: {  	_ =	shalt  }
0x54: {  	_ =	shalt  }
0x55: {  	_ =	shalt  }
0x56: {  	_ =	shalt  }
0x57: {  	_ =	shalt  }
0x58: {  	_ =	shalt  }
0x59: {  	_ =	shalt  }
0x5a: {  	_ =	shalt  }
0x5b: {  	_ =	shalt  }
0x5c: {  	_ =	shalt  }
0x5d: {  	_ =	shalt  }
0x5e: {  	_ =	shalt  }
0x5f: {  	_ =	shalt  }
0x60: {  	_ =	shalt  }
0x61: {  	_ =	shalt  }
0x62: {  	_ =	shalt  }
0x63: {  	_ =	shalt  }
0x64: {  	_ =	shalt  }
0x65: {  	_ =	shalt  }
0x66: {  	_ =	shalt  }
0x67: {  	_ =	shalt  }
0x68: {  	_ =	shalt  }
0x69: {  	_ =	shalt  }
0x6a: {  	_ =	shalt  }
0x6b: {  	_ =	shalt  }
0x6c: {  	_ =	shalt  }
0x6d: {  	_ =	shalt  }
0x6e: {  	_ =	shalt  }
0x6f: {  	_ =	shalt  }
0x70: {  	_ =	shalt  }
0x71: {  	_ =	shalt  }
0x72: {  	_ =	shalt  }
0x73: {  	_ =	shalt  }
0x74: {  	_ =	shalt  }
0x75: {  	_ =	shalt  }
0x76: {  	_ =	shalt  }
0x77: {  	_ =	shalt  }
0x78: {  	_ =	shalt  }
0x79: {  	_ =	shalt  }
0x7a: {  	_ =	shalt  }
0x7b: {  	_ =	shalt  }
0x7c: {  	_ =	shalt  }
0x7d: {  	_ =	shalt  }
0x7e: {  	_ =	shalt  }
0x7f: {  	_ =	shalt  }
0x80: {  	_ =	shalt  }
0x81: {  	_ =	shalt  }
0x82: {  	_ =	shalt  }
0x83: {  	_ =	shalt  }
0x84: {  	_ =	shalt  }
0x85: {  	_ =	shalt  }
0x86: {  	_ =	shalt  }
0x87: {  	_ =	shalt  }
.Lfunc_end0:
.L_simem_size_0:
called_computation_lowered:
.L_overlay_start_0:
0x88: {  	s2 =	sld [smem:$0x3FD9]  }
0x89: {  	s3 =	sld [smem:$0x3FFE];
	_ =	sdelay $0x1  }
0x8a: {  	s1 =	srdreg.scid  }
0x8b: {  	s0 =	sand.u32 $0x1, s1  }
0x8c: {  	s16 =	sshll.u32 s0, $0xA;
	s2 =	sadd.s32 s3, s2  }
0x8d: {  	s2 =	sadd.s32 s2, s16  }
0x8e: {  	[smem:$0x3FC2] =	sst s2  }
0x8f: {  	_ = 	snop  }
0x90: {  	(tm) =	ssettm $0x1  }
0x91: {  	s17 =	sld [smem:$0x3FFB];
	_ =	sdelay $0x3  }
0x92: {  	_ =	strace s17  }
0x93: {  	s2 =	sld [smem:$0x3FFC];
	_ =	sdelay $0x3  }
0x94: {  	_ =	strace s2  }
0x95: {  	s2 =	sld [smem:$0x3FFD];
	_ =	sdelay $0x3  }
0x96: {  	_ =	strace s2  }
0x97: {  	_ =	strace $0x8FFFFFFF  }
0x98: {  	s18 =	sld [smem:$0x3FDB];
	_ =	sdelay $0x1  }
0x99: {  	s19 =	simm.s32 $_scs_section_size  }
0x9a: {  	s4 =	simm.s32 $_size__tile_overlayer_lowered;
	s5 =	simm.s32 $_tile_overlayer_lowered  }
0x9b: {  	s22 =	simm.s32 $0x1BFF;
	s21 =	sshll.u32 s5, $0x1;
	s2 =	sadd.s32 s19, s18  }
0x9c: {  	s6 =	simm.s32 $0x0;
	s20 =	sshll.u32 s4, $0x1;
	s4 =	sadd.s32 s21, s2  }
0x9d: {  	[timem:s6], [sflag:s22] =	dma.local [hbm:s4], s20  }
0x9e: {  	_ =	swait.ge [sflag:s22], s20  }
0x9f: {  	s3 =	ssub.s32 $0x0, s20;
	[sflag:s22] =	ssyncset.done $0x0  }
0xa0: {  	[sflag:s22] =	ssyncadd.s32 s3;
	_ =	sdelay $0x1  }
0xa1: {  	s23 =	simm.s32 $0x1B8B  }
0xa2: {  	_ =	swait.ge [sflag:s23], $0x1  }
0xa3: {  	[sflag:s23] =	ssyncset.done $0x0  }
0xa4: {  	s25 =	simm.s32 $0x1B8E;
	s24 =	sld [smem:$0x3FFE];
	[sflag:s23] =	ssyncadd.s32 $0xFFFFFFFF  }
0xa5: {  	s26 =	simm.s32 $execute0_lowered;
	[smem:$0x3FD2] =	sst s25  }
0xa6: {  	s4 =	sshll.u32 s26, $0x1;
	_ =	strace $0x80000046;
	[dreg:$0x1] =	wrdreg $0xFFFFFFFF  }
0xa7: {  	s28 =	simm.s32 $_size_execute0_lowered;
	s2 =	sadd.s32 s2, s4;
	[dreg:$0x0] =	wrdreg $0x0  }
0xa8: {  	s4 =	sshll.u32 s28, $0x1;
	[dreg:$0x2] =	wrdreg s2  }
0xa9: {  	[dreg:$0x3] =	wrdreg s4  }
0xaa: {  	[dreg:$0x4] =	wrdreg $0xC0  }
0xab: {  	_ =	task [dreg:s6], $0x5FFFF  }
0xac: {  	[dreg:$0x1] =	wrdreg $0xFFFFFFFF  }
0xad: {  	[dreg:$0x0] =	wrdreg $0x60  }
0xae: {  	[dreg:$0x2] =	wrdreg s24  }
0xaf: {  	[dreg:$0x3] =	wrdreg $0xA  }
0xb0: {  	_ =	task.clear_ibuf [dreg:s6], $0x4FFFF;
	_ =	strace $0x90000046  }
0xb1: {  	s29 =	simm.s32 $0xA;
	_ =	strace $0x80000048  }
0xb2: {  	_ =	swait.ge [sflag:s29], $0x1  }
0xb3: {  	[sflag:s29] =	ssyncadd.s32 $0xFFFFFFFF  }
0xb4: {  	_ =	strace $0x90000048  }
0xb5: {  	_ =	sfence  }
0xb6: {  	s30 =	sld [smem:$0x0];
	_ =	sdelay $0x2  }
0xb7: {  	s31 =	sshll.u32 s1, $0xD;
	s1 =	sshrl.u32 s1, $0x2  }
0xb8: {  	s3 =	sand.u32 $0x4000, s31;
	s1 =	sadd.s32 s1, s30  }
0xb9: {  	s0 =	sor.u32 s3, s0;
	s1 =	sshll.u32 s1, $0x11  }
0xba: {  	s0 =	sor.u32 s1, s0  }
0xbb: {  	s0 =	sadd.s32 $0x8F2B, s0  }
0xbc: {  	[sflag:s0] =	ssyncadd.remote.s32 $0x1  }
0xbd: {  	_ =	sfence.sel $0xFFFF  }
0xbe: {  	[dreg:$0x0] =	wrdreg $0xFFFFFFFF;
	(pc) =	sbr.abs _section_cstart, $3  }
0xbf: {  	[dreg:$0x1] =	wrdreg $0xFFFFFFFF  }
0xc0: {  	_ =	task.clear_ibuf [dreg:s6], $0x2FFFF;
	_ =	strace $0x9FFFFFFF  }
0xc1: {  	(tm) =	ssettm $0x7FFFFFFF  }
tec
execute0_lowered:
.L_overlay_start_1:
0x0: {  	(tag) =	ssettag $0x1  }
0x1: {  	s7 =	rddreg [dreg:$0x0]  }
0x2: {  	s0 =	rddreg [dreg:$0x1];
	_ =	strace $0x80000047  }
0x3: {  	s1 =	srdreg.scid;
	s4 =	simm.s32 $0x1;
	s9 =	simm.s32 $0x3  }
0x4: {  	s12 =	simm.s32 $0x0;
	s10 =	simm.s32 $0x0;
	s5 =	sshll.u32 s1, $0x4  }
.Ltmp0:
0x5: {  	s1 =	stileid.u32;
	s5 =	sand.u32 $0x10, s5;
	(pc) =	sbr.rel .LBB2_1-.Ltmp0, $4  }
0x6: {  	s2 =	sadd.s32 $0x2E00, s7;
	s3 =	sadd.s32 $0x2C00, s7;
	s6 =	sor.u32 s1, s5  }
0x7: {  	[sflag:s4] =	ssyncpa.u1 $0x0;
	s5 =	simm.s32 $0x2;
	s6 =	sshll.u32 s6, $0x6  }
0x8: {  	s7 =	sadd.s32 $0xAE00, s7;
	[sflag:s5] =	ssyncpa.u1 $0x0;
	s8 =	sadd.s32 $0x40, s6  }
0x9: {  	vm0 =	vmmov $0xff;
	vm1 =	vcmask $0x3F20;
	[sflag:s9] =	ssyncpa.u1 $0x0;
	s9 =	simm.s32 $0x40;
	s11 =	smov.u32 s6  }
.LBB2_9:
0xa: {  	p0 =	seq.s32 s10, $0x2  }
.Ltmp1:
0xb: {  	_ = 	snop;
	(pc) =	sbr.rel @p0 .LBB2_11-.Ltmp1, $1  }
0xc: {  	_ =	sdelay $0x3  }
.LBB2_10:
0xd: {  	s12 =	sadd.s32 $0x40, s11  }
0xe: {  	s13 =	smov.u32 s6;
	p0 =	slt.s32 s12, s8  }
0xf: {  	s13 =	smov.u32 @p0 s12  }
0x10: {  	s10 =	sadd.s32 $0x1, s10;
	s12 =	smov.u32 s11;
	s11 =	smov.u32 s13  }
.LBB2_1:
0x11: {  	p0 =	sne.s32 s10, $0x0  }
.Ltmp2:
0x12: {  	_ = 	snop;
	(pc) =	sbr.rel @!p0 .LBB2_2-.Ltmp2, $1  }
0x13: {  	_ =	sdelay $0x3  }
0x14: {  	s13 =	sand.u32 $0x1, s10  }
0x15: {  	p0 =	seq.s32 s13, $0x0  }
.Ltmp3:
0x16: {  	_ = 	snop;
	(pc) =	sbr.rel @p0 .LBB2_9-.Ltmp3, $1  }
0x17: {  	_ =	sdelay $0x3  }
0x18: {  	_ =	swait.ge [sflag:s5], $0x40  }
0x19: {  	[sflag:s5] =	ssyncset.done $0x0  }
0x1a: {  	s13 =	simm.s32 $0x0;
	[sflag:s5] =	ssyncadd.s32 $0xFFFFFFC0  }
0x1b: {  	v0 =	vld.msk [tilespmem:s13+$0x40 ss:$0x1], $0xffff;
	_ =	sdelay $0x4  }
0x1c: {  	vm2 =	vgt.s32 v0, $0x0  }
0x1d: {  	v0 =	vnsel vm2, $0x0, v0  }
0x1e: {  	v0 =	vmin.u32 v0, $0x7FF  }
0x1f: {  	v0 =	vshll.u32 v0, $0x4;
	_ =	sdelay $0x3  }
0x20: {  	s13 =	simm.s32 $0x2080  }
0x21: {  	[tilespmem:s13], [sflag:$0x1] =	stream.indirect_vreg.gather [hbm:s2], $0x80, v0, vm0, $0x38;
	[tilespmem:$0x4080] =	vst v63  }
0x22: {  	s14 =	simm.s32 $0x2480;
	s31 =	simm.s32 $0x10  }
0x23: {  	[tilespmem:s14], [sflag:$0x1] =	stream.indirect_vreg.gather [hbm:s2], $0x80, v0, vm1, $0x38;
	[tilespmem:$0x4080] =	vst v63  }
0x24: {  	s14 =	simm.s32 $0x80;
	v0 =	vld.msk [tilespmem:s31+$0x40 ss:$0x1], $0xffff  }
.LBB2_5:
0x25: {  	p0 =	sne.s32 s14, $0xC0;
	_ =	sdelay $0x4  }
0x26: {  	vm2 =	vgt.s32 v0, $0x0  }
0x27: {  	v0 =	vnsel vm2, $0x0, v0  }
0x28: {  	v0 =	vmin.u32 v0, $0x7FF  }
0x29: {  	v0 =	vshll.u32 v0, $0x4;
	_ =	sdelay $0x3  }
.Ltmp4:
0x2a: {  	s13 =	sadd.s32 $0x800, s13;
	(pc) =	sbr.rel @p0 .LBB2_5-.Ltmp4, $4  }
0x2b: {  	[tilespmem:s13], [sflag:$0x1] =	stream.indirect_vreg.gather [hbm:s2], $0x80, v0, vm0, $0x38;
	[tilespmem:$0x4080] =	vst v63  }
0x2c: {  	s15 =	sshra.s32 s14, $0x2;
	s16 =	sadd.s32 $0x400, s13  }
0x2d: {  	[tilespmem:s16], [sflag:$0x1] =	stream.indirect_vreg.gather [hbm:s2], $0x80, v0, vm1, $0x38;
	[tilespmem:$0x4080] =	vst v63  }
0x2e: {  	s14 =	sadd.s32 $0x40, s14;
	v0 =	vld.msk [tilespmem:s15+$0x40 ss:$0x1], $0xffff  }
0x2f: {  	_ =	sdelay $0x3  }
0x30: {  	vm2 =	vgt.s32 v0, $0x0  }
0x31: {  	v0 =	vnsel vm2, $0x0, v0  }
0x32: {  	v0 =	vmin.u32 v0, $0x7FF  }
0x33: {  	v0 =	vshll.u32 v0, $0x4;
	_ =	sdelay $0x3  }
0x34: {  	s13 =	sadd.s32 $0x800, s13  }
0x35: {  	[tilespmem:s13], [sflag:$0x1] =	stream.indirect_vreg.gather [hbm:s2], $0x80, v0, vm0, $0x38;
	[tilespmem:$0x4080] =	vst v63  }
0x36: {  	s13 =	sadd.s32 $0x400, s13  }
0x37: {  	[tilespmem:s13], [sflag:$0x1] =	stream.indirect_vreg.gather [hbm:s2], $0x80, v0, vm1, $0x38;
	[tilespmem:$0x4080] =	vst v63  }
0x38: {  	s12 =	sshll.u32 s12, $0x4;
	s14 =	simm.s32 $0x80;
	_ =	swait.ge [sflag:s4], $0x2000  }
0x39: {  	s15 =	simm.s32 $0x2480;
	s12 =	sadd.s32 s12, s7;
	[sflag:s4] =	ssyncset.done $0x0  }
0x3a: {  	s16 =	sadd.s32 $0x0, s12;
	s13 =	simm.s32 $0x2080;
	[sflag:s4] =	ssyncadd.s32 $0xFFFFE000  }
.LBB2_7:
0x3b: {  	[hbm:s16] =	stream.linear.scatter [tilespmem:s13], [sflag:$0x3], $0x400, $0x38;
	[tilespmem:$0x4080] =	vst v63  }
0x3c: {  	s16 =	smov.u32 s14;
	s13 =	smov.u32 s15;
	p0 =	sne.s32 s14, $0x380  }
.Ltmp5:
0x3d: {  	s14 =	sadd.s32 $0x80, s14;
	(pc) =	sbr.rel @p0 .LBB2_7-.Ltmp5, $2  }
0x3e: {  	_ =	sdelay $0x2  }
0x3f: {  	s15 =	sadd.s32 $0x400, s15;
	s16 =	sadd.s32 s16, s12  }
.Ltmp6:
0x40: {  	(pc) =	sbr.rel .LBB2_9-.Ltmp6, $2  }
0x41: {  	_ =	sdelay $0x2  }
0x42: {  	[hbm:s16] =	stream.linear.scatter [tilespmem:s13], [sflag:$0x3], $0x400, $0x38;
	[tilespmem:$0x4080] =	vst v63  }
.LBB2_2:
.Ltmp7:
0x43: {  	(pc) =	sbr.rel .LBB2_10-.Ltmp7, $4  }
0x44: {  	_ = 	snop  }
0x45: {  	s12 =	sshrl.u32 s11, $0x3  }
0x46: {  	s13 =	sand.u32 $0x7, s11;
	s12 =	sadd.s32 s3, s12  }
0x47: {  	[tilespmem:s9], [sflag:$0x2] =	stream.linear.gather [hbm4b:s12+s13], $0x40, $0x38;
	[tilespmem:$0x4080] =	vst v63  }
.LBB2_11:
0x48: {  	s2 =	simm.s32 $0x3  }
0x49: {  	_ =	swait.ge [sflag:s2], $0x2000  }
0x4a: {  	[sflag:s2] =	ssyncset.done $0x0  }
0x4b: {  	[sflag:s2] =	ssyncadd.s32 $0xFFFFE000  }
0x4c: {  	_ =	sfence.sel $0x180000  }
0x4d: {  	s3 =	simm.s32 $0x2;
	[bflag:$0x0] =	sbarrier.arrive $0xFFFF  }
0x4e: {  	[sflag:s3] =	ssyncpa.u1 $0x1  }
0x4f: {  	s31 =	simm.s32 $0x1;
	[sflag:s2] =	ssyncpa.u1 $0x1  }
0x50: {  	[sflag:s31] =	ssyncpa.u1 $0x1  }
0x51: {  	p0 =	sne.s32 s1, $0x0;
	_ =	strace $0x90000047  }
0x52: {  	s0 =	sadd.s32 @!p0 $0x100000, s0;
	[bflag:$0x2] =	sbarrier.arrive $0xFFFF  }
0x53: {  	[sflag:s0] =	ssyncadd.tile.s32 @!p0 $0x1;
	_ =	shalt  }
.Lfunc_end2:
_tile_overlayer_lowered:
.L_overlay_start_2:
0x54: {  	(tag) =	ssettag $0x2  }
0x55: {  	s0 =	rddreg [dreg:$0x0];
	s2 =	stileid.u32  }
0x56: {  	s1 =	rddreg [dreg:$0x1];
	p0 =	sne.s32 s2, $0x0  }
0x57: {  	s3 =	rddreg [dreg:$0x2];
	[bflag:$0x3] =	sbarrier.arrive $0xFFFF;
	s2 =	simm.s32 @!p0 $0x1C01  }
0x58: {  	[timem:s3], [sflag:s2] =	dma.local @!p0 [hbm:s0], s1  }
0x59: {  	s0 =	simm.s32 @!p0 $0x1  }
0x5a: {  	_ =	swait.ge @!p0 [sflag:s0], s1  }
0x5b: {  	s1 =	ssub.s32 @!p0 $0x0, s1;
	[sflag:s0] =	ssyncset.done @!p0 $0x0  }
0x5c: {  	[sflag:s0] =	ssyncadd.s32 @!p0 s1  }
0x5d: {  	[bflag:$0x3] =	sbarrier.arrive $0xFFFF  }
0x5e: {  	_ =	shalt  }

</sc_bundles>
